<compile_context>
chip_gen: v7x
topology: tpu7x:2x2x1
jax: 0.10.2.dev20260603
libtpu: 0.0.44.dev20260713+nightly
codegen_flags: <defaults>
</compile_context>

<pallas_src>
import functools

import jax
import jax.numpy as jnp
from jax import lax
from jax.experimental import pallas as pl
from jax.experimental.pallas import tpu as pltpu
from jax.experimental.pallas import tpu_sc as plsc

N_ROWS = 20000
N_SEL = 1001
NC = 1
NS = 16
NW = NC * NS
B = 1024
BPW = B // NW
NQ = BPW // 16
INPUT_SIZE = 640.0

_mesh = plsc.VectorSubcoreMesh(
    core_axis_name="c", subcore_axis_name="s", num_cores=NC)


def _chunk_sizes(total):
    sizes = []
    left = total
    while left > 0:
        sizes.append(min(128, left))
        left -= 128
    return sizes


_BCH = _chunk_sizes(4 * BPW)
_KCH = _chunk_sizes(10 * BPW)


@functools.partial(
    pl.kernel,
    mesh=_mesh,
    out_type=[
        jax.ShapeDtypeStruct((B,), jnp.float32),
        jax.ShapeDtypeStruct((B * 4,), jnp.int32),
        jax.ShapeDtypeStruct((B * 10,), jnp.int32),
    ],
    scratch_types=(
        [
            pltpu.VMEM((BPW,), jnp.int32),
            pltpu.VMEM((32,), jnp.int32),
            pltpu.VMEM((32,), jnp.int32),
            pltpu.VMEM((BPW,), jnp.int32),
            pltpu.VMEM((BPW,), jnp.float32),
        ]
        + [pltpu.VMEM((n,), jnp.int32) for n in _BCH]
        + [pltpu.VMEM((n,), jnp.int32) for n in _KCH]
        + [
            pltpu.VMEM((4 * BPW,), jnp.float32),
            pltpu.VMEM((10 * BPW,), jnp.float32),
            pltpu.VMEM((4 * BPW,), jnp.int32),
            pltpu.VMEM((10 * BPW,), jnp.int32),
            pltpu.SemaphoreType.DMA,
            pltpu.SemaphoreType.DMA,
            pltpu.SemaphoreType.DMA,
            pltpu.SemaphoreType.DMA,
            pltpu.SemaphoreType.DMA,
            pltpu.SemaphoreType.DMA,
        ]
    ),
)
def _postprocess_sc(org_hbm, sel_hbm, s_hbm, b_hbm, k_hbm,
                    out_s, out_b, out_k,
                    pos_v, opat_v, org_g, idx_v, sg, *rest):
    ebs = rest[:len(_BCH)]
    eks = rest[len(_BCH):len(_BCH) + len(_KCH)]
    (bg, kg, bout, kout,
     sem_r, sem_o, sem_s, sem_b, sem_k, sem_w) = rest[len(_BCH) + len(_KCH):]

    wid = lax.axis_index("s") * NC + lax.axis_index("c")
    lane = lax.iota(jnp.int32, 16)

    for k in range(NW):
        @pl.when(wid == k)
        def _store_pos(k=k):
            for q in range(NQ):
                pos_v[pl.ds(16 * q, 16)] = jnp.minimum(
                    lane + (1999 + BPW * k + 16 * q), 2999)
    opat_v[pl.ds(0, 16)] = lane * 0 + 1
    opat_v[pl.ds(16, 16)] = lane * 0

    c_o = pltpu.async_copy(org_hbm.at[opat_v], org_g, sem_o)
    c_r = pltpu.async_copy(sel_hbm.at[pos_v], idx_v, sem_r)
    c_r.wait()

    @pl.when(wid == 0)
    def _patch():
        idx_v[pl.ds(0, 16)] = jnp.where(lane < 1, 0, idx_v[pl.ds(0, 16)])

    c_s = pltpu.async_copy(s_hbm.at[idx_v], sg, sem_s)
    ivs = [idx_v[pl.ds(16 * q, 16)] for q in range(NQ)]

    def store_col_indices(refs, ncols, col_of):
        for c in range(ncols):
            for q in range(NQ):
                flat = c * BPW + 16 * q
                refs[flat // 128][pl.ds(flat % 128, 16)] = (
                    ivs[q] + col_of(c) * N_ROWS)

    store_col_indices(ebs, 4, lambda c: c ^ 1)
    c_bs = [
        pltpu.async_copy(
            b_hbm.at[ebs[i]], bg.at[pl.ds(128 * i, _BCH[i])], sem_b)
        for i in range(len(_BCH))
    ]
    store_col_indices(eks, 10, lambda c: c)
    c_ks = [
        pltpu.async_copy(
            k_hbm.at[eks[i]], kg.at[pl.ds(128 * i, _KCH[i])], sem_k)
        for i in range(len(_KCH))
    ]

    c_o.wait()
    w_vec = org_g[pl.ds(0, 16)].astype(jnp.float32)
    h_vec = org_g[pl.ds(16, 16)].astype(jnp.float32)
    m_vec = jnp.maximum(w_vec, h_vec)

    r0 = wid * BPW
    tile = wid // (128 // BPW)
    rlo = (wid % (128 // BPW)) * BPW
    outs = []

    for c_ in c_bs:
        c_.wait()
    for c in range(4):
        bound = w_vec if c % 2 == 0 else h_vec
        for q in range(NQ):
            g = bg[pl.ds(c * BPW + 16 * q, 16)]
            t = g * m_vec / INPUT_SIZE
            bout[pl.ds(c * BPW + 16 * q, 16)] = (
                jnp.clip(t, 0.0, bound).astype(jnp.int32))
        outs.append(pltpu.async_copy(
            bout.at[pl.ds(c * BPW, BPW)],
            out_b.at[pl.ds(tile * 512 + c * 128 + rlo, BPW)],
            sem_w))

    for c_ in c_ks:
        c_.wait()
    for m in range(10):
        bound = w_vec if m % 2 == 0 else h_vec
        for q in range(NQ):
            g = kg[pl.ds(m * BPW + 16 * q, 16)]
            t = g * m_vec / INPUT_SIZE
            kout[pl.ds(m * BPW + 16 * q, 16)] = (
                jnp.clip(t, 0.0, bound).astype(jnp.int32))
        outs.append(pltpu.async_copy(
            kout.at[pl.ds(m * BPW, BPW)],
            out_k.at[pl.ds((m >> 1) * 2048 + (m & 1) * 128
                           + tile * 256 + rlo, BPW)],
            sem_w))

    c_s.wait()
    outs.append(pltpu.async_copy(sg, out_s.at[pl.ds(r0, BPW)], sem_w))
    for c_ in outs:
        c_.wait()


def kernel(org_size, scores, bboxes, kpss, selected_idx):
    sel_t = jnp.transpose(selected_idx.astype(jnp.int32)).reshape(3000)
    bb_t = jnp.transpose(bboxes, (0, 2, 1)).reshape(4 * N_ROWS)
    kp_t = jnp.transpose(kpss, (1, 2, 0)).reshape(10 * N_ROWS)
    out_s, out_b, out_k = _postprocess_sc(
        org_size.astype(jnp.int32),
        sel_t,
        scores.reshape(N_ROWS),
        bb_t,
        kp_t,
    )
    bb_o = out_b.reshape(8, 4, 128).transpose(0, 2, 1).reshape(B, 4)
    kp_o = out_k.reshape(5, 8, 2, 128).transpose(1, 3, 0, 2).reshape(B, 5, 2)
    return (out_s[:N_SEL], bb_o[:N_SEL], kp_o[:N_SEL])

# --- scband reference (transcript-rebuilt; emitter-appended) ---
"""Pipeline reference for scband-post-process-73349451481162 (READ-ONLY COPY).

The authoritative reference and input builder live on the scoring server;
editing this copy changes nothing except your own understanding.
"""

import jax, jax.numpy as jnp
import numpy as np

INPUT_SIZE = 640

def setup_inputs(seed: int = 0) -> dict:
    key = jax.random.key(seed)
    ks = jax.random.split(key, 5)
    org_size = jax.random.randint(ks[0], (2,), 0, 1920)
    scores = jax.random.uniform(ks[1], (1, 1, 20000), dtype=jnp.float32)
    bboxes = jax.random.uniform(ks[2], (1, 20000, 4), dtype=jnp.float32)
    kpss = jax.random.uniform(ks[3], (20000, 5, 2), dtype=jnp.float32)
    selected_idx = jax.random.randint(ks[4], (1000, 3), 0, 20000)
    return {"org_size": org_size, "scores": scores, "bboxes": bboxes, "kpss": kpss, "selected_idx": selected_idx}

def reference(org_size, scores, bboxes, kpss, selected_idx):
    # bboxes: [1, N, 4] -> reorder xyxy->yxyx style cols, then [N, 1, 4]
    bboxes = bboxes[:, :, jnp.array([1, 0, 3, 2])].transpose(1, 0, 2)
    # scores: [1, 1, N] -> [N, 1, 1]
    scores = jnp.transpose(scores, (2, 0, 1))
    max_size = jnp.where(org_size[0] > org_size[1], org_size[0], org_size[1]).astype(jnp.float32)
    idx = selected_idx[:, 2]
    idx = jnp.concatenate([jnp.zeros((1,), dtype=idx.dtype), idx], axis=0)
    scores = jnp.take(scores, idx, axis=0)
    bboxes = jnp.take(bboxes, idx, axis=0)
    kpss = jnp.take(kpss, idx, axis=0)
    w = org_size[1].astype(jnp.float32)
    h = org_size[0].astype(jnp.float32)
    b02 = jnp.clip(bboxes[:, :, jnp.array([0, 2])] * max_size / INPUT_SIZE, 0.0, w)
    b13 = jnp.clip(bboxes[:, :, jnp.array([1, 3])] * max_size / INPUT_SIZE, 0.0, h)
    bboxes = bboxes.at[:, :, jnp.array([0, 2])].set(b02)
    bboxes = bboxes.at[:, :, jnp.array([1, 3])].set(b13)
    kx = jnp.clip(kpss[:, :, 0] * max_size / INPUT_SIZE, 0.0, w)
    ky = jnp.clip(kpss[:, :, 1] * max_size / INPUT_SIZE, 0.0, h)
    kpss = kpss.at[:, :, 0].set(kx)
    kpss = kpss.at[:, :, 1].set(ky)
    scores = scores.reshape(-1)
    bboxes_i = bboxes.astype(jnp.int32).reshape(-1, 4)
    kpss_i = kpss.astype(jnp.int32)
    return (scores, bboxes_i, kpss_i)

if __name__ == "__main__":
    import jax
    _d = setup_inputs()
    print(jax.jit(kernel)(*tuple(_d.values())))

</pallas_src>

<mosaic_0001>
#map = affine_map<(d0, d1) -> (0)>
module attributes {stable_mosaic.version = 14 : i64} {
  func.func @_postprocess_sc(%arg0: i32, %arg1: i32, %arg2: memref<2xi32, #tpu.memory_space<hbm>>, %arg3: memref<3000xi32, #tpu.memory_space<hbm>>, %arg4: memref<20000xf32, #tpu.memory_space<hbm>>, %arg5: memref<80000xf32, #tpu.memory_space<hbm>>, %arg6: memref<200000xf32, #tpu.memory_space<hbm>>, %arg7: memref<1024xf32, #tpu.memory_space<hbm>>, %arg8: memref<4096xi32, #tpu.memory_space<hbm>>, %arg9: memref<10240xi32, #tpu.memory_space<hbm>>, %arg10: memref<64xi32, #tpu.memory_space<vmem>>, %arg11: memref<32xi32, #tpu.memory_space<vmem>>, %arg12: memref<32xi32, #tpu.memory_space<vmem>>, %arg13: memref<64xi32, #tpu.memory_space<vmem>>, %arg14: memref<64xf32, #tpu.memory_space<vmem>>, %arg15: memref<128xi32, #tpu.memory_space<vmem>>, %arg16: memref<128xi32, #tpu.memory_space<vmem>>, %arg17: memref<128xi32, #tpu.memory_space<vmem>>, %arg18: memref<128xi32, #tpu.memory_space<vmem>>, %arg19: memref<128xi32, #tpu.memory_space<vmem>>, %arg20: memref<128xi32, #tpu.memory_space<vmem>>, %arg21: memref<128xi32, #tpu.memory_space<vmem>>, %arg22: memref<256xf32, #tpu.memory_space<vmem>>, %arg23: memref<640xf32, #tpu.memory_space<vmem>>, %arg24: memref<256xi32, #tpu.memory_space<vmem>>, %arg25: memref<640xi32, #tpu.memory_space<vmem>>, %arg26: memref<!tpu.dma_semaphore, #tpu.memory_space<semaphore_mem>>, %arg27: memref<!tpu.dma_semaphore, #tpu.memory_space<semaphore_mem>>, %arg28: memref<!tpu.dma_semaphore, #tpu.memory_space<semaphore_mem>>, %arg29: memref<!tpu.dma_semaphore, #tpu.memory_space<semaphore_mem>>, %arg30: memref<!tpu.dma_semaphore, #tpu.memory_space<semaphore_mem>>, %arg31: memref<!tpu.dma_semaphore, #tpu.memory_space<semaphore_mem>>) attributes {dimension_semantics = [#tpu.dimension_semantics<core_parallel>, #tpu.dimension_semantics<subcore_parallel>], iteration_bounds = array<i64: 1, 16>, scalar_prefetch = 0 : i64, scratch_operands = 22 : i64, tpu.core_type = #tpu.core_type<sc_vector_subcore>, window_params = [{transform_indices = #map}, {transform_indices = #map}, {transform_indices = #map}, {transform_indices = #map}, {transform_indices = #map}, {transform_indices = #map}, {transform_indices = #map}, {transform_indices = #map}]} {
    %mul3A = arith.constant 1 : i32
    %mul3A_0 = arith.muli %arg1, %mul3A : i32
    %add3A = arith.addi %mul3A_0, %arg0 : i32
    %iota3A = tpu.iota {dimensions = array<i32: 0>} : vector<16xi32>
    %eq3A = arith.constant 0 : i32
    %eq3A_1 = arith.cmpi eq, %add3A, %eq3A : i32
    %convert_element_type3A = arith.extui %eq3A_1 : i1 to i32
    %cond3A = arith.constant 0 : i32
    %cond3A_2 = arith.cmpi ne, %convert_element_type3A, %cond3A : i32
    scf.if %cond3A_2 {
      %add3A_1748 = arith.constant 1999 : i32
      %add3A_1749 = vector.broadcast %add3A_1748 : i32 to vector<16xi32>
      %add3A_1750 = arith.addi %iota3A, %add3A_1749 : vector<16xi32>
      %min3A_1751 = arith.constant 2999 : i32
      %min3A_1752 = vector.broadcast %min3A_1751 : i32 to vector<16xi32>
      %min3A_1753 = arith.minsi %add3A_1750, %min3A_1752 : vector<16xi32>
      %swap3A_1754 = arith.constant 0 : index
      %swap3A_1755 = tpu.vector_load %arg10[%swap3A_1754] {strides = array<i32>} : memref<64xi32, #tpu.memory_space<vmem>>, vector<16xi32>,
      %swap3A_1756 = vector.shape_cast %swap3A_1755 : vector<16xi32> to vector<16xi32>
      %swap3A_1757 = vector.shape_cast %min3A_1753 : vector<16xi32> to vector<16xi32>
      tpu.vector_store %arg10[%swap3A_1754], %swap3A_1757 {strides = array<i32>} : memref<64xi32, #tpu.memory_space<vmem>>, vector<16xi32>,
      %add3A_1758 = arith.constant 2015 : i32
      %add3A_1759 = vector.broadcast %add3A_1758 : i32 to vector<16xi32>
      %add3A_1760 = arith.addi %iota3A, %add3A_1759 : vector<16xi32>
      %min3A_1761 = arith.constant 2999 : i32
      %min3A_1762 = vector.broadcast %min3A_1761 : i32 to vector<16xi32>
      %min3A_1763 = arith.minsi %add3A_1760, %min3A_1762 : vector<16xi32>
      %swap3A_1764 = arith.constant 16 : index
      %swap3A_1765 = tpu.vector_load %arg10[%swap3A_1764] {strides = array<i32>} : memref<64xi32, #tpu.memory_space<vmem>>, vector<16xi32>,
      %swap3A_1766 = vector.shape_cast %swap3A_1765 : vector<16xi32> to vector<16xi32>
      %swap3A_1767 = vector.shape_cast %min3A_1763 : vector<16xi32> to vector<16xi32>
      tpu.vector_store %arg10[%swap3A_1764], %swap3A_1767 {strides = array<i32>} : memref<64xi32, #tpu.memory_space<vmem>>, vector<16xi32>,
      %add3A_1768 = arith.constant 2031 : i32
      %add3A_1769 = vector.broadcast %add3A_1768 : i32 to vector<16xi32>
      %add3A_1770 = arith.addi %iota3A, %add3A_1769 : vector<16xi32>
      %min3A_1771 = arith.constant 2999 : i32
      %min3A_1772 = vector.broadcast %min3A_1771 : i32 to vector<16xi32>
      %min3A_1773 = arith.minsi %add3A_1770, %min3A_1772 : vector<16xi32>
      %swap3A_1774 = arith.constant 32 : index
      %swap3A_1775 = tpu.vector_load %arg10[%swap3A_1774] {strides = array<i32>} : memref<64xi32, #tpu.memory_space<vmem>>, vector<16xi32>,
      %swap3A_1776 = vector.shape_cast %swap3A_1775 : vector<16xi32> to vector<16xi32>
      %swap3A_1777 = vector.shape_cast %min3A_1773 : vector<16xi32> to vector<16xi32>
      tpu.vector_store %arg10[%swap3A_1774], %swap3A_1777 {strides = array<i32>} : memref<64xi32, #tpu.memory_space<vmem>>, vector<16xi32>,
      %add3A_1778 = arith.constant 2047 : i32
      %add3A_1779 = vector.broadcast %add3A_1778 : i32 to vector<16xi32>
      %add3A_1780 = arith.addi %iota3A, %add3A_1779 : vector<16xi32>
      %min3A_1781 = arith.constant 2999 : i32
      %min3A_1782 = vector.broadcast %min3A_1781 : i32 to vector<16xi32>
      %min3A_1783 = arith.minsi %add3A_1780, %min3A_1782 : vector<16xi32>
      %swap3A_1784 = arith.constant 48 : index
      %swap3A_1785 = tpu.vector_load %arg10[%swap3A_1784] {strides = array<i32>} : memref<64xi32, #tpu.memory_space<vmem>>, vector<16xi32>,
      %swap3A_1786 = vector.shape_cast %swap3A_1785 : vector<16xi32> to vector<16xi32>
      %swap3A_1787 = vector.shape_cast %min3A_1783 : vector<16xi32> to vector<16xi32>
      tpu.vector_store %arg10[%swap3A_1784], %swap3A_1787 {strides = array<i32>} : memref<64xi32, #tpu.memory_space<vmem>>, vector<16xi32>,
    } else {
    }
    %eq3A_3 = arith.constant 1 : i32
    %eq3A_4 = arith.cmpi eq, %add3A, %eq3A_3 : i32
    %convert_element_type3A_5 = arith.extui %eq3A_4 : i1 to i32
    %cond3A_6 = arith.constant 0 : i32
    %cond3A_7 = arith.cmpi ne, %convert_element_type3A_5, %cond3A_6 : i32
    scf.if %cond3A_7 {
      %add3A_1748 = arith.constant 2063 : i32
      %add3A_1749 = vector.broadcast %add3A_1748 : i32 to vector<16xi32>
      %add3A_1750 = arith.addi %iota3A, %add3A_1749 : vector<16xi32>
      %min3A_1751 = arith.constant 2999 : i32
      %min3A_1752 = vector.broadcast %min3A_1751 : i32 to vector<16xi32>
      %min3A_1753 = arith.minsi %add3A_1750, %min3A_1752 : vector<16xi32>
      %swap3A_1754 = arith.constant 0 : index
      %swap3A_1755 = tpu.vector_load %arg10[%swap3A_1754] {strides = array<i32>} : memref<64xi32, #tpu.memory_space<vmem>>, vector<16xi32>,
      %swap3A_1756 = vector.shape_cast %swap3A_1755 : vector<16xi32> to vector<16xi32>
      %swap3A_1757 = vector.shape_cast %min3A_1753 : vector<16xi32> to vector<16xi32>
      tpu.vector_store %arg10[%swap3A_1754], %swap3A_1757 {strides = array<i32>} : memref<64xi32, #tpu.memory_space<vmem>>, vector<16xi32>,
      %add3A_1758 = arith.constant 2079 : i32
      %add3A_1759 = vector.broadcast %add3A_1758 : i32 to vector<16xi32>
      %add3A_1760 = arith.addi %iota3A, %add3A_1759 : vector<16xi32>
      %min3A_1761 = arith.constant 2999 : i32
      %min3A_1762 = vector.broadcast %min3A_1761 : i32 to vector<16xi32>
      %min3A_1763 = arith.minsi %add3A_1760, %min3A_1762 : vector<16xi32>
      %swap3A_1764 = arith.constant 16 : index
      %swap3A_1765 = tpu.vector_load %arg10[%swap3A_1764] {strides = array<i32>} : memref<64xi32, #tpu.memory_space<vmem>>, vector<16xi32>,
      %swap3A_1766 = vector.shape_cast %swap3A_1765 : vector<16xi32> to vector<16xi32>
      %swap3A_1767 = vector.shape_cast %min3A_1763 : vector<16xi32> to vector<16xi32>
      tpu.vector_store %arg10[%swap3A_1764], %swap3A_1767 {strides = array<i32>} : memref<64xi32, #tpu.memory_space<vmem>>, vector<16xi32>,
      %add3A_1768 = arith.constant 2095 : i32
      %add3A_1769 = vector.broadcast %add3A_1768 : i32 to vector<16xi32>
      %add3A_1770 = arith.addi %iota3A, %add3A_1769 : vector<16xi32>
      %min3A_1771 = arith.constant 2999 : i32
      %min3A_1772 = vector.broadcast %min3A_1771 : i32 to vector<16xi32>
      %min3A_1773 = arith.minsi %add3A_1770, %min3A_1772 : vector<16xi32>
      %swap3A_1774 = arith.constant 32 : index
      %swap3A_1775 = tpu.vector_load %arg10[%swap3A_1774] {strides = array<i32>} : memref<64xi32, #tpu.memory_space<vmem>>, vector<16xi32>,
      %swap3A_1776 = vector.shape_cast %swap3A_1775 : vector<16xi32> to vector<16xi32>
      %swap3A_1777 = vector.shape_cast %min3A_1773 : vector<16xi32> to vector<16xi32>
      tpu.vector_store %arg10[%swap3A_1774], %swap3A_1777 {strides = array<i32>} : memref<64xi32, #tpu.memory_space<vmem>>, vector<16xi32>,
      %add3A_1778 = arith.constant 2111 : i32
      %add3A_1779 = vector.broadcast %add3A_1778 : i32 to vector<16xi32>
      %add3A_1780 = arith.addi %iota3A, %add3A_1779 : vector<16xi32>
      %min3A_1781 = arith.constant 2999 : i32
      %min3A_1782 = vector.broadcast %min3A_1781 : i32 to vector<16xi32>
      %min3A_1783 = arith.minsi %add3A_1780, %min3A_1782 : vector<16xi32>
      %swap3A_1784 = arith.constant 48 : index
      %swap3A_1785 = tpu.vector_load %arg10[%swap3A_1784] {strides = array<i32>} : memref<64xi32, #tpu.memory_space<vmem>>, vector<16xi32>,
      %swap3A_1786 = vector.shape_cast %swap3A_1785 : vector<16xi32> to vector<16xi32>
      %swap3A_1787 = vector.shape_cast %min3A_1783 : vector<16xi32> to vector<16xi32>
      tpu.vector_store %arg10[%swap3A_1784], %swap3A_1787 {strides = array<i32>} : memref<64xi32, #tpu.memory_space<vmem>>, vector<16xi32>,
    } else {
    }
    %eq3A_8 = arith.constant 2 : i32
    %eq3A_9 = arith.cmpi eq, %add3A, %eq3A_8 : i32
    %convert_element_type3A_10 = arith.extui %eq3A_9 : i1 to i32
    %cond3A_11 = arith.constant 0 : i32
    %cond3A_12 = arith.cmpi ne, %convert_element_type3A_10, %cond3A_11 : i32
    scf.if %cond3A_12 {
      %add3A_1748 = arith.constant 2127 : i32
      %add3A_1749 = vector.broadcast %add3A_1748 : i32 to vector<16xi32>
      %add3A_1750 = arith.addi %iota3A, %add3A_1749 : vector<16xi32>
      %min3A_1751 = arith.constant 2999 : i32
      %min3A_1752 = vector.broadcast %min3A_1751 : i32 to vector<16xi32>
      %min3A_1753 = arith.minsi %add3A_1750, %min3A_1752 : vector<16xi32>
      %swap3A_1754 = arith.constant 0 : index
      %swap3A_1755 = tpu.vector_load %arg10[%swap3A_1754] {strides = array<i32>} : memref<64xi32, #tpu.memory_space<vmem>>, vector<16xi32>,
      %swap3A_1756 = vector.shape_cast %swap3A_1755 : vector<16xi32> to vector<16xi32>
      %swap3A_1757 = vector.shape_cast %min3A_1753 : vector<16xi32> to vector<16xi32>
      tpu.vector_store %arg10[%swap3A_1754], %swap3A_1757 {strides = array<i32>} : memref<64xi32, #tpu.memory_space<vmem>>, vector<16xi32>,
      %add3A_1758 = arith.constant 2143 : i32
      %add3A_1759 = vector.broadcast %add3A_1758 : i32 to vector<16xi32>
      %add3A_1760 = arith.addi %iota3A, %add3A_1759 : vector<16xi32>
      %min3A_1761 = arith.constant 2999 : i32
      %min3A_1762 = vector.broadcast %min3A_1761 : i32 to vector<16xi32>
      %min3A_1763 = arith.minsi %add3A_1760, %min3A_1762 : vector<16xi32>
      %swap3A_1764 = arith.constant 16 : index
      %swap3A_1765 = tpu.vector_load %arg10[%swap3A_1764] {strides = array<i32>} : memref<64xi32, #tpu.memory_space<vmem>>, vector<16xi32>,
      %swap3A_1766 = vector.shape_cast %swap3A_1765 : vector<16xi32> to vector<16xi32>
      %swap3A_1767 = vector.shape_cast %min3A_1763 : vector<16xi32> to vector<16xi32>
      tpu.vector_store %arg10[%swap3A_1764], %swap3A_1767 {strides = array<i32>} : memref<64xi32, #tpu.memory_space<vmem>>, vector<16xi32>,
      %add3A_1768 = arith.constant 2159 : i32
      %add3A_1769 = vector.broadcast %add3A_1768 : i32 to vector<16xi32>
      %add3A_1770 = arith.addi %iota3A, %add3A_1769 : vector<16xi32>
      %min3A_1771 = arith.constant 2999 : i32
      %min3A_1772 = vector.broadcast %min3A_1771 : i32 to vector<16xi32>
      %min3A_1773 = arith.minsi %add3A_1770, %min3A_1772 : vector<16xi32>
      %swap3A_1774 = arith.constant 32 : index
      %swap3A_1775 = tpu.vector_load %arg10[%swap3A_1774] {strides = array<i32>} : memref<64xi32, #tpu.memory_space<vmem>>, vector<16xi32>,
      %swap3A_1776 = vector.shape_cast %swap3A_1775 : vector<16xi32> to vector<16xi32>
      %swap3A_1777 = vector.shape_cast %min3A_1773 : vector<16xi32> to vector<16xi32>
      tpu.vector_store %arg10[%swap3A_1774], %swap3A_1777 {strides = array<i32>} : memref<64xi32, #tpu.memory_space<vmem>>, vector<16xi32>,
      %add3A_1778 = arith.constant 2175 : i32
      %add3A_1779 = vector.broadcast %add3A_1778 : i32 to vector<16xi32>
      %add3A_1780 = arith.addi %iota3A, %add3A_1779 : vector<16xi32>
      %min3A_1781 = arith.constant 2999 : i32
      %min3A_1782 = vector.broadcast %min3A_1781 : i32 to vector<16xi32>
      %min3A_1783 = arith.minsi %add3A_1780, %min3A_1782 : vector<16xi32>
      %swap3A_1784 = arith.constant 48 : index
      %swap3A_1785 = tpu.vector_load %arg10[%swap3A_1784] {strides = array<i32>} : memref<64xi32, #tpu.memory_space<vmem>>, vector<16xi32>,
      %swap3A_1786 = vector.shape_cast %swap3A_1785 : vector<16xi32> to vector<16xi32>
      %swap3A_1787 = vector.shape_cast %min3A_1783 : vector<16xi32> to vector<16xi32>
      tpu.vector_store %arg10[%swap3A_1784], %swap3A_1787 {strides = array<i32>} : memref<64xi32, #tpu.memory_space<vmem>>, vector<16xi32>,
    } else {
    }
    %eq3A_13 = arith.constant 3 : i32
    %eq3A_14 = arith.cmpi eq, %add3A, %eq3A_13 : i32
    %convert_element_type3A_15 = arith.extui %eq3A_14 : i1 to i32
    %cond3A_16 = arith.constant 0 : i32
    %cond3A_17 = arith.cmpi ne, %convert_element_type3A_15, %cond3A_16 : i32
    scf.if %cond3A_17 {
      %add3A_1748 = arith.constant 2191 : i32
      %add3A_1749 = vector.broadcast %add3A_1748 : i32 to vector<16xi32>
      %add3A_1750 = arith.addi %iota3A, %add3A_1749 : vector<16xi32>
      %min3A_1751 = arith.constant 2999 : i32
      %min3A_1752 = vector.broadcast %min3A_1751 : i32 to vector<16xi32>
      %min3A_1753 = arith.minsi %add3A_1750, %min3A_1752 : vector<16xi32>
      %swap3A_1754 = arith.constant 0 : index
      %swap3A_1755 = tpu.vector_load %arg10[%swap3A_1754] {strides = array<i32>} : memref<64xi32, #tpu.memory_space<vmem>>, vector<16xi32>,
      %swap3A_1756 = vector.shape_cast %swap3A_1755 : vector<16xi32> to vector<16xi32>
      %swap3A_1757 = vector.shape_cast %min3A_1753 : vector<16xi32> to vector<16xi32>
      tpu.vector_store %arg10[%swap3A_1754], %swap3A_1757 {strides = array<i32>} : memref<64xi32, #tpu.memory_space<vmem>>, vector<16xi32>,
      %add3A_1758 = arith.constant 2207 : i32
      %add3A_1759 = vector.broadcast %add3A_1758 : i32 to vector<16xi32>
      %add3A_1760 = arith.addi %iota3A, %add3A_1759 : vector<16xi32>
      %min3A_1761 = arith.constant 2999 : i32
      %min3A_1762 = vector.broadcast %min3A_1761 : i32 to vector<16xi32>
      %min3A_1763 = arith.minsi %add3A_1760, %min3A_1762 : vector<16xi32>
      %swap3A_1764 = arith.constant 16 : index
      %swap3A_1765 = tpu.vector_load %arg10[%swap3A_1764] {strides = array<i32>} : memref<64xi32, #tpu.memory_space<vmem>>, vector<16xi32>,
      %swap3A_1766 = vector.shape_cast %swap3A_1765 : vector<16xi32> to vector<16xi32>
      %swap3A_1767 = vector.shape_cast %min3A_1763 : vector<16xi32> to vector<16xi32>
      tpu.vector_store %arg10[%swap3A_1764], %swap3A_1767 {strides = array<i32>} : memref<64xi32, #tpu.memory_space<vmem>>, vector<16xi32>,
      %add3A_1768 = arith.constant 2223 : i32
      %add3A_1769 = vector.broadcast %add3A_1768 : i32 to vector<16xi32>
      %add3A_1770 = arith.addi %iota3A, %add3A_1769 : vector<16xi32>
      %min3A_1771 = arith.constant 2999 : i32
      %min3A_1772 = vector.broadcast %min3A_1771 : i32 to vector<16xi32>
      %min3A_1773 = arith.minsi %add3A_1770, %min3A_1772 : vector<16xi32>
      %swap3A_1774 = arith.constant 32 : index
      %swap3A_1775 = tpu.vector_load %arg10[%swap3A_1774] {strides = array<i32>} : memref<64xi32, #tpu.memory_space<vmem>>, vector<16xi32>,
      %swap3A_1776 = vector.shape_cast %swap3A_1775 : vector<16xi32> to vector<16xi32>
      %swap3A_1777 = vector.shape_cast %min3A_1773 : vector<16xi32> to vector<16xi32>
      tpu.vector_store %arg10[%swap3A_1774], %swap3A_1777 {strides = array<i32>} : memref<64xi32, #tpu.memory_space<vmem>>, vector<16xi32>,
      %add3A_1778 = arith.constant 2239 : i32
      %add3A_1779 = vector.broadcast %add3A_1778 : i32 to vector<16xi32>
      %add3A_1780 = arith.addi %iota3A, %add3A_1779 : vector<16xi32>
      %min3A_1781 = arith.constant 2999 : i32
      %min3A_1782 = vector.broadcast %min3A_1781 : i32 to vector<16xi32>
      %min3A_1783 = arith.minsi %add3A_1780, %min3A_1782 : vector<16xi32>
      %swap3A_1784 = arith.constant 48 : index
      %swap3A_1785 = tpu.vector_load %arg10[%swap3A_1784] {strides = array<i32>} : memref<64xi32, #tpu.memory_space<vmem>>, vector<16xi32>,
      %swap3A_1786 = vector.shape_cast %swap3A_1785 : vector<16xi32> to vector<16xi32>
      %swap3A_1787 = vector.shape_cast %min3A_1783 : vector<16xi32> to vector<16xi32>
      tpu.vector_store %arg10[%swap3A_1784], %swap3A_1787 {strides = array<i32>} : memref<64xi32, #tpu.memory_space<vmem>>, vector<16xi32>,
    } else {
    }
    %eq3A_18 = arith.constant 4 : i32
    %eq3A_19 = arith.cmpi eq, %add3A, %eq3A_18 : i32
    %convert_element_type3A_20 = arith.extui %eq3A_19 : i1 to i32
    %cond3A_21 = arith.constant 0 : i32
    %cond3A_22 = arith.cmpi ne, %convert_element_type3A_20, %cond3A_21 : i32
    scf.if %cond3A_22 {
      %add3A_1748 = arith.constant 2255 : i32
      %add3A_1749 = vector.broadcast %add3A_1748 : i32 to vector<16xi32>
      %add3A_1750 = arith.addi %iota3A, %add3A_1749 : vector<16xi32>
      %min3A_1751 = arith.constant 2999 : i32
      %min3A_1752 = vector.broadcast %min3A_1751 : i32 to vector<16xi32>
      %min3A_1753 = arith.minsi %add3A_1750, %min3A_1752 : vector<16xi32>
      %swap3A_1754 = arith.constant 0 : index
      %swap3A_1755 = tpu.vector_load %arg10[%swap3A_1754] {strides = array<i32>} : memref<64xi32, #tpu.memory_space<vmem>>, vector<16xi32>,
      %swap3A_1756 = vector.shape_cast %swap3A_1755 : vector<16xi32> to vector<16xi32>
      %swap3A_1757 = vector.shape_cast %min3A_1753 : vector<16xi32> to vector<16xi32>
      tpu.vector_store %arg10[%swap3A_1754], %swap3A_1757 {strides = array<i32>} : memref<64xi32, #tpu.memory_space<vmem>>, vector<16xi32>,
      %add3A_1758 = arith.constant 2271 : i32
      %add3A_1759 = vector.broadcast %add3A_1758 : i32 to vector<16xi32>
      %add3A_1760 = arith.addi %iota3A, %add3A_1759 : vector<16xi32>
      %min3A_1761 = arith.constant 2999 : i32
      %min3A_1762 = vector.broadcast %min3A_1761 : i32 to vector<16xi32>
      %min3A_1763 = arith.minsi %add3A_1760, %min3A_1762 : vector<16xi32>
      %swap3A_1764 = arith.constant 16 : index
      %swap3A_1765 = tpu.vector_load %arg10[%swap3A_1764] {strides = array<i32>} : memref<64xi32, #tpu.memory_space<vmem>>, vector<16xi32>,
      %swap3A_1766 = vector.shape_cast %swap3A_1765 : vector<16xi32> to vector<16xi32>
      %swap3A_1767 = vector.shape_cast %min3A_1763 : vector<16xi32> to vector<16xi32>
      tpu.vector_store %arg10[%swap3A_1764], %swap3A_1767 {strides = array<i32>} : memref<64xi32, #tpu.memory_space<vmem>>, vector<16xi32>,
      %add3A_1768 = arith.constant 2287 : i32
      %add3A_1769 = vector.broadcast %add3A_1768 : i32 to vector<16xi32>
      %add3A_1770 = arith.addi %iota3A, %add3A_1769 : vector<16xi32>
      %min3A_1771 = arith.constant 2999 : i32
      %min3A_1772 = vector.broadcast %min3A_1771 : i32 to vector<16xi32>
      %min3A_1773 = arith.minsi %add3A_1770, %min3A_1772 : vector<16xi32>
      %swap3A_1774 = arith.constant 32 : index
      %swap3A_1775 = tpu.vector_load %arg10[%swap3A_1774] {strides = array<i32>} : memref<64xi32, #tpu.memory_space<vmem>>, vector<16xi32>,
      %swap3A_1776 = vector.shape_cast %swap3A_1775 : vector<16xi32> to vector<16xi32>
      %swap3A_1777 = vector.shape_cast %min3A_1773 : vector<16xi32> to vector<16xi32>
      tpu.vector_store %arg10[%swap3A_1774], %swap3A_1777 {strides = array<i32>} : memref<64xi32, #tpu.memory_space<vmem>>, vector<16xi32>,
      %add3A_1778 = arith.constant 2303 : i32
      %add3A_1779 = vector.broadcast %add3A_1778 : i32 to vector<16xi32>
      %add3A_1780 = arith.addi %iota3A, %add3A_1779 : vector<16xi32>
      %min3A_1781 = arith.constant 2999 : i32
      %min3A_1782 = vector.broadcast %min3A_1781 : i32 to vector<16xi32>
      %min3A_1783 = arith.minsi %add3A_1780, %min3A_1782 : vector<16xi32>
      %swap3A_1784 = arith.constant 48 : index
      %swap3A_1785 = tpu.vector_load %arg10[%swap3A_1784] {strides = array<i32>} : memref<64xi32, #tpu.memory_space<vmem>>, vector<16xi32>,
      %swap3A_1786 = vector.shape_cast %swap3A_1785 : vector<16xi32> to vector<16xi32>
      %swap3A_1787 = vector.shape_cast %min3A_1783 : vector<16xi32> to vector<16xi32>
      tpu.vector_store %arg10[%swap3A_1784], %swap3A_1787 {strides = array<i32>} : memref<64xi32, #tpu.memory_space<vmem>>, vector<16xi32>,
    } else {
    }
    %eq3A_23 = arith.constant 5 : i32
    %eq3A_24 = arith.cmpi eq, %add3A, %eq3A_23 : i32
    %convert_element_type3A_25 = arith.extui %eq3A_24 : i1 to i32
    %cond3A_26 = arith.constant 0 : i32
    %cond3A_27 = arith.cmpi ne, %convert_element_type3A_25, %cond3A_26 : i32
    scf.if %cond3A_27 {
      %add3A_1748 = arith.constant 2319 : i32
      %add3A_1749 = vector.broadcast %add3A_1748 : i32 to vector<16xi32>
      %add3A_1750 = arith.addi %iota3A, %add3A_1749 : vector<16xi32>
      %min3A_1751 = arith.constant 2999 : i32
      %min3A_1752 = vector.broadcast %min3A_1751 : i32 to vector<16xi32>
      %min3A_1753 = arith.minsi %add3A_1750, %min3A_1752 : vector<16xi32>
      %swap3A_1754 = arith.constant 0 : index
      %swap3A_1755 = tpu.vector_load %arg10[%swap3A_1754] {strides = array<i32>} : memref<64xi32, #tpu.memory_space<vmem>>, vector<16xi32>,
      %swap3A_1756 = vector.shape_cast %swap3A_1755 : vector<16xi32> to vector<16xi32>
      %swap3A_1757 = vector.shape_cast %min3A_1753 : vector<16xi32> to vector<16xi32>
      tpu.vector_store %arg10[%swap3A_1754], %swap3A_1757 {strides = array<i32>} : memref<64xi32, #tpu.memory_space<vmem>>, vector<16xi32>,
      %add3A_1758 = arith.constant 2335 : i32
      %add3A_1759 = vector.broadcast %add3A_1758 : i32 to vector<16xi32>
      %add3A_1760 = arith.addi %iota3A, %add3A_1759 : vector<16xi32>
      %min3A_1761 = arith.constant 2999 : i32
      %min3A_1762 = vector.broadcast %min3A_1761 : i32 to vector<16xi32>
      %min3A_1763 = arith.minsi %add3A_1760, %min3A_1762 : vector<16xi32>
      %swap3A_1764 = arith.constant 16 : index
      %swap3A_1765 = tpu.vector_load %arg10[%swap3A_1764] {strides = array<i32>} : memref<64xi32, #tpu.memory_space<vmem>>, vector<16xi32>,
      %swap3A_1766 = vector.shape_cast %swap3A_1765 : vector<16xi32> to vector<16xi32>
      %swap3A_1767 = vector.shape_cast %min3A_1763 : vector<16xi32> to vector<16xi32>
      tpu.vector_store %arg10[%swap3A_1764], %swap3A_1767 {strides = array<i32>} : memref<64xi32, #tpu.memory_space<vmem>>, vector<16xi32>,
      %add3A_1768 = arith.constant 2351 : i32
      %add3A_1769 = vector.broadcast %add3A_1768 : i32 to vector<16xi32>
      %add3A_1770 = arith.addi %iota3A, %add3A_1769 : vector<16xi32>
      %min3A_1771 = arith.constant 2999 : i32
      %min3A_1772 = vector.broadcast %min3A_1771 : i32 to vector<16xi32>
      %min3A_1773 = arith.minsi %add3A_1770, %min3A_1772 : vector<16xi32>
      %swap3A_1774 = arith.constant 32 : index
      %swap3A_1775 = tpu.vector_load %arg10[%swap3A_1774] {strides = array<i32>} : memref<64xi32, #tpu.memory_space<vmem>>, vector<16xi32>,
      %swap3A_1776 = vector.shape_cast %swap3A_1775 : vector<16xi32> to vector<16xi32>
      %swap3A_1777 = vector.shape_cast %min3A_1773 : vector<16xi32> to vector<16xi32>
      tpu.vector_store %arg10[%swap3A_1774], %swap3A_1777 {strides = array<i32>} : memref<64xi32, #tpu.memory_space<vmem>>, vector<16xi32>,
      %add3A_1778 = arith.constant 2367 : i32
      %add3A_1779 = vector.broadcast %add3A_1778 : i32 to vector<16xi32>
      %add3A_1780 = arith.addi %iota3A, %add3A_1779 : vector<16xi32>
      %min3A_1781 = arith.constant 2999 : i32
      %min3A_1782 = vector.broadcast %min3A_1781 : i32 to vector<16xi32>
      %min3A_1783 = arith.minsi %add3A_1780, %min3A_1782 : vector<16xi32>
      %swap3A_1784 = arith.constant 48 : index
      %swap3A_1785 = tpu.vector_load %arg10[%swap3A_1784] {strides = array<i32>} : memref<64xi32, #tpu.memory_space<vmem>>, vector<16xi32>,
      %swap3A_1786 = vector.shape_cast %swap3A_1785 : vector<16xi32> to vector<16xi32>
      %swap3A_1787 = vector.shape_cast %min3A_1783 : vector<16xi32> to vector<16xi32>
      tpu.vector_store %arg10[%swap3A_1784], %swap3A_1787 {strides = array<i32>} : memref<64xi32, #tpu.memory_space<vmem>>, vector<16xi32>,
    } else {
    }
    %eq3A_28 = arith.constant 6 : i32
    %eq3A_29 = arith.cmpi eq, %add3A, %eq3A_28 : i32
    %convert_element_type3A_30 = arith.extui %eq3A_29 : i1 to i32
    %cond3A_31 = arith.constant 0 : i32
    %cond3A_32 = arith.cmpi ne, %convert_element_type3A_30, %cond3A_31 : i32
    scf.if %cond3A_32 {
      %add3A_1748 = arith.constant 2383 : i32
      %add3A_1749 = vector.broadcast %add3A_1748 : i32 to vector<16xi32>
      %add3A_1750 = arith.addi %iota3A, %add3A_1749 : vector<16xi32>
      %min3A_1751 = arith.constant 2999 : i32
      %min3A_1752 = vector.broadcast %min3A_1751 : i32 to vector<16xi32>
      %min3A_1753 = arith.minsi %add3A_1750, %min3A_1752 : vector<16xi32>
      %swap3A_1754 = arith.constant 0 : index
      %swap3A_1755 = tpu.vector_load %arg10[%swap3A_1754] {strides = array<i32>} : memref<64xi32, #tpu.memory_space<vmem>>, vector<16xi32>,
      %swap3A_1756 = vector.shape_cast %swap3A_1755 : vector<16xi32> to vector<16xi32>
      %swap3A_1757 = vector.shape_cast %min3A_1753 : vector<16xi32> to vector<16xi32>
      tpu.vector_store %arg10[%swap3A_1754], %swap3A_1757 {strides = array<i32>} : memref<64xi32, #tpu.memory_space<vmem>>, vector<16xi32>,
      %add3A_1758 = arith.constant 2399 : i32
      %add3A_1759 = vector.broadcast %add3A_1758 : i32 to vector<16xi32>
      %add3A_1760 = arith.addi %iota3A, %add3A_1759 : vector<16xi32>
      %min3A_1761 = arith.constant 2999 : i32
      %min3A_1762 = vector.broadcast %min3A_1761 : i32 to vector<16xi32>
      %min3A_1763 = arith.minsi %add3A_1760, %min3A_1762 : vector<16xi32>
      %swap3A_1764 = arith.constant 16 : index
      %swap3A_1765 = tpu.vector_load %arg10[%swap3A_1764] {strides = array<i32>} : memref<64xi32, #tpu.memory_space<vmem>>, vector<16xi32>,
      %swap3A_1766 = vector.shape_cast %swap3A_1765 : vector<16xi32> to vector<16xi32>
      %swap3A_1767 = vector.shape_cast %min3A_1763 : vector<16xi32> to vector<16xi32>
      tpu.vector_store %arg10[%swap3A_1764], %swap3A_1767 {strides = array<i32>} : memref<64xi32, #tpu.memory_space<vmem>>, vector<16xi32>,
      %add3A_1768 = arith.constant 2415 : i32
      %add3A_1769 = vector.broadcast %add3A_1768 : i32 to vector<16xi32>
      %add3A_1770 = arith.addi %iota3A, %add3A_1769 : vector<16xi32>
      %min3A_1771 = arith.constant 2999 : i32
      %min3A_1772 = vector.broadcast %min3A_1771 : i32 to vector<16xi32>
      %min3A_1773 = arith.minsi %add3A_1770, %min3A_1772 : vector<16xi32>
      %swap3A_1774 = arith.constant 32 : index
      %swap3A_1775 = tpu.vector_load %arg10[%swap3A_1774] {strides = array<i32>} : memref<64xi32, #tpu.memory_space<vmem>>, vector<16xi32>,
      %swap3A_1776 = vector.shape_cast %swap3A_1775 : vector<16xi32> to vector<16xi32>
      %swap3A_1777 = vector.shape_cast %min3A_1773 : vector<16xi32> to vector<16xi32>
      tpu.vector_store %arg10[%swap3A_1774], %swap3A_1777 {strides = array<i32>} : memref<64xi32, #tpu.memory_space<vmem>>, vector<16xi32>,
      %add3A_1778 = arith.constant 2431 : i32
      %add3A_1779 = vector.broadcast %add3A_1778 : i32 to vector<16xi32>
      %add3A_1780 = arith.addi %iota3A, %add3A_1779 : vector<16xi32>
      %min3A_1781 = arith.constant 2999 : i32
      %min3A_1782 = vector.broadcast %min3A_1781 : i32 to vector<16xi32>
      %min3A_1783 = arith.minsi %add3A_1780, %min3A_1782 : vector<16xi32>
      %swap3A_1784 = arith.constant 48 : index
      %swap3A_1785 = tpu.vector_load %arg10[%swap3A_1784] {strides = array<i32>} : memref<64xi32, #tpu.memory_space<vmem>>, vector<16xi32>,
      %swap3A_1786 = vector.shape_cast %swap3A_1785 : vector<16xi32> to vector<16xi32>
      %swap3A_1787 = vector.shape_cast %min3A_1783 : vector<16xi32> to vector<16xi32>
      tpu.vector_store %arg10[%swap3A_1784], %swap3A_1787 {strides = array<i32>} : memref<64xi32, #tpu.memory_space<vmem>>, vector<16xi32>,
    } else {
    }
    %eq3A_33 = arith.constant 7 : i32
    %eq3A_34 = arith.cmpi eq, %add3A, %eq3A_33 : i32
    %convert_element_type3A_35 = arith.extui %eq3A_34 : i1 to i32
    %cond3A_36 = arith.constant 0 : i32
    %cond3A_37 = arith.cmpi ne, %convert_element_type3A_35, %cond3A_36 : i32
    scf.if %cond3A_37 {
      %add3A_1748 = arith.constant 2447 : i32
      %add3A_1749 = vector.broadcast %add3A_1748 : i32 to vector<16xi32>
      %add3A_1750 = arith.addi %iota3A, %add3A_1749 : vector<16xi32>
      %min3A_1751 = arith.constant 2999 : i32
      %min3A_1752 = vector.broadcast %min3A_1751 : i32 to vector<16xi32>
      %min3A_1753 = arith.minsi %add3A_1750, %min3A_1752 : vector<16xi32>
      %swap3A_1754 = arith.constant 0 : index
      %swap3A_1755 = tpu.vector_load %arg10[%swap3A_1754] {strides = array<i32>} : memref<64xi32, #tpu.memory_space<vmem>>, vector<16xi32>,
      %swap3A_1756 = vector.shape_cast %swap3A_1755 : vector<16xi32> to vector<16xi32>
      %swap3A_1757 = vector.shape_cast %min3A_1753 : vector<16xi32> to vector<16xi32>
      tpu.vector_store %arg10[%swap3A_1754], %swap3A_1757 {strides = array<i32>} : memref<64xi32, #tpu.memory_space<vmem>>, vector<16xi32>,
      %add3A_1758 = arith.constant 2463 : i32
      %add3A_1759 = vector.broadcast %add3A_1758 : i32 to vector<16xi32>
      %add3A_1760 = arith.addi %iota3A, %add3A_1759 : vector<16xi32>
      %min3A_1761 = arith.constant 2999 : i32
      %min3A_1762 = vector.broadcast %min3A_1761 : i32 to vector<16xi32>
      %min3A_1763 = arith.minsi %add3A_1760, %min3A_1762 : vector<16xi32>
      %swap3A_1764 = arith.constant 16 : index
      %swap3A_1765 = tpu.vector_load %arg10[%swap3A_1764] {strides = array<i32>} : memref<64xi32, #tpu.memory_space<vmem>>, vector<16xi32>,
      %swap3A_1766 = vector.shape_cast %swap3A_1765 : vector<16xi32> to vector<16xi32>
      %swap3A_1767 = vector.shape_cast %min3A_1763 : vector<16xi32> to vector<16xi32>
      tpu.vector_store %arg10[%swap3A_1764], %swap3A_1767 {strides = array<i32>} : memref<64xi32, #tpu.memory_space<vmem>>, vector<16xi32>,
      %add3A_1768 = arith.constant 2479 : i32
      %add3A_1769 = vector.broadcast %add3A_1768 : i32 to vector<16xi32>
      %add3A_1770 = arith.addi %iota3A, %add3A_1769 : vector<16xi32>
      %min3A_1771 = arith.constant 2999 : i32
      %min3A_1772 = vector.broadcast %min3A_1771 : i32 to vector<16xi32>
      %min3A_1773 = arith.minsi %add3A_1770, %min3A_1772 : vector<16xi32>
      %swap3A_1774 = arith.constant 32 : index
      %swap3A_1775 = tpu.vector_load %arg10[%swap3A_1774] {strides = array<i32>} : memref<64xi32, #tpu.memory_space<vmem>>, vector<16xi32>,
      %swap3A_1776 = vector.shape_cast %swap3A_1775 : vector<16xi32> to vector<16xi32>
      %swap3A_1777 = vector.shape_cast %min3A_1773 : vector<16xi32> to vector<16xi32>
      tpu.vector_store %arg10[%swap3A_1774], %swap3A_1777 {strides = array<i32>} : memref<64xi32, #tpu.memory_space<vmem>>, vector<16xi32>,
      %add3A_1778 = arith.constant 2495 : i32
      %add3A_1779 = vector.broadcast %add3A_1778 : i32 to vector<16xi32>
      %add3A_1780 = arith.addi %iota3A, %add3A_1779 : vector<16xi32>
      %min3A_1781 = arith.constant 2999 : i32
      %min3A_1782 = vector.broadcast %min3A_1781 : i32 to vector<16xi32>
      %min3A_1783 = arith.minsi %add3A_1780, %min3A_1782 : vector<16xi32>
      %swap3A_1784 = arith.constant 48 : index
      %swap3A_1785 = tpu.vector_load %arg10[%swap3A_1784] {strides = array<i32>} : memref<64xi32, #tpu.memory_space<vmem>>, vector<16xi32>,
      %swap3A_1786 = vector.shape_cast %swap3A_1785 : vector<16xi32> to vector<16xi32>
      %swap3A_1787 = vector.shape_cast %min3A_1783 : vector<16xi32> to vector<16xi32>
      tpu.vector_store %arg10[%swap3A_1784], %swap3A_1787 {strides = array<i32>} : memref<64xi32, #tpu.memory_space<vmem>>, vector<16xi32>,
    } else {
    }
    %eq3A_38 = arith.constant 8 : i32
    %eq3A_39 = arith.cmpi eq, %add3A, %eq3A_38 : i32
    %convert_element_type3A_40 = arith.extui %eq3A_39 : i1 to i32
    %cond3A_41 = arith.constant 0 : i32
    %cond3A_42 = arith.cmpi ne, %convert_element_type3A_40, %cond3A_41 : i32
    scf.if %cond3A_42 {
      %add3A_1748 = arith.constant 2511 : i32
      %add3A_1749 = vector.broadcast %add3A_1748 : i32 to vector<16xi32>
      %add3A_1750 = arith.addi %iota3A, %add3A_1749 : vector<16xi32>
      %min3A_1751 = arith.constant 2999 : i32
      %min3A_1752 = vector.broadcast %min3A_1751 : i32 to vector<16xi32>
      %min3A_1753 = arith.minsi %add3A_1750, %min3A_1752 : vector<16xi32>
      %swap3A_1754 = arith.constant 0 : index
      %swap3A_1755 = tpu.vector_load %arg10[%swap3A_1754] {strides = array<i32>} : memref<64xi32, #tpu.memory_space<vmem>>, vector<16xi32>,
      %swap3A_1756 = vector.shape_cast %swap3A_1755 : vector<16xi32> to vector<16xi32>
      %swap3A_1757 = vector.shape_cast %min3A_1753 : vector<16xi32> to vector<16xi32>
      tpu.vector_store %arg10[%swap3A_1754], %swap3A_1757 {strides = array<i32>} : memref<64xi32, #tpu.memory_space<vmem>>, vector<16xi32>,
      %add3A_1758 = arith.constant 2527 : i32
      %add3A_1759 = vector.broadcast %add3A_1758 : i32 to vector<16xi32>
      %add3A_1760 = arith.addi %iota3A, %add3A_1759 : vector<16xi32>
      %min3A_1761 = arith.constant 2999 : i32
      %min3A_1762 = vector.broadcast %min3A_1761 : i32 to vector<16xi32>
      %min3A_1763 = arith.minsi %add3A_1760, %min3A_1762 : vector<16xi32>
      %swap3A_1764 = arith.constant 16 : index
      %swap3A_1765 = tpu.vector_load %arg10[%swap3A_1764] {strides = array<i32>} : memref<64xi32, #tpu.memory_space<vmem>>, vector<16xi32>,
      %swap3A_1766 = vector.shape_cast %swap3A_1765 : vector<16xi32> to vector<16xi32>
      %swap3A_1767 = vector.shape_cast %min3A_1763 : vector<16xi32> to vector<16xi32>
      tpu.vector_store %arg10[%swap3A_1764], %swap3A_1767 {strides = array<i32>} : memref<64xi32, #tpu.memory_space<vmem>>, vector<16xi32>,
      %add3A_1768 = arith.constant 2543 : i32
      %add3A_1769 = vector.broadcast %add3A_1768 : i32 to vector<16xi32>
      %add3A_1770 = arith.addi %iota3A, %add3A_1769 : vector<16xi32>
      %min3A_1771 = arith.constant 2999 : i32
      %min3A_1772 = vector.broadcast %min3A_1771 : i32 to vector<16xi32>
      %min3A_1773 = arith.minsi %add3A_1770, %min3A_1772 : vector<16xi32>
      %swap3A_1774 = arith.constant 32 : index
      %swap3A_1775 = tpu.vector_load %arg10[%swap3A_1774] {strides = array<i32>} : memref<64xi32, #tpu.memory_space<vmem>>, vector<16xi32>,
      %swap3A_1776 = vector.shape_cast %swap3A_1775 : vector<16xi32> to vector<16xi32>
      %swap3A_1777 = vector.shape_cast %min3A_1773 : vector<16xi32> to vector<16xi32>
      tpu.vector_store %arg10[%swap3A_1774], %swap3A_1777 {strides = array<i32>} : memref<64xi32, #tpu.memory_space<vmem>>, vector<16xi32>,
      %add3A_1778 = arith.constant 2559 : i32
      %add3A_1779 = vector.broadcast %add3A_1778 : i32 to vector<16xi32>
      %add3A_1780 = arith.addi %iota3A, %add3A_1779 : vector<16xi32>
      %min3A_1781 = arith.constant 2999 : i32
      %min3A_1782 = vector.broadcast %min3A_1781 : i32 to vector<16xi32>
      %min3A_1783 = arith.minsi %add3A_1780, %min3A_1782 : vector<16xi32>
      %swap3A_1784 = arith.constant 48 : index
      %swap3A_1785 = tpu.vector_load %arg10[%swap3A_1784] {strides = array<i32>} : memref<64xi32, #tpu.memory_space<vmem>>, vector<16xi32>,
      %swap3A_1786 = vector.shape_cast %swap3A_1785 : vector<16xi32> to vector<16xi32>
      %swap3A_1787 = vector.shape_cast %min3A_1783 : vector<16xi32> to vector<16xi32>
      tpu.vector_store %arg10[%swap3A_1784], %swap3A_1787 {strides = array<i32>} : memref<64xi32, #tpu.memory_space<vmem>>, vector<16xi32>,
    } else {
    }
    %eq3A_43 = arith.constant 9 : i32
    %eq3A_44 = arith.cmpi eq, %add3A, %eq3A_43 : i32
    %convert_element_type3A_45 = arith.extui %eq3A_44 : i1 to i32
    %cond3A_46 = arith.constant 0 : i32
    %cond3A_47 = arith.cmpi ne, %convert_element_type3A_45, %cond3A_46 : i32
    scf.if %cond3A_47 {
      %add3A_1748 = arith.constant 2575 : i32
      %add3A_1749 = vector.broadcast %add3A_1748 : i32 to vector<16xi32>
      %add3A_1750 = arith.addi %iota3A, %add3A_1749 : vector<16xi32>
      %min3A_1751 = arith.constant 2999 : i32
      %min3A_1752 = vector.broadcast %min3A_1751 : i32 to vector<16xi32>
      %min3A_1753 = arith.minsi %add3A_1750, %min3A_1752 : vector<16xi32>
      %swap3A_1754 = arith.constant 0 : index
      %swap3A_1755 = tpu.vector_load %arg10[%swap3A_1754] {strides = array<i32>} : memref<64xi32, #tpu.memory_space<vmem>>, vector<16xi32>,
      %swap3A_1756 = vector.shape_cast %swap3A_1755 : vector<16xi32> to vector<16xi32>
      %swap3A_1757 = vector.shape_cast %min3A_1753 : vector<16xi32> to vector<16xi32>
      tpu.vector_store %arg10[%swap3A_1754], %swap3A_1757 {strides = array<i32>} : memref<64xi32, #tpu.memory_space<vmem>>, vector<16xi32>,
      %add3A_1758 = arith.constant 2591 : i32
      %add3A_1759 = vector.broadcast %add3A_1758 : i32 to vector<16xi32>
      %add3A_1760 = arith.addi %iota3A, %add3A_1759 : vector<16xi32>
      %min3A_1761 = arith.constant 2999 : i32
      %min3A_1762 = vector.broadcast %min3A_1761 : i32 to vector<16xi32>
      %min3A_1763 = arith.minsi %add3A_1760, %min3A_1762 : vector<16xi32>
      %swap3A_1764 = arith.constant 16 : index
      %swap3A_1765 = tpu.vector_load %arg10[%swap3A_1764] {strides = array<i32>} : memref<64xi32, #tpu.memory_space<vmem>>, vector<16xi32>,
      %swap3A_1766 = vector.shape_cast %swap3A_1765 : vector<16xi32> to vector<16xi32>
      %swap3A_1767 = vector.shape_cast %min3A_1763 : vector<16xi32> to vector<16xi32>
      tpu.vector_store %arg10[%swap3A_1764], %swap3A_1767 {strides = array<i32>} : memref<64xi32, #tpu.memory_space<vmem>>, vector<16xi32>,
      %add3A_1768 = arith.constant 2607 : i32
      %add3A_1769 = vector.broadcast %add3A_1768 : i32 to vector<16xi32>
      %add3A_1770 = arith.addi %iota3A, %add3A_1769 : vector<16xi32>
      %min3A_1771 = arith.constant 2999 : i32
      %min3A_1772 = vector.broadcast %min3A_1771 : i32 to vector<16xi32>
      %min3A_1773 = arith.minsi %add3A_1770, %min3A_1772 : vector<16xi32>
      %swap3A_1774 = arith.constant 32 : index
      %swap3A_1775 = tpu.vector_load %arg10[%swap3A_1774] {strides = array<i32>} : memref<64xi32, #tpu.memory_space<vmem>>, vector<16xi32>,
      %swap3A_1776 = vector.shape_cast %swap3A_1775 : vector<16xi32> to vector<16xi32>
      %swap3A_1777 = vector.shape_cast %min3A_1773 : vector<16xi32> to vector<16xi32>
      tpu.vector_store %arg10[%swap3A_1774], %swap3A_1777 {strides = array<i32>} : memref<64xi32, #tpu.memory_space<vmem>>, vector<16xi32>,
      %add3A_1778 = arith.constant 2623 : i32
      %add3A_1779 = vector.broadcast %add3A_1778 : i32 to vector<16xi32>
      %add3A_1780 = arith.addi %iota3A, %add3A_1779 : vector<16xi32>
      %min3A_1781 = arith.constant 2999 : i32
      %min3A_1782 = vector.broadcast %min3A_1781 : i32 to vector<16xi32>
      %min3A_1783 = arith.minsi %add3A_1780, %min3A_1782 : vector<16xi32>
      %swap3A_1784 = arith.constant 48 : index
      %swap3A_1785 = tpu.vector_load %arg10[%swap3A_1784] {strides = array<i32>} : memref<64xi32, #tpu.memory_space<vmem>>, vector<16xi32>,
      %swap3A_1786 = vector.shape_cast %swap3A_1785 : vector<16xi32> to vector<16xi32>
      %swap3A_1787 = vector.shape_cast %min3A_1783 : vector<16xi32> to vector<16xi32>
      tpu.vector_store %arg10[%swap3A_1784], %swap3A_1787 {strides = array<i32>} : memref<64xi32, #tpu.memory_space<vmem>>, vector<16xi32>,
    } else {
    }
    %eq3A_48 = arith.constant 10 : i32
    %eq3A_49 = arith.cmpi eq, %add3A, %eq3A_48 : i32
    %convert_element_type3A_50 = arith.extui %eq3A_49 : i1 to i32
    %cond3A_51 = arith.constant 0 : i32
    %cond3A_52 = arith.cmpi ne, %convert_element_type3A_50, %cond3A_51 : i32
    scf.if %cond3A_52 {
      %add3A_1748 = arith.constant 2639 : i32
      %add3A_1749 = vector.broadcast %add3A_1748 : i32 to vector<16xi32>
      %add3A_1750 = arith.addi %iota3A, %add3A_1749 : vector<16xi32>
      %min3A_1751 = arith.constant 2999 : i32
      %min3A_1752 = vector.broadcast %min3A_1751 : i32 to vector<16xi32>
      %min3A_1753 = arith.minsi %add3A_1750, %min3A_1752 : vector<16xi32>
      %swap3A_1754 = arith.constant 0 : index
      %swap3A_1755 = tpu.vector_load %arg10[%swap3A_1754] {strides = array<i32>} : memref<64xi32, #tpu.memory_space<vmem>>, vector<16xi32>,
      %swap3A_1756 = vector.shape_cast %swap3A_1755 : vector<16xi32> to vector<16xi32>
      %swap3A_1757 = vector.shape_cast %min3A_1753 : vector<16xi32> to vector<16xi32>
      tpu.vector_store %arg10[%swap3A_1754], %swap3A_1757 {strides = array<i32>} : memref<64xi32, #tpu.memory_space<vmem>>, vector<16xi32>,
      %add3A_1758 = arith.constant 2655 : i32
      %add3A_1759 = vector.broadcast %add3A_1758 : i32 to vector<16xi32>
      %add3A_1760 = arith.addi %iota3A, %add3A_1759 : vector<16xi32>
      %min3A_1761 = arith.constant 2999 : i32
      %min3A_1762 = vector.broadcast %min3A_1761 : i32 to vector<16xi32>
      %min3A_1763 = arith.minsi %add3A_1760, %min3A_1762 : vector<16xi32>
      %swap3A_1764 = arith.constant 16 : index
      %swap3A_1765 = tpu.vector_load %arg10[%swap3A_1764] {strides = array<i32>} : memref<64xi32, #tpu.memory_space<vmem>>, vector<16xi32>,
      %swap3A_1766 = vector.shape_cast %swap3A_1765 : vector<16xi32> to vector<16xi32>
      %swap3A_1767 = vector.shape_cast %min3A_1763 : vector<16xi32> to vector<16xi32>
      tpu.vector_store %arg10[%swap3A_1764], %swap3A_1767 {strides = array<i32>} : memref<64xi32, #tpu.memory_space<vmem>>, vector<16xi32>,
      %add3A_1768 = arith.constant 2671 : i32
      %add3A_1769 = vector.broadcast %add3A_1768 : i32 to vector<16xi32>
      %add3A_1770 = arith.addi %iota3A, %add3A_1769 : vector<16xi32>
      %min3A_1771 = arith.constant 2999 : i32
      %min3A_1772 = vector.broadcast %min3A_1771 : i32 to vector<16xi32>
      %min3A_1773 = arith.minsi %add3A_1770, %min3A_1772 : vector<16xi32>
      %swap3A_1774 = arith.constant 32 : index
      %swap3A_1775 = tpu.vector_load %arg10[%swap3A_1774] {strides = array<i32>} : memref<64xi32, #tpu.memory_space<vmem>>, vector<16xi32>,
      %swap3A_1776 = vector.shape_cast %swap3A_1775 : vector<16xi32> to vector<16xi32>
      %swap3A_1777 = vector.shape_cast %min3A_1773 : vector<16xi32> to vector<16xi32>
      tpu.vector_store %arg10[%swap3A_1774], %swap3A_1777 {strides = array<i32>} : memref<64xi32, #tpu.memory_space<vmem>>, vector<16xi32>,
      %add3A_1778 = arith.constant 2687 : i32
      %add3A_1779 = vector.broadcast %add3A_1778 : i32 to vector<16xi32>
      %add3A_1780 = arith.addi %iota3A, %add3A_1779 : vector<16xi32>
      %min3A_1781 = arith.constant 2999 : i32
      %min3A_1782 = vector.broadcast %min3A_1781 : i32 to vector<16xi32>
      %min3A_1783 = arith.minsi %add3A_1780, %min3A_1782 : vector<16xi32>
      %swap3A_1784 = arith.constant 48 : index
      %swap3A_1785 = tpu.vector_load %arg10[%swap3A_1784] {strides = array<i32>} : memref<64xi32, #tpu.memory_space<vmem>>, vector<16xi32>,
      %swap3A_1786 = vector.shape_cast %swap3A_1785 : vector<16xi32> to vector<16xi32>
      %swap3A_1787 = vector.shape_cast %min3A_1783 : vector<16xi32> to vector<16xi32>
      tpu.vector_store %arg10[%swap3A_1784], %swap3A_1787 {strides = array<i32>} : memref<64xi32, #tpu.memory_space<vmem>>, vector<16xi32>,
    } else {
    }
    %eq3A_53 = arith.constant 11 : i32
    %eq3A_54 = arith.cmpi eq, %add3A, %eq3A_53 : i32
    %convert_element_type3A_55 = arith.extui %eq3A_54 : i1 to i32
    %cond3A_56 = arith.constant 0 : i32
    %cond3A_57 = arith.cmpi ne, %convert_element_type3A_55, %cond3A_56 : i32
    scf.if %cond3A_57 {
      %add3A_1748 = arith.constant 2703 : i32
      %add3A_1749 = vector.broadcast %add3A_1748 : i32 to vector<16xi32>
      %add3A_1750 = arith.addi %iota3A, %add3A_1749 : vector<16xi32>
      %min3A_1751 = arith.constant 2999 : i32
      %min3A_1752 = vector.broadcast %min3A_1751 : i32 to vector<16xi32>
      %min3A_1753 = arith.minsi %add3A_1750, %min3A_1752 : vector<16xi32>
      %swap3A_1754 = arith.constant 0 : index
      %swap3A_1755 = tpu.vector_load %arg10[%swap3A_1754] {strides = array<i32>} : memref<64xi32, #tpu.memory_space<vmem>>, vector<16xi32>,
      %swap3A_1756 = vector.shape_cast %swap3A_1755 : vector<16xi32> to vector<16xi32>
      %swap3A_1757 = vector.shape_cast %min3A_1753 : vector<16xi32> to vector<16xi32>
      tpu.vector_store %arg10[%swap3A_1754], %swap3A_1757 {strides = array<i32>} : memref<64xi32, #tpu.memory_space<vmem>>, vector<16xi32>,
      %add3A_1758 = arith.constant 2719 : i32
      %add3A_1759 = vector.broadcast %add3A_1758 : i32 to vector<16xi32>
      %add3A_1760 = arith.addi %iota3A, %add3A_1759 : vector<16xi32>
      %min3A_1761 = arith.constant 2999 : i32
      %min3A_1762 = vector.broadcast %min3A_1761 : i32 to vector<16xi32>
      %min3A_1763 = arith.minsi %add3A_1760, %min3A_1762 : vector<16xi32>
      %swap3A_1764 = arith.constant 16 : index
      %swap3A_1765 = tpu.vector_load %arg10[%swap3A_1764] {strides = array<i32>} : memref<64xi32, #tpu.memory_space<vmem>>, vector<16xi32>,
      %swap3A_1766 = vector.shape_cast %swap3A_1765 : vector<16xi32> to vector<16xi32>
      %swap3A_1767 = vector.shape_cast %min3A_1763 : vector<16xi32> to vector<16xi32>
      tpu.vector_store %arg10[%swap3A_1764], %swap3A_1767 {strides = array<i32>} : memref<64xi32, #tpu.memory_space<vmem>>, vector<16xi32>,
      %add3A_1768 = arith.constant 2735 : i32
      %add3A_1769 = vector.broadcast %add3A_1768 : i32 to vector<16xi32>
      %add3A_1770 = arith.addi %iota3A, %add3A_1769 : vector<16xi32>
      %min3A_1771 = arith.constant 2999 : i32
      %min3A_1772 = vector.broadcast %min3A_1771 : i32 to vector<16xi32>
      %min3A_1773 = arith.minsi %add3A_1770, %min3A_1772 : vector<16xi32>
      %swap3A_1774 = arith.constant 32 : index
      %swap3A_1775 = tpu.vector_load %arg10[%swap3A_1774] {strides = array<i32>} : memref<64xi32, #tpu.memory_space<vmem>>, vector<16xi32>,
      %swap3A_1776 = vector.shape_cast %swap3A_1775 : vector<16xi32> to vector<16xi32>
      %swap3A_1777 = vector.shape_cast %min3A_1773 : vector<16xi32> to vector<16xi32>
      tpu.vector_store %arg10[%swap3A_1774], %swap3A_1777 {strides = array<i32>} : memref<64xi32, #tpu.memory_space<vmem>>, vector<16xi32>,
      %add3A_1778 = arith.constant 2751 : i32
      %add3A_1779 = vector.broadcast %add3A_1778 : i32 to vector<16xi32>
      %add3A_1780 = arith.addi %iota3A, %add3A_1779 : vector<16xi32>
      %min3A_1781 = arith.constant 2999 : i32
      %min3A_1782 = vector.broadcast %min3A_1781 : i32 to vector<16xi32>
      %min3A_1783 = arith.minsi %add3A_1780, %min3A_1782 : vector<16xi32>
      %swap3A_1784 = arith.constant 48 : index
      %swap3A_1785 = tpu.vector_load %arg10[%swap3A_1784] {strides = array<i32>} : memref<64xi32, #tpu.memory_space<vmem>>, vector<16xi32>,
      %swap3A_1786 = vector.shape_cast %swap3A_1785 : vector<16xi32> to vector<16xi32>
      %swap3A_1787 = vector.shape_cast %min3A_1783 : vector<16xi32> to vector<16xi32>
      tpu.vector_store %arg10[%swap3A_1784], %swap3A_1787 {strides = array<i32>} : memref<64xi32, #tpu.memory_space<vmem>>, vector<16xi32>,
    } else {
    }
    %eq3A_58 = arith.constant 12 : i32
    %eq3A_59 = arith.cmpi eq, %add3A, %eq3A_58 : i32
    %convert_element_type3A_60 = arith.extui %eq3A_59 : i1 to i32
    %cond3A_61 = arith.constant 0 : i32
    %cond3A_62 = arith.cmpi ne, %convert_element_type3A_60, %cond3A_61 : i32
    scf.if %cond3A_62 {
      %add3A_1748 = arith.constant 2767 : i32
      %add3A_1749 = vector.broadcast %add3A_1748 : i32 to vector<16xi32>
      %add3A_1750 = arith.addi %iota3A, %add3A_1749 : vector<16xi32>
      %min3A_1751 = arith.constant 2999 : i32
      %min3A_1752 = vector.broadcast %min3A_1751 : i32 to vector<16xi32>
      %min3A_1753 = arith.minsi %add3A_1750, %min3A_1752 : vector<16xi32>
      %swap3A_1754 = arith.constant 0 : index
      %swap3A_1755 = tpu.vector_load %arg10[%swap3A_1754] {strides = array<i32>} : memref<64xi32, #tpu.memory_space<vmem>>, vector<16xi32>,
      %swap3A_1756 = vector.shape_cast %swap3A_1755 : vector<16xi32> to vector<16xi32>
      %swap3A_1757 = vector.shape_cast %min3A_1753 : vector<16xi32> to vector<16xi32>
      tpu.vector_store %arg10[%swap3A_1754], %swap3A_1757 {strides = array<i32>} : memref<64xi32, #tpu.memory_space<vmem>>, vector<16xi32>,
      %add3A_1758 = arith.constant 2783 : i32
      %add3A_1759 = vector.broadcast %add3A_1758 : i32 to vector<16xi32>
      %add3A_1760 = arith.addi %iota3A, %add3A_1759 : vector<16xi32>
      %min3A_1761 = arith.constant 2999 : i32
      %min3A_1762 = vector.broadcast %min3A_1761 : i32 to vector<16xi32>
      %min3A_1763 = arith.minsi %add3A_1760, %min3A_1762 : vector<16xi32>
      %swap3A_1764 = arith.constant 16 : index
      %swap3A_1765 = tpu.vector_load %arg10[%swap3A_1764] {strides = array<i32>} : memref<64xi32, #tpu.memory_space<vmem>>, vector<16xi32>,
      %swap3A_1766 = vector.shape_cast %swap3A_1765 : vector<16xi32> to vector<16xi32>
      %swap3A_1767 = vector.shape_cast %min3A_1763 : vector<16xi32> to vector<16xi32>
      tpu.vector_store %arg10[%swap3A_1764], %swap3A_1767 {strides = array<i32>} : memref<64xi32, #tpu.memory_space<vmem>>, vector<16xi32>,
      %add3A_1768 = arith.constant 2799 : i32
      %add3A_1769 = vector.broadcast %add3A_1768 : i32 to vector<16xi32>
      %add3A_1770 = arith.addi %iota3A, %add3A_1769 : vector<16xi32>
      %min3A_1771 = arith.constant 2999 : i32
      %min3A_1772 = vector.broadcast %min3A_1771 : i32 to vector<16xi32>
      %min3A_1773 = arith.minsi %add3A_1770, %min3A_1772 : vector<16xi32>
      %swap3A_1774 = arith.constant 32 : index
      %swap3A_1775 = tpu.vector_load %arg10[%swap3A_1774] {strides = array<i32>} : memref<64xi32, #tpu.memory_space<vmem>>, vector<16xi32>,
      %swap3A_1776 = vector.shape_cast %swap3A_1775 : vector<16xi32> to vector<16xi32>
      %swap3A_1777 = vector.shape_cast %min3A_1773 : vector<16xi32> to vector<16xi32>
      tpu.vector_store %arg10[%swap3A_1774], %swap3A_1777 {strides = array<i32>} : memref<64xi32, #tpu.memory_space<vmem>>, vector<16xi32>,
      %add3A_1778 = arith.constant 2815 : i32
      %add3A_1779 = vector.broadcast %add3A_1778 : i32 to vector<16xi32>
      %add3A_1780 = arith.addi %iota3A, %add3A_1779 : vector<16xi32>
      %min3A_1781 = arith.constant 2999 : i32
      %min3A_1782 = vector.broadcast %min3A_1781 : i32 to vector<16xi32>
      %min3A_1783 = arith.minsi %add3A_1780, %min3A_1782 : vector<16xi32>
      %swap3A_1784 = arith.constant 48 : index
      %swap3A_1785 = tpu.vector_load %arg10[%swap3A_1784] {strides = array<i32>} : memref<64xi32, #tpu.memory_space<vmem>>, vector<16xi32>,
      %swap3A_1786 = vector.shape_cast %swap3A_1785 : vector<16xi32> to vector<16xi32>
      %swap3A_1787 = vector.shape_cast %min3A_1783 : vector<16xi32> to vector<16xi32>
      tpu.vector_store %arg10[%swap3A_1784], %swap3A_1787 {strides = array<i32>} : memref<64xi32, #tpu.memory_space<vmem>>, vector<16xi32>,
    } else {
    }
    %eq3A_63 = arith.constant 13 : i32
    %eq3A_64 = arith.cmpi eq, %add3A, %eq3A_63 : i32
    %convert_element_type3A_65 = arith.extui %eq3A_64 : i1 to i32
    %cond3A_66 = arith.constant 0 : i32
    %cond3A_67 = arith.cmpi ne, %convert_element_type3A_65, %cond3A_66 : i32
    scf.if %cond3A_67 {
      %add3A_1748 = arith.constant 2831 : i32
      %add3A_1749 = vector.broadcast %add3A_1748 : i32 to vector<16xi32>
      %add3A_1750 = arith.addi %iota3A, %add3A_1749 : vector<16xi32>
      %min3A_1751 = arith.constant 2999 : i32
      %min3A_1752 = vector.broadcast %min3A_1751 : i32 to vector<16xi32>
      %min3A_1753 = arith.minsi %add3A_1750, %min3A_1752 : vector<16xi32>
      %swap3A_1754 = arith.constant 0 : index
      %swap3A_1755 = tpu.vector_load %arg10[%swap3A_1754] {strides = array<i32>} : memref<64xi32, #tpu.memory_space<vmem>>, vector<16xi32>,
      %swap3A_1756 = vector.shape_cast %swap3A_1755 : vector<16xi32> to vector<16xi32>
      %swap3A_1757 = vector.shape_cast %min3A_1753 : vector<16xi32> to vector<16xi32>
      tpu.vector_store %arg10[%swap3A_1754], %swap3A_1757 {strides = array<i32>} : memref<64xi32, #tpu.memory_space<vmem>>, vector<16xi32>,
      %add3A_1758 = arith.constant 2847 : i32
      %add3A_1759 = vector.broadcast %add3A_1758 : i32 to vector<16xi32>
      %add3A_1760 = arith.addi %iota3A, %add3A_1759 : vector<16xi32>
      %min3A_1761 = arith.constant 2999 : i32
      %min3A_1762 = vector.broadcast %min3A_1761 : i32 to vector<16xi32>
      %min3A_1763 = arith.minsi %add3A_1760, %min3A_1762 : vector<16xi32>
      %swap3A_1764 = arith.constant 16 : index
      %swap3A_1765 = tpu.vector_load %arg10[%swap3A_1764] {strides = array<i32>} : memref<64xi32, #tpu.memory_space<vmem>>, vector<16xi32>,
      %swap3A_1766 = vector.shape_cast %swap3A_1765 : vector<16xi32> to vector<16xi32>
      %swap3A_1767 = vector.shape_cast %min3A_1763 : vector<16xi32> to vector<16xi32>
      tpu.vector_store %arg10[%swap3A_1764], %swap3A_1767 {strides = array<i32>} : memref<64xi32, #tpu.memory_space<vmem>>, vector<16xi32>,
      %add3A_1768 = arith.constant 2863 : i32
      %add3A_1769 = vector.broadcast %add3A_1768 : i32 to vector<16xi32>
      %add3A_1770 = arith.addi %iota3A, %add3A_1769 : vector<16xi32>
      %min3A_1771 = arith.constant 2999 : i32
      %min3A_1772 = vector.broadcast %min3A_1771 : i32 to vector<16xi32>
      %min3A_1773 = arith.minsi %add3A_1770, %min3A_1772 : vector<16xi32>
      %swap3A_1774 = arith.constant 32 : index
      %swap3A_1775 = tpu.vector_load %arg10[%swap3A_1774] {strides = array<i32>} : memref<64xi32, #tpu.memory_space<vmem>>, vector<16xi32>,
      %swap3A_1776 = vector.shape_cast %swap3A_1775 : vector<16xi32> to vector<16xi32>
      %swap3A_1777 = vector.shape_cast %min3A_1773 : vector<16xi32> to vector<16xi32>
      tpu.vector_store %arg10[%swap3A_1774], %swap3A_1777 {strides = array<i32>} : memref<64xi32, #tpu.memory_space<vmem>>, vector<16xi32>,
      %add3A_1778 = arith.constant 2879 : i32
      %add3A_1779 = vector.broadcast %add3A_1778 : i32 to vector<16xi32>
      %add3A_1780 = arith.addi %iota3A, %add3A_1779 : vector<16xi32>
      %min3A_1781 = arith.constant 2999 : i32
      %min3A_1782 = vector.broadcast %min3A_1781 : i32 to vector<16xi32>
      %min3A_1783 = arith.minsi %add3A_1780, %min3A_1782 : vector<16xi32>
      %swap3A_1784 = arith.constant 48 : index
      %swap3A_1785 = tpu.vector_load %arg10[%swap3A_1784] {strides = array<i32>} : memref<64xi32, #tpu.memory_space<vmem>>, vector<16xi32>,
      %swap3A_1786 = vector.shape_cast %swap3A_1785 : vector<16xi32> to vector<16xi32>
      %swap3A_1787 = vector.shape_cast %min3A_1783 : vector<16xi32> to vector<16xi32>
      tpu.vector_store %arg10[%swap3A_1784], %swap3A_1787 {strides = array<i32>} : memref<64xi32, #tpu.memory_space<vmem>>, vector<16xi32>,
    } else {
    }
    %eq3A_68 = arith.constant 14 : i32
    %eq3A_69 = arith.cmpi eq, %add3A, %eq3A_68 : i32
    %convert_element_type3A_70 = arith.extui %eq3A_69 : i1 to i32
    %cond3A_71 = arith.constant 0 : i32
    %cond3A_72 = arith.cmpi ne, %convert_element_type3A_70, %cond3A_71 : i32
    scf.if %cond3A_72 {
      %add3A_1748 = arith.constant 2895 : i32
      %add3A_1749 = vector.broadcast %add3A_1748 : i32 to vector<16xi32>
      %add3A_1750 = arith.addi %iota3A, %add3A_1749 : vector<16xi32>
      %min3A_1751 = arith.constant 2999 : i32
      %min3A_1752 = vector.broadcast %min3A_1751 : i32 to vector<16xi32>
      %min3A_1753 = arith.minsi %add3A_1750, %min3A_1752 : vector<16xi32>
      %swap3A_1754 = arith.constant 0 : index
      %swap3A_1755 = tpu.vector_load %arg10[%swap3A_1754] {strides = array<i32>} : memref<64xi32, #tpu.memory_space<vmem>>, vector<16xi32>,
      %swap3A_1756 = vector.shape_cast %swap3A_1755 : vector<16xi32> to vector<16xi32>
      %swap3A_1757 = vector.shape_cast %min3A_1753 : vector<16xi32> to vector<16xi32>
      tpu.vector_store %arg10[%swap3A_1754], %swap3A_1757 {strides = array<i32>} : memref<64xi32, #tpu.memory_space<vmem>>, vector<16xi32>,
      %add3A_1758 = arith.constant 2911 : i32
      %add3A_1759 = vector.broadcast %add3A_1758 : i32 to vector<16xi32>
      %add3A_1760 = arith.addi %iota3A, %add3A_1759 : vector<16xi32>
      %min3A_1761 = arith.constant 2999 : i32
      %min3A_1762 = vector.broadcast %min3A_1761 : i32 to vector<16xi32>
      %min3A_1763 = arith.minsi %add3A_1760, %min3A_1762 : vector<16xi32>
      %swap3A_1764 = arith.constant 16 : index
      %swap3A_1765 = tpu.vector_load %arg10[%swap3A_1764] {strides = array<i32>} : memref<64xi32, #tpu.memory_space<vmem>>, vector<16xi32>,
      %swap3A_1766 = vector.shape_cast %swap3A_1765 : vector<16xi32> to vector<16xi32>
      %swap3A_1767 = vector.shape_cast %min3A_1763 : vector<16xi32> to vector<16xi32>
      tpu.vector_store %arg10[%swap3A_1764], %swap3A_1767 {strides = array<i32>} : memref<64xi32, #tpu.memory_space<vmem>>, vector<16xi32>,
      %add3A_1768 = arith.constant 2927 : i32
      %add3A_1769 = vector.broadcast %add3A_1768 : i32 to vector<16xi32>
      %add3A_1770 = arith.addi %iota3A, %add3A_1769 : vector<16xi32>
      %min3A_1771 = arith.constant 2999 : i32
      %min3A_1772 = vector.broadcast %min3A_1771 : i32 to vector<16xi32>
      %min3A_1773 = arith.minsi %add3A_1770, %min3A_1772 : vector<16xi32>
      %swap3A_1774 = arith.constant 32 : index
      %swap3A_1775 = tpu.vector_load %arg10[%swap3A_1774] {strides = array<i32>} : memref<64xi32, #tpu.memory_space<vmem>>, vector<16xi32>,
      %swap3A_1776 = vector.shape_cast %swap3A_1775 : vector<16xi32> to vector<16xi32>
      %swap3A_1777 = vector.shape_cast %min3A_1773 : vector<16xi32> to vector<16xi32>
      tpu.vector_store %arg10[%swap3A_1774], %swap3A_1777 {strides = array<i32>} : memref<64xi32, #tpu.memory_space<vmem>>, vector<16xi32>,
      %add3A_1778 = arith.constant 2943 : i32
      %add3A_1779 = vector.broadcast %add3A_1778 : i32 to vector<16xi32>
      %add3A_1780 = arith.addi %iota3A, %add3A_1779 : vector<16xi32>
      %min3A_1781 = arith.constant 2999 : i32
      %min3A_1782 = vector.broadcast %min3A_1781 : i32 to vector<16xi32>
      %min3A_1783 = arith.minsi %add3A_1780, %min3A_1782 : vector<16xi32>
      %swap3A_1784 = arith.constant 48 : index
      %swap3A_1785 = tpu.vector_load %arg10[%swap3A_1784] {strides = array<i32>} : memref<64xi32, #tpu.memory_space<vmem>>, vector<16xi32>,
      %swap3A_1786 = vector.shape_cast %swap3A_1785 : vector<16xi32> to vector<16xi32>
      %swap3A_1787 = vector.shape_cast %min3A_1783 : vector<16xi32> to vector<16xi32>
      tpu.vector_store %arg10[%swap3A_1784], %swap3A_1787 {strides = array<i32>} : memref<64xi32, #tpu.memory_space<vmem>>, vector<16xi32>,
    } else {
    }
    %eq3A_73 = arith.constant 15 : i32
    %eq3A_74 = arith.cmpi eq, %add3A, %eq3A_73 : i32
    %convert_element_type3A_75 = arith.extui %eq3A_74 : i1 to i32
    %cond3A_76 = arith.constant 0 : i32
    %cond3A_77 = arith.cmpi ne, %convert_element_type3A_75, %cond3A_76 : i32
    scf.if %cond3A_77 {
      %add3A_1748 = arith.constant 2959 : i32
      %add3A_1749 = vector.broadcast %add3A_1748 : i32 to vector<16xi32>
      %add3A_1750 = arith.addi %iota3A, %add3A_1749 : vector<16xi32>
      %min3A_1751 = arith.constant 2999 : i32
      %min3A_1752 = vector.broadcast %min3A_1751 : i32 to vector<16xi32>
      %min3A_1753 = arith.minsi %add3A_1750, %min3A_1752 : vector<16xi32>
      %swap3A_1754 = arith.constant 0 : index
      %swap3A_1755 = tpu.vector_load %arg10[%swap3A_1754] {strides = array<i32>} : memref<64xi32, #tpu.memory_space<vmem>>, vector<16xi32>,
      %swap3A_1756 = vector.shape_cast %swap3A_1755 : vector<16xi32> to vector<16xi32>
      %swap3A_1757 = vector.shape_cast %min3A_1753 : vector<16xi32> to vector<16xi32>
      tpu.vector_store %arg10[%swap3A_1754], %swap3A_1757 {strides = array<i32>} : memref<64xi32, #tpu.memory_space<vmem>>, vector<16xi32>,
      %add3A_1758 = arith.constant 2975 : i32
      %add3A_1759 = vector.broadcast %add3A_1758 : i32 to vector<16xi32>
      %add3A_1760 = arith.addi %iota3A, %add3A_1759 : vector<16xi32>
      %min3A_1761 = arith.constant 2999 : i32
      %min3A_1762 = vector.broadcast %min3A_1761 : i32 to vector<16xi32>
      %min3A_1763 = arith.minsi %add3A_1760, %min3A_1762 : vector<16xi32>
      %swap3A_1764 = arith.constant 16 : index
      %swap3A_1765 = tpu.vector_load %arg10[%swap3A_1764] {strides = array<i32>} : memref<64xi32, #tpu.memory_space<vmem>>, vector<16xi32>,
      %swap3A_1766 = vector.shape_cast %swap3A_1765 : vector<16xi32> to vector<16xi32>
      %swap3A_1767 = vector.shape_cast %min3A_1763 : vector<16xi32> to vector<16xi32>
      tpu.vector_store %arg10[%swap3A_1764], %swap3A_1767 {strides = array<i32>} : memref<64xi32, #tpu.memory_space<vmem>>, vector<16xi32>,
      %add3A_1768 = arith.constant 2991 : i32
      %add3A_1769 = vector.broadcast %add3A_1768 : i32 to vector<16xi32>
      %add3A_1770 = arith.addi %iota3A, %add3A_1769 : vector<16xi32>
      %min3A_1771 = arith.constant 2999 : i32
      %min3A_1772 = vector.broadcast %min3A_1771 : i32 to vector<16xi32>
      %min3A_1773 = arith.minsi %add3A_1770, %min3A_1772 : vector<16xi32>
      %swap3A_1774 = arith.constant 32 : index
      %swap3A_1775 = tpu.vector_load %arg10[%swap3A_1774] {strides = array<i32>} : memref<64xi32, #tpu.memory_space<vmem>>, vector<16xi32>,
      %swap3A_1776 = vector.shape_cast %swap3A_1775 : vector<16xi32> to vector<16xi32>
      %swap3A_1777 = vector.shape_cast %min3A_1773 : vector<16xi32> to vector<16xi32>
      tpu.vector_store %arg10[%swap3A_1774], %swap3A_1777 {strides = array<i32>} : memref<64xi32, #tpu.memory_space<vmem>>, vector<16xi32>,
      %add3A_1778 = arith.constant 3007 : i32
      %add3A_1779 = vector.broadcast %add3A_1778 : i32 to vector<16xi32>
      %add3A_1780 = arith.addi %iota3A, %add3A_1779 : vector<16xi32>
      %min3A_1781 = arith.constant 2999 : i32
      %min3A_1782 = vector.broadcast %min3A_1781 : i32 to vector<16xi32>
      %min3A_1783 = arith.minsi %add3A_1780, %min3A_1782 : vector<16xi32>
      %swap3A_1784 = arith.constant 48 : index
      %swap3A_1785 = tpu.vector_load %arg10[%swap3A_1784] {strides = array<i32>} : memref<64xi32, #tpu.memory_space<vmem>>, vector<16xi32>,
      %swap3A_1786 = vector.shape_cast %swap3A_1785 : vector<16xi32> to vector<16xi32>
      %swap3A_1787 = vector.shape_cast %min3A_1783 : vector<16xi32> to vector<16xi32>
      tpu.vector_store %arg10[%swap3A_1784], %swap3A_1787 {strides = array<i32>} : memref<64xi32, #tpu.memory_space<vmem>>, vector<16xi32>,
    } else {
    }
    %mul3A_78 = arith.constant 0 : i32
    %mul3A_79 = vector.broadcast %mul3A_78 : i32 to vector<16xi32>
    %mul3A_80 = arith.muli %iota3A, %mul3A_79 : vector<16xi32>
    %add3A_81 = arith.constant 1 : i32
    %add3A_82 = vector.broadcast %add3A_81 : i32 to vector<16xi32>
    %add3A_83 = arith.addi %mul3A_80, %add3A_82 : vector<16xi32>
    %swap3A = arith.constant 0 : index
    %swap3A_84 = tpu.vector_load %arg11[%swap3A] {strides = array<i32>} : memref<32xi32, #tpu.memory_space<vmem>>, vector<16xi32>,
    %swap3A_85 = vector.shape_cast %swap3A_84 : vector<16xi32> to vector<16xi32>
    %swap3A_86 = vector.shape_cast %add3A_83 : vector<16xi32> to vector<16xi32>
    tpu.vector_store %arg11[%swap3A], %swap3A_86 {strides = array<i32>} : memref<32xi32, #tpu.memory_space<vmem>>, vector<16xi32>,
    %mul3A_87 = arith.constant 0 : i32
    %mul3A_88 = vector.broadcast %mul3A_87 : i32 to vector<16xi32>
    %mul3A_89 = arith.muli %iota3A, %mul3A_88 : vector<16xi32>
    %swap3A_90 = arith.constant 16 : index
    %swap3A_91 = tpu.vector_load %arg11[%swap3A_90] {strides = array<i32>} : memref<32xi32, #tpu.memory_space<vmem>>, vector<16xi32>,
    %swap3A_92 = vector.shape_cast %swap3A_91 : vector<16xi32> to vector<16xi32>
    %swap3A_93 = vector.shape_cast %mul3A_89 : vector<16xi32> to vector<16xi32>
    tpu.vector_store %arg11[%swap3A_90], %swap3A_93 {strides = array<i32>} : memref<32xi32, #tpu.memory_space<vmem>>, vector<16xi32>,
    %dma_start3A = arith.constant 0 : i32
    %dma_start3A_94 = tpu.memref_slice %arg2[%dma_start3A] : memref<2xi32, #tpu.memory_space<hbm>> -> memref<2xi32, #tpu.memory_space<hbm>>
    tpu.enqueue_indirect_dma source(%dma_start3A_94 : memref<2xi32, #tpu.memory_space<hbm>>) target(%arg12 : memref<32xi32, #tpu.memory_space<vmem>>) offsets(%arg11 : memref<32xi32, #tpu.memory_space<vmem>>) semaphore(%arg27 : memref<!tpu.dma_semaphore, #tpu.memory_space<semaphore_mem>>)
    %dma_start3A_95 = arith.constant 0 : i32
    %dma_start3A_96 = tpu.memref_slice %arg3[%dma_start3A_95] : memref<3000xi32, #tpu.memory_space<hbm>> -> memref<3000xi32, #tpu.memory_space<hbm>>
    tpu.enqueue_indirect_dma source(%dma_start3A_96 : memref<3000xi32, #tpu.memory_space<hbm>>) target(%arg13 : memref<64xi32, #tpu.memory_space<vmem>>) offsets(%arg10 : memref<64xi32, #tpu.memory_space<vmem>>) semaphore(%arg26 : memref<!tpu.dma_semaphore, #tpu.memory_space<semaphore_mem>>)
    %dma_wait3A = arith.constant 0 : i32
    %dma_wait3A_97 = tpu.memref_slice %arg3[%dma_wait3A] : memref<3000xi32, #tpu.memory_space<hbm>> -> memref<3000xi32, #tpu.memory_space<hbm>>
    tpu.wait_indirect_dma semaphore(%arg26 : memref<!tpu.dma_semaphore, #tpu.memory_space<semaphore_mem>>) src(%dma_wait3A_97 : memref<3000xi32, #tpu.memory_space<hbm>>) dst(%arg13 : memref<64xi32, #tpu.memory_space<vmem>>)
    %eq3A_98 = arith.constant 0 : i32
    %eq3A_99 = arith.cmpi eq, %add3A, %eq3A_98 : i32
    %convert_element_type3A_100 = arith.extui %eq3A_99 : i1 to i32
    %cond3A_101 = arith.constant 0 : i32
    %cond3A_102 = arith.cmpi ne, %convert_element_type3A_100, %cond3A_101 : i32
    scf.if %cond3A_102 {
      %lt3A_1748 = arith.constant 1 : i32
      %lt3A_1749 = vector.broadcast %lt3A_1748 : i32 to vector<16xi32>
      %lt3A_1750 = arith.cmpi slt, %iota3A, %lt3A_1749 : vector<16xi32>
      %get3A_1751 = arith.constant 0 : index
      %get3A_1752 = tpu.vector_load %arg13[%get3A_1751] {strides = array<i32>} : memref<64xi32, #tpu.memory_space<vmem>>, vector<16xi32>,
      %get3A_1753 = vector.shape_cast %get3A_1752 : vector<16xi32> to vector<16xi32>
      %jit3A_1754 = arith.constant 0 : i32
      %broadcast_in_dim3A = vector.broadcast %jit3A_1754 : i32 to vector<16xi32>
      %select_n3A_1755 = arith.select %lt3A_1750, %broadcast_in_dim3A, %get3A_1753 : vector<16xi1>, vector<16xi32>
      %swap3A_1756 = arith.constant 0 : index
      %swap3A_1757 = tpu.vector_load %arg13[%swap3A_1756] {strides = array<i32>} : memref<64xi32, #tpu.memory_space<vmem>>, vector<16xi32>,
      %swap3A_1758 = vector.shape_cast %swap3A_1757 : vector<16xi32> to vector<16xi32>
      %swap3A_1759 = vector.shape_cast %select_n3A_1755 : vector<16xi32> to vector<16xi32>
      tpu.vector_store %arg13[%swap3A_1756], %swap3A_1759 {strides = array<i32>} : memref<64xi32, #tpu.memory_space<vmem>>, vector<16xi32>,
    } else {
    }
    %dma_start3A_103 = arith.constant 0 : i32
    %dma_start3A_104 = tpu.memref_slice %arg4[%dma_start3A_103] : memref<20000xf32, #tpu.memory_space<hbm>> -> memref<20000xf32, #tpu.memory_space<hbm>>
    tpu.enqueue_indirect_dma source(%dma_start3A_104 : memref<20000xf32, #tpu.memory_space<hbm>>) target(%arg14 : memref<64xf32, #tpu.memory_space<vmem>>) offsets(%arg13 : memref<64xi32, #tpu.memory_space<vmem>>) semaphore(%arg28 : memref<!tpu.dma_semaphore, #tpu.memory_space<semaphore_mem>>)
    %get3A = arith.constant 0 : index
    %get3A_105 = tpu.vector_load %arg13[%get3A] {strides = array<i32>} : memref<64xi32, #tpu.memory_space<vmem>>, vector<16xi32>,
    %get3A_106 = vector.shape_cast %get3A_105 : vector<16xi32> to vector<16xi32>
    %get3A_107 = arith.constant 16 : index
    %get3A_108 = tpu.vector_load %arg13[%get3A_107] {strides = array<i32>} : memref<64xi32, #tpu.memory_space<vmem>>, vector<16xi32>,
    %get3A_109 = vector.shape_cast %get3A_108 : vector<16xi32> to vector<16xi32>
    %get3A_110 = arith.constant 32 : index
    %get3A_111 = tpu.vector_load %arg13[%get3A_110] {strides = array<i32>} : memref<64xi32, #tpu.memory_space<vmem>>, vector<16xi32>,
    %get3A_112 = vector.shape_cast %get3A_111 : vector<16xi32> to vector<16xi32>
    %get3A_113 = arith.constant 48 : index
    %get3A_114 = tpu.vector_load %arg13[%get3A_113] {strides = array<i32>} : memref<64xi32, #tpu.memory_space<vmem>>, vector<16xi32>,
    %get3A_115 = vector.shape_cast %get3A_114 : vector<16xi32> to vector<16xi32>
    %add3A_116 = arith.constant 20000 : i32
    %add3A_117 = vector.broadcast %add3A_116 : i32 to vector<16xi32>
    %add3A_118 = arith.addi %get3A_106, %add3A_117 : vector<16xi32>
    %swap3A_119 = arith.constant 0 : index
    %swap3A_120 = tpu.vector_load %arg15[%swap3A_119] {strides = array<i32>} : memref<128xi32, #tpu.memory_space<vmem>>, vector<16xi32>,
    %swap3A_121 = vector.shape_cast %swap3A_120 : vector<16xi32> to vector<16xi32>
    %swap3A_122 = vector.shape_cast %add3A_118 : vector<16xi32> to vector<16xi32>
    tpu.vector_store %arg15[%swap3A_119], %swap3A_122 {strides = array<i32>} : memref<128xi32, #tpu.memory_space<vmem>>, vector<16xi32>,
    %add3A_123 = arith.constant 20000 : i32
    %add3A_124 = vector.broadcast %add3A_123 : i32 to vector<16xi32>
    %add3A_125 = arith.addi %get3A_109, %add3A_124 : vector<16xi32>
    %swap3A_126 = arith.constant 16 : index
    %swap3A_127 = tpu.vector_load %arg15[%swap3A_126] {strides = array<i32>} : memref<128xi32, #tpu.memory_space<vmem>>, vector<16xi32>,
    %swap3A_128 = vector.shape_cast %swap3A_127 : vector<16xi32> to vector<16xi32>
    %swap3A_129 = vector.shape_cast %add3A_125 : vector<16xi32> to vector<16xi32>
    tpu.vector_store %arg15[%swap3A_126], %swap3A_129 {strides = array<i32>} : memref<128xi32, #tpu.memory_space<vmem>>, vector<16xi32>,
    %add3A_130 = arith.constant 20000 : i32
    %add3A_131 = vector.broadcast %add3A_130 : i32 to vector<16xi32>
    %add3A_132 = arith.addi %get3A_112, %add3A_131 : vector<16xi32>
    %swap3A_133 = arith.constant 32 : index
    %swap3A_134 = tpu.vector_load %arg15[%swap3A_133] {strides = array<i32>} : memref<128xi32, #tpu.memory_space<vmem>>, vector<16xi32>,
    %swap3A_135 = vector.shape_cast %swap3A_134 : vector<16xi32> to vector<16xi32>
    %swap3A_136 = vector.shape_cast %add3A_132 : vector<16xi32> to vector<16xi32>
    tpu.vector_store %arg15[%swap3A_133], %swap3A_136 {strides = array<i32>} : memref<128xi32, #tpu.memory_space<vmem>>, vector<16xi32>,
    %add3A_137 = arith.constant 20000 : i32
    %add3A_138 = vector.broadcast %add3A_137 : i32 to vector<16xi32>
    %add3A_139 = arith.addi %get3A_115, %add3A_138 : vector<16xi32>
    %swap3A_140 = arith.constant 48 : index
    %swap3A_141 = tpu.vector_load %arg15[%swap3A_140] {strides = array<i32>} : memref<128xi32, #tpu.memory_space<vmem>>, vector<16xi32>,
    %swap3A_142 = vector.shape_cast %swap3A_141 : vector<16xi32> to vector<16xi32>
    %swap3A_143 = vector.shape_cast %add3A_139 : vector<16xi32> to vector<16xi32>
    tpu.vector_store %arg15[%swap3A_140], %swap3A_143 {strides = array<i32>} : memref<128xi32, #tpu.memory_space<vmem>>, vector<16xi32>,
    %add3A_144 = arith.constant 0 : i32
    %add3A_145 = vector.broadcast %add3A_144 : i32 to vector<16xi32>
    %add3A_146 = arith.addi %get3A_106, %add3A_145 : vector<16xi32>
    %swap3A_147 = arith.constant 64 : index
    %swap3A_148 = tpu.vector_load %arg15[%swap3A_147] {strides = array<i32>} : memref<128xi32, #tpu.memory_space<vmem>>, vector<16xi32>,
    %swap3A_149 = vector.shape_cast %swap3A_148 : vector<16xi32> to vector<16xi32>
    %swap3A_150 = vector.shape_cast %add3A_146 : vector<16xi32> to vector<16xi32>
    tpu.vector_store %arg15[%swap3A_147], %swap3A_150 {strides = array<i32>} : memref<128xi32, #tpu.memory_space<vmem>>, vector<16xi32>,
    %add3A_151 = arith.constant 0 : i32
    %add3A_152 = vector.broadcast %add3A_151 : i32 to vector<16xi32>
    %add3A_153 = arith.addi %get3A_109, %add3A_152 : vector<16xi32>
    %swap3A_154 = arith.constant 80 : index
    %swap3A_155 = tpu.vector_load %arg15[%swap3A_154] {strides = array<i32>} : memref<128xi32, #tpu.memory_space<vmem>>, vector<16xi32>,
    %swap3A_156 = vector.shape_cast %swap3A_155 : vector<16xi32> to vector<16xi32>
    %swap3A_157 = vector.shape_cast %add3A_153 : vector<16xi32> to vector<16xi32>
    tpu.vector_store %arg15[%swap3A_154], %swap3A_157 {strides = array<i32>} : memref<128xi32, #tpu.memory_space<vmem>>, vector<16xi32>,
    %add3A_158 = arith.constant 0 : i32
    %add3A_159 = vector.broadcast %add3A_158 : i32 to vector<16xi32>
    %add3A_160 = arith.addi %get3A_112, %add3A_159 : vector<16xi32>
    %swap3A_161 = arith.constant 96 : index
    %swap3A_162 = tpu.vector_load %arg15[%swap3A_161] {strides = array<i32>} : memref<128xi32, #tpu.memory_space<vmem>>, vector<16xi32>,
    %swap3A_163 = vector.shape_cast %swap3A_162 : vector<16xi32> to vector<16xi32>
    %swap3A_164 = vector.shape_cast %add3A_160 : vector<16xi32> to vector<16xi32>
    tpu.vector_store %arg15[%swap3A_161], %swap3A_164 {strides = array<i32>} : memref<128xi32, #tpu.memory_space<vmem>>, vector<16xi32>,
    %add3A_165 = arith.constant 0 : i32
    %add3A_166 = vector.broadcast %add3A_165 : i32 to vector<16xi32>
    %add3A_167 = arith.addi %get3A_115, %add3A_166 : vector<16xi32>
    %swap3A_168 = arith.constant 112 : index
    %swap3A_169 = tpu.vector_load %arg15[%swap3A_168] {strides = array<i32>} : memref<128xi32, #tpu.memory_space<vmem>>, vector<16xi32>,
    %swap3A_170 = vector.shape_cast %swap3A_169 : vector<16xi32> to vector<16xi32>
    %swap3A_171 = vector.shape_cast %add3A_167 : vector<16xi32> to vector<16xi32>
    tpu.vector_store %arg15[%swap3A_168], %swap3A_171 {strides = array<i32>} : memref<128xi32, #tpu.memory_space<vmem>>, vector<16xi32>,
    %add3A_172 = arith.constant 60000 : i32
    %add3A_173 = vector.broadcast %add3A_172 : i32 to vector<16xi32>
    %add3A_174 = arith.addi %get3A_106, %add3A_173 : vector<16xi32>
    %swap3A_175 = arith.constant 0 : index
    %swap3A_176 = tpu.vector_load %arg16[%swap3A_175] {strides = array<i32>} : memref<128xi32, #tpu.memory_space<vmem>>, vector<16xi32>,
    %swap3A_177 = vector.shape_cast %swap3A_176 : vector<16xi32> to vector<16xi32>
    %swap3A_178 = vector.shape_cast %add3A_174 : vector<16xi32> to vector<16xi32>
    tpu.vector_store %arg16[%swap3A_175], %swap3A_178 {strides = array<i32>} : memref<128xi32, #tpu.memory_space<vmem>>, vector<16xi32>,
    %add3A_179 = arith.constant 60000 : i32
    %add3A_180 = vector.broadcast %add3A_179 : i32 to vector<16xi32>
    %add3A_181 = arith.addi %get3A_109, %add3A_180 : vector<16xi32>
    %swap3A_182 = arith.constant 16 : index
    %swap3A_183 = tpu.vector_load %arg16[%swap3A_182] {strides = array<i32>} : memref<128xi32, #tpu.memory_space<vmem>>, vector<16xi32>,
    %swap3A_184 = vector.shape_cast %swap3A_183 : vector<16xi32> to vector<16xi32>
    %swap3A_185 = vector.shape_cast %add3A_181 : vector<16xi32> to vector<16xi32>
    tpu.vector_store %arg16[%swap3A_182], %swap3A_185 {strides = array<i32>} : memref<128xi32, #tpu.memory_space<vmem>>, vector<16xi32>,
    %add3A_186 = arith.constant 60000 : i32
    %add3A_187 = vector.broadcast %add3A_186 : i32 to vector<16xi32>
    %add3A_188 = arith.addi %get3A_112, %add3A_187 : vector<16xi32>
    %swap3A_189 = arith.constant 32 : index
    %swap3A_190 = tpu.vector_load %arg16[%swap3A_189] {strides = array<i32>} : memref<128xi32, #tpu.memory_space<vmem>>, vector<16xi32>,
    %swap3A_191 = vector.shape_cast %swap3A_190 : vector<16xi32> to vector<16xi32>
    %swap3A_192 = vector.shape_cast %add3A_188 : vector<16xi32> to vector<16xi32>
    tpu.vector_store %arg16[%swap3A_189], %swap3A_192 {strides = array<i32>} : memref<128xi32, #tpu.memory_space<vmem>>, vector<16xi32>,
    %add3A_193 = arith.constant 60000 : i32
    %add3A_194 = vector.broadcast %add3A_193 : i32 to vector<16xi32>
    %add3A_195 = arith.addi %get3A_115, %add3A_194 : vector<16xi32>
    %swap3A_196 = arith.constant 48 : index
    %swap3A_197 = tpu.vector_load %arg16[%swap3A_196] {strides = array<i32>} : memref<128xi32, #tpu.memory_space<vmem>>, vector<16xi32>,
    %swap3A_198 = vector.shape_cast %swap3A_197 : vector<16xi32> to vector<16xi32>
    %swap3A_199 = vector.shape_cast %add3A_195 : vector<16xi32> to vector<16xi32>
    tpu.vector_store %arg16[%swap3A_196], %swap3A_199 {strides = array<i32>} : memref<128xi32, #tpu.memory_space<vmem>>, vector<16xi32>,
    %add3A_200 = arith.constant 40000 : i32
    %add3A_201 = vector.broadcast %add3A_200 : i32 to vector<16xi32>
    %add3A_202 = arith.addi %get3A_106, %add3A_201 : vector<16xi32>
    %swap3A_203 = arith.constant 64 : index
    %swap3A_204 = tpu.vector_load %arg16[%swap3A_203] {strides = array<i32>} : memref<128xi32, #tpu.memory_space<vmem>>, vector<16xi32>,
    %swap3A_205 = vector.shape_cast %swap3A_204 : vector<16xi32> to vector<16xi32>
    %swap3A_206 = vector.shape_cast %add3A_202 : vector<16xi32> to vector<16xi32>
    tpu.vector_store %arg16[%swap3A_203], %swap3A_206 {strides = array<i32>} : memref<128xi32, #tpu.memory_space<vmem>>, vector<16xi32>,
    %add3A_207 = arith.constant 40000 : i32
    %add3A_208 = vector.broadcast %add3A_207 : i32 to vector<16xi32>
    %add3A_209 = arith.addi %get3A_109, %add3A_208 : vector<16xi32>
    %swap3A_210 = arith.constant 80 : index
    %swap3A_211 = tpu.vector_load %arg16[%swap3A_210] {strides = array<i32>} : memref<128xi32, #tpu.memory_space<vmem>>, vector<16xi32>,
    %swap3A_212 = vector.shape_cast %swap3A_211 : vector<16xi32> to vector<16xi32>
    %swap3A_213 = vector.shape_cast %add3A_209 : vector<16xi32> to vector<16xi32>
    tpu.vector_store %arg16[%swap3A_210], %swap3A_213 {strides = array<i32>} : memref<128xi32, #tpu.memory_space<vmem>>, vector<16xi32>,
    %add3A_214 = arith.constant 40000 : i32
    %add3A_215 = vector.broadcast %add3A_214 : i32 to vector<16xi32>
    %add3A_216 = arith.addi %get3A_112, %add3A_215 : vector<16xi32>
    %swap3A_217 = arith.constant 96 : index
    %swap3A_218 = tpu.vector_load %arg16[%swap3A_217] {strides = array<i32>} : memref<128xi32, #tpu.memory_space<vmem>>, vector<16xi32>,
    %swap3A_219 = vector.shape_cast %swap3A_218 : vector<16xi32> to vector<16xi32>
    %swap3A_220 = vector.shape_cast %add3A_216 : vector<16xi32> to vector<16xi32>
    tpu.vector_store %arg16[%swap3A_217], %swap3A_220 {strides = array<i32>} : memref<128xi32, #tpu.memory_space<vmem>>, vector<16xi32>,
    %add3A_221 = arith.constant 40000 : i32
    %add3A_222 = vector.broadcast %add3A_221 : i32 to vector<16xi32>
    %add3A_223 = arith.addi %get3A_115, %add3A_222 : vector<16xi32>
    %swap3A_224 = arith.constant 112 : index
    %swap3A_225 = tpu.vector_load %arg16[%swap3A_224] {strides = array<i32>} : memref<128xi32, #tpu.memory_space<vmem>>, vector<16xi32>,
    %swap3A_226 = vector.shape_cast %swap3A_225 : vector<16xi32> to vector<16xi32>
    %swap3A_227 = vector.shape_cast %add3A_223 : vector<16xi32> to vector<16xi32>
    tpu.vector_store %arg16[%swap3A_224], %swap3A_227 {strides = array<i32>} : memref<128xi32, #tpu.memory_space<vmem>>, vector<16xi32>,
    %dma_start3A_228 = arith.constant 0 : i32
    %dma_start3A_229 = tpu.memref_slice %arg22[%dma_start3A_228] : memref<256xf32, #tpu.memory_space<vmem>> -> memref<128xf32, #tpu.memory_space<vmem>>
    %dma_start3A_230 = arith.constant 0 : i32
    %dma_start3A_231 = tpu.memref_slice %arg5[%dma_start3A_230] : memref<80000xf32, #tpu.memory_space<hbm>> -> memref<80000xf32, #tpu.memory_space<hbm>>
    tpu.enqueue_indirect_dma source(%dma_start3A_231 : memref<80000xf32, #tpu.memory_space<hbm>>) target(%dma_start3A_229 : memref<128xf32, #tpu.memory_space<vmem>>) offsets(%arg15 : memref<128xi32, #tpu.memory_space<vmem>>) semaphore(%arg29 : memref<!tpu.dma_semaphore, #tpu.memory_space<semaphore_mem>>)
    %dma_start3A_232 = arith.constant 128 : i32
    %dma_start3A_233 = tpu.memref_slice %arg22[%dma_start3A_232] : memref<256xf32, #tpu.memory_space<vmem>> -> memref<128xf32, #tpu.memory_space<vmem>>
    %dma_start3A_234 = arith.constant 0 : i32
    %dma_start3A_235 = tpu.memref_slice %arg5[%dma_start3A_234] : memref<80000xf32, #tpu.memory_space<hbm>> -> memref<80000xf32, #tpu.memory_space<hbm>>
    tpu.enqueue_indirect_dma source(%dma_start3A_235 : memref<80000xf32, #tpu.memory_space<hbm>>) target(%dma_start3A_233 : memref<128xf32, #tpu.memory_space<vmem>>) offsets(%arg16 : memref<128xi32, #tpu.memory_space<vmem>>) semaphore(%arg29 : memref<!tpu.dma_semaphore, #tpu.memory_space<semaphore_mem>>)
    %add3A_236 = arith.constant 0 : i32
    %add3A_237 = vector.broadcast %add3A_236 : i32 to vector<16xi32>
    %add3A_238 = arith.addi %get3A_106, %add3A_237 : vector<16xi32>
    %swap3A_239 = arith.constant 0 : index
    %swap3A_240 = tpu.vector_load %arg17[%swap3A_239] {strides = array<i32>} : memref<128xi32, #tpu.memory_space<vmem>>, vector<16xi32>,
    %swap3A_241 = vector.shape_cast %swap3A_240 : vector<16xi32> to vector<16xi32>
    %swap3A_242 = vector.shape_cast %add3A_238 : vector<16xi32> to vector<16xi32>
    tpu.vector_store %arg17[%swap3A_239], %swap3A_242 {strides = array<i32>} : memref<128xi32, #tpu.memory_space<vmem>>, vector<16xi32>,
    %add3A_243 = arith.constant 0 : i32
    %add3A_244 = vector.broadcast %add3A_243 : i32 to vector<16xi32>
    %add3A_245 = arith.addi %get3A_109, %add3A_244 : vector<16xi32>
    %swap3A_246 = arith.constant 16 : index
    %swap3A_247 = tpu.vector_load %arg17[%swap3A_246] {strides = array<i32>} : memref<128xi32, #tpu.memory_space<vmem>>, vector<16xi32>,
    %swap3A_248 = vector.shape_cast %swap3A_247 : vector<16xi32> to vector<16xi32>
    %swap3A_249 = vector.shape_cast %add3A_245 : vector<16xi32> to vector<16xi32>
    tpu.vector_store %arg17[%swap3A_246], %swap3A_249 {strides = array<i32>} : memref<128xi32, #tpu.memory_space<vmem>>, vector<16xi32>,
    %add3A_250 = arith.constant 0 : i32
    %add3A_251 = vector.broadcast %add3A_250 : i32 to vector<16xi32>
    %add3A_252 = arith.addi %get3A_112, %add3A_251 : vector<16xi32>
    %swap3A_253 = arith.constant 32 : index
    %swap3A_254 = tpu.vector_load %arg17[%swap3A_253] {strides = array<i32>} : memref<128xi32, #tpu.memory_space<vmem>>, vector<16xi32>,
    %swap3A_255 = vector.shape_cast %swap3A_254 : vector<16xi32> to vector<16xi32>
    %swap3A_256 = vector.shape_cast %add3A_252 : vector<16xi32> to vector<16xi32>
    tpu.vector_store %arg17[%swap3A_253], %swap3A_256 {strides = array<i32>} : memref<128xi32, #tpu.memory_space<vmem>>, vector<16xi32>,
    %add3A_257 = arith.constant 0 : i32
    %add3A_258 = vector.broadcast %add3A_257 : i32 to vector<16xi32>
    %add3A_259 = arith.addi %get3A_115, %add3A_258 : vector<16xi32>
    %swap3A_260 = arith.constant 48 : index
    %swap3A_261 = tpu.vector_load %arg17[%swap3A_260] {strides = array<i32>} : memref<128xi32, #tpu.memory_space<vmem>>, vector<16xi32>,
    %swap3A_262 = vector.shape_cast %swap3A_261 : vector<16xi32> to vector<16xi32>
    %swap3A_263 = vector.shape_cast %add3A_259 : vector<16xi32> to vector<16xi32>
    tpu.vector_store %arg17[%swap3A_260], %swap3A_263 {strides = array<i32>} : memref<128xi32, #tpu.memory_space<vmem>>, vector<16xi32>,
    %add3A_264 = arith.constant 20000 : i32
    %add3A_265 = vector.broadcast %add3A_264 : i32 to vector<16xi32>
    %add3A_266 = arith.addi %get3A_106, %add3A_265 : vector<16xi32>
    %swap3A_267 = arith.constant 64 : index
    %swap3A_268 = tpu.vector_load %arg17[%swap3A_267] {strides = array<i32>} : memref<128xi32, #tpu.memory_space<vmem>>, vector<16xi32>,
    %swap3A_269 = vector.shape_cast %swap3A_268 : vector<16xi32> to vector<16xi32>
    %swap3A_270 = vector.shape_cast %add3A_266 : vector<16xi32> to vector<16xi32>
    tpu.vector_store %arg17[%swap3A_267], %swap3A_270 {strides = array<i32>} : memref<128xi32, #tpu.memory_space<vmem>>, vector<16xi32>,
    %add3A_271 = arith.constant 20000 : i32
    %add3A_272 = vector.broadcast %add3A_271 : i32 to vector<16xi32>
    %add3A_273 = arith.addi %get3A_109, %add3A_272 : vector<16xi32>
    %swap3A_274 = arith.constant 80 : index
    %swap3A_275 = tpu.vector_load %arg17[%swap3A_274] {strides = array<i32>} : memref<128xi32, #tpu.memory_space<vmem>>, vector<16xi32>,
    %swap3A_276 = vector.shape_cast %swap3A_275 : vector<16xi32> to vector<16xi32>
    %swap3A_277 = vector.shape_cast %add3A_273 : vector<16xi32> to vector<16xi32>
    tpu.vector_store %arg17[%swap3A_274], %swap3A_277 {strides = array<i32>} : memref<128xi32, #tpu.memory_space<vmem>>, vector<16xi32>,
    %add3A_278 = arith.constant 20000 : i32
    %add3A_279 = vector.broadcast %add3A_278 : i32 to vector<16xi32>
    %add3A_280 = arith.addi %get3A_112, %add3A_279 : vector<16xi32>
    %swap3A_281 = arith.constant 96 : index
    %swap3A_282 = tpu.vector_load %arg17[%swap3A_281] {strides = array<i32>} : memref<128xi32, #tpu.memory_space<vmem>>, vector<16xi32>,
    %swap3A_283 = vector.shape_cast %swap3A_282 : vector<16xi32> to vector<16xi32>
    %swap3A_284 = vector.shape_cast %add3A_280 : vector<16xi32> to vector<16xi32>
    tpu.vector_store %arg17[%swap3A_281], %swap3A_284 {strides = array<i32>} : memref<128xi32, #tpu.memory_space<vmem>>, vector<16xi32>,
    %add3A_285 = arith.constant 20000 : i32
    %add3A_286 = vector.broadcast %add3A_285 : i32 to vector<16xi32>
    %add3A_287 = arith.addi %get3A_115, %add3A_286 : vector<16xi32>
    %swap3A_288 = arith.constant 112 : index
    %swap3A_289 = tpu.vector_load %arg17[%swap3A_288] {strides = array<i32>} : memref<128xi32, #tpu.memory_space<vmem>>, vector<16xi32>,
    %swap3A_290 = vector.shape_cast %swap3A_289 : vector<16xi32> to vector<16xi32>
    %swap3A_291 = vector.shape_cast %add3A_287 : vector<16xi32> to vector<16xi32>
    tpu.vector_store %arg17[%swap3A_288], %swap3A_291 {strides = array<i32>} : memref<128xi32, #tpu.memory_space<vmem>>, vector<16xi32>,
    %add3A_292 = arith.constant 40000 : i32
    %add3A_293 = vector.broadcast %add3A_292 : i32 to vector<16xi32>
    %add3A_294 = arith.addi %get3A_106, %add3A_293 : vector<16xi32>
    %swap3A_295 = arith.constant 0 : index
    %swap3A_296 = tpu.vector_load %arg18[%swap3A_295] {strides = array<i32>} : memref<128xi32, #tpu.memory_space<vmem>>, vector<16xi32>,
    %swap3A_297 = vector.shape_cast %swap3A_296 : vector<16xi32> to vector<16xi32>
    %swap3A_298 = vector.shape_cast %add3A_294 : vector<16xi32> to vector<16xi32>
    tpu.vector_store %arg18[%swap3A_295], %swap3A_298 {strides = array<i32>} : memref<128xi32, #tpu.memory_space<vmem>>, vector<16xi32>,
    %add3A_299 = arith.constant 40000 : i32
    %add3A_300 = vector.broadcast %add3A_299 : i32 to vector<16xi32>
    %add3A_301 = arith.addi %get3A_109, %add3A_300 : vector<16xi32>
    %swap3A_302 = arith.constant 16 : index
    %swap3A_303 = tpu.vector_load %arg18[%swap3A_302] {strides = array<i32>} : memref<128xi32, #tpu.memory_space<vmem>>, vector<16xi32>,
    %swap3A_304 = vector.shape_cast %swap3A_303 : vector<16xi32> to vector<16xi32>
    %swap3A_305 = vector.shape_cast %add3A_301 : vector<16xi32> to vector<16xi32>
    tpu.vector_store %arg18[%swap3A_302], %swap3A_305 {strides = array<i32>} : memref<128xi32, #tpu.memory_space<vmem>>, vector<16xi32>,
    %add3A_306 = arith.constant 40000 : i32
    %add3A_307 = vector.broadcast %add3A_306 : i32 to vector<16xi32>
    %add3A_308 = arith.addi %get3A_112, %add3A_307 : vector<16xi32>
    %swap3A_309 = arith.constant 32 : index
    %swap3A_310 = tpu.vector_load %arg18[%swap3A_309] {strides = array<i32>} : memref<128xi32, #tpu.memory_space<vmem>>, vector<16xi32>,
    %swap3A_311 = vector.shape_cast %swap3A_310 : vector<16xi32> to vector<16xi32>
    %swap3A_312 = vector.shape_cast %add3A_308 : vector<16xi32> to vector<16xi32>
    tpu.vector_store %arg18[%swap3A_309], %swap3A_312 {strides = array<i32>} : memref<128xi32, #tpu.memory_space<vmem>>, vector<16xi32>,
    %add3A_313 = arith.constant 40000 : i32
    %add3A_314 = vector.broadcast %add3A_313 : i32 to vector<16xi32>
    %add3A_315 = arith.addi %get3A_115, %add3A_314 : vector<16xi32>
    %swap3A_316 = arith.constant 48 : index
    %swap3A_317 = tpu.vector_load %arg18[%swap3A_316] {strides = array<i32>} : memref<128xi32, #tpu.memory_space<vmem>>, vector<16xi32>,
    %swap3A_318 = vector.shape_cast %swap3A_317 : vector<16xi32> to vector<16xi32>
    %swap3A_319 = vector.shape_cast %add3A_315 : vector<16xi32> to vector<16xi32>
    tpu.vector_store %arg18[%swap3A_316], %swap3A_319 {strides = array<i32>} : memref<128xi32, #tpu.memory_space<vmem>>, vector<16xi32>,
    %add3A_320 = arith.constant 60000 : i32
    %add3A_321 = vector.broadcast %add3A_320 : i32 to vector<16xi32>
    %add3A_322 = arith.addi %get3A_106, %add3A_321 : vector<16xi32>
    %swap3A_323 = arith.constant 64 : index
    %swap3A_324 = tpu.vector_load %arg18[%swap3A_323] {strides = array<i32>} : memref<128xi32, #tpu.memory_space<vmem>>, vector<16xi32>,
    %swap3A_325 = vector.shape_cast %swap3A_324 : vector<16xi32> to vector<16xi32>
    %swap3A_326 = vector.shape_cast %add3A_322 : vector<16xi32> to vector<16xi32>
    tpu.vector_store %arg18[%swap3A_323], %swap3A_326 {strides = array<i32>} : memref<128xi32, #tpu.memory_space<vmem>>, vector<16xi32>,
    %add3A_327 = arith.constant 60000 : i32
    %add3A_328 = vector.broadcast %add3A_327 : i32 to vector<16xi32>
    %add3A_329 = arith.addi %get3A_109, %add3A_328 : vector<16xi32>
    %swap3A_330 = arith.constant 80 : index
    %swap3A_331 = tpu.vector_load %arg18[%swap3A_330] {strides = array<i32>} : memref<128xi32, #tpu.memory_space<vmem>>, vector<16xi32>,
    %swap3A_332 = vector.shape_cast %swap3A_331 : vector<16xi32> to vector<16xi32>
    %swap3A_333 = vector.shape_cast %add3A_329 : vector<16xi32> to vector<16xi32>
    tpu.vector_store %arg18[%swap3A_330], %swap3A_333 {strides = array<i32>} : memref<128xi32, #tpu.memory_space<vmem>>, vector<16xi32>,
    %add3A_334 = arith.constant 60000 : i32
    %add3A_335 = vector.broadcast %add3A_334 : i32 to vector<16xi32>
    %add3A_336 = arith.addi %get3A_112, %add3A_335 : vector<16xi32>
    %swap3A_337 = arith.constant 96 : index
    %swap3A_338 = tpu.vector_load %arg18[%swap3A_337] {strides = array<i32>} : memref<128xi32, #tpu.memory_space<vmem>>, vector<16xi32>,
    %swap3A_339 = vector.shape_cast %swap3A_338 : vector<16xi32> to vector<16xi32>
    %swap3A_340 = vector.shape_cast %add3A_336 : vector<16xi32> to vector<16xi32>
    tpu.vector_store %arg18[%swap3A_337], %swap3A_340 {strides = array<i32>} : memref<128xi32, #tpu.memory_space<vmem>>, vector<16xi32>,
    %add3A_341 = arith.constant 60000 : i32
    %add3A_342 = vector.broadcast %add3A_341 : i32 to vector<16xi32>
    %add3A_343 = arith.addi %get3A_115, %add3A_342 : vector<16xi32>
    %swap3A_344 = arith.constant 112 : index
    %swap3A_345 = tpu.vector_load %arg18[%swap3A_344] {strides = array<i32>} : memref<128xi32, #tpu.memory_space<vmem>>, vector<16xi32>,
    %swap3A_346 = vector.shape_cast %swap3A_345 : vector<16xi32> to vector<16xi32>
    %swap3A_347 = vector.shape_cast %add3A_343 : vector<16xi32> to vector<16xi32>
    tpu.vector_store %arg18[%swap3A_344], %swap3A_347 {strides = array<i32>} : memref<128xi32, #tpu.memory_space<vmem>>, vector<16xi32>,
    %add3A_348 = arith.constant 80000 : i32
    %add3A_349 = vector.broadcast %add3A_348 : i32 to vector<16xi32>
    %add3A_350 = arith.addi %get3A_106, %add3A_349 : vector<16xi32>
    %swap3A_351 = arith.constant 0 : index
    %swap3A_352 = tpu.vector_load %arg19[%swap3A_351] {strides = array<i32>} : memref<128xi32, #tpu.memory_space<vmem>>, vector<16xi32>,
    %swap3A_353 = vector.shape_cast %swap3A_352 : vector<16xi32> to vector<16xi32>
    %swap3A_354 = vector.shape_cast %add3A_350 : vector<16xi32> to vector<16xi32>
    tpu.vector_store %arg19[%swap3A_351], %swap3A_354 {strides = array<i32>} : memref<128xi32, #tpu.memory_space<vmem>>, vector<16xi32>,
    %add3A_355 = arith.constant 80000 : i32
    %add3A_356 = vector.broadcast %add3A_355 : i32 to vector<16xi32>
    %add3A_357 = arith.addi %get3A_109, %add3A_356 : vector<16xi32>
    %swap3A_358 = arith.constant 16 : index
    %swap3A_359 = tpu.vector_load %arg19[%swap3A_358] {strides = array<i32>} : memref<128xi32, #tpu.memory_space<vmem>>, vector<16xi32>,
    %swap3A_360 = vector.shape_cast %swap3A_359 : vector<16xi32> to vector<16xi32>
    %swap3A_361 = vector.shape_cast %add3A_357 : vector<16xi32> to vector<16xi32>
    tpu.vector_store %arg19[%swap3A_358], %swap3A_361 {strides = array<i32>} : memref<128xi32, #tpu.memory_space<vmem>>, vector<16xi32>,
    %add3A_362 = arith.constant 80000 : i32
    %add3A_363 = vector.broadcast %add3A_362 : i32 to vector<16xi32>
    %add3A_364 = arith.addi %get3A_112, %add3A_363 : vector<16xi32>
    %swap3A_365 = arith.constant 32 : index
    %swap3A_366 = tpu.vector_load %arg19[%swap3A_365] {strides = array<i32>} : memref<128xi32, #tpu.memory_space<vmem>>, vector<16xi32>,
    %swap3A_367 = vector.shape_cast %swap3A_366 : vector<16xi32> to vector<16xi32>
    %swap3A_368 = vector.shape_cast %add3A_364 : vector<16xi32> to vector<16xi32>
    tpu.vector_store %arg19[%swap3A_365], %swap3A_368 {strides = array<i32>} : memref<128xi32, #tpu.memory_space<vmem>>, vector<16xi32>,
    %add3A_369 = arith.constant 80000 : i32
    %add3A_370 = vector.broadcast %add3A_369 : i32 to vector<16xi32>
    %add3A_371 = arith.addi %get3A_115, %add3A_370 : vector<16xi32>
    %swap3A_372 = arith.constant 48 : index
    %swap3A_373 = tpu.vector_load %arg19[%swap3A_372] {strides = array<i32>} : memref<128xi32, #tpu.memory_space<vmem>>, vector<16xi32>,
    %swap3A_374 = vector.shape_cast %swap3A_373 : vector<16xi32> to vector<16xi32>
    %swap3A_375 = vector.shape_cast %add3A_371 : vector<16xi32> to vector<16xi32>
    tpu.vector_store %arg19[%swap3A_372], %swap3A_375 {strides = array<i32>} : memref<128xi32, #tpu.memory_space<vmem>>, vector<16xi32>,
    %add3A_376 = arith.constant 100000 : i32
    %add3A_377 = vector.broadcast %add3A_376 : i32 to vector<16xi32>
    %add3A_378 = arith.addi %get3A_106, %add3A_377 : vector<16xi32>
    %swap3A_379 = arith.constant 64 : index
    %swap3A_380 = tpu.vector_load %arg19[%swap3A_379] {strides = array<i32>} : memref<128xi32, #tpu.memory_space<vmem>>, vector<16xi32>,
    %swap3A_381 = vector.shape_cast %swap3A_380 : vector<16xi32> to vector<16xi32>
    %swap3A_382 = vector.shape_cast %add3A_378 : vector<16xi32> to vector<16xi32>
    tpu.vector_store %arg19[%swap3A_379], %swap3A_382 {strides = array<i32>} : memref<128xi32, #tpu.memory_space<vmem>>, vector<16xi32>,
    %add3A_383 = arith.constant 100000 : i32
    %add3A_384 = vector.broadcast %add3A_383 : i32 to vector<16xi32>
    %add3A_385 = arith.addi %get3A_109, %add3A_384 : vector<16xi32>
    %swap3A_386 = arith.constant 80 : index
    %swap3A_387 = tpu.vector_load %arg19[%swap3A_386] {strides = array<i32>} : memref<128xi32, #tpu.memory_space<vmem>>, vector<16xi32>,
    %swap3A_388 = vector.shape_cast %swap3A_387 : vector<16xi32> to vector<16xi32>
    %swap3A_389 = vector.shape_cast %add3A_385 : vector<16xi32> to vector<16xi32>
    tpu.vector_store %arg19[%swap3A_386], %swap3A_389 {strides = array<i32>} : memref<128xi32, #tpu.memory_space<vmem>>, vector<16xi32>,
    %add3A_390 = arith.constant 100000 : i32
    %add3A_391 = vector.broadcast %add3A_390 : i32 to vector<16xi32>
    %add3A_392 = arith.addi %get3A_112, %add3A_391 : vector<16xi32>
    %swap3A_393 = arith.constant 96 : index
    %swap3A_394 = tpu.vector_load %arg19[%swap3A_393] {strides = array<i32>} : memref<128xi32, #tpu.memory_space<vmem>>, vector<16xi32>,
    %swap3A_395 = vector.shape_cast %swap3A_394 : vector<16xi32> to vector<16xi32>
    %swap3A_396 = vector.shape_cast %add3A_392 : vector<16xi32> to vector<16xi32>
    tpu.vector_store %arg19[%swap3A_393], %swap3A_396 {strides = array<i32>} : memref<128xi32, #tpu.memory_space<vmem>>, vector<16xi32>,
    %add3A_397 = arith.constant 100000 : i32
    %add3A_398 = vector.broadcast %add3A_397 : i32 to vector<16xi32>
    %add3A_399 = arith.addi %get3A_115, %add3A_398 : vector<16xi32>
    %swap3A_400 = arith.constant 112 : index
    %swap3A_401 = tpu.vector_load %arg19[%swap3A_400] {strides = array<i32>} : memref<128xi32, #tpu.memory_space<vmem>>, vector<16xi32>,
    %swap3A_402 = vector.shape_cast %swap3A_401 : vector<16xi32> to vector<16xi32>
    %swap3A_403 = vector.shape_cast %add3A_399 : vector<16xi32> to vector<16xi32>
    tpu.vector_store %arg19[%swap3A_400], %swap3A_403 {strides = array<i32>} : memref<128xi32, #tpu.memory_space<vmem>>, vector<16xi32>,
    %add3A_404 = arith.constant 120000 : i32
    %add3A_405 = vector.broadcast %add3A_404 : i32 to vector<16xi32>
    %add3A_406 = arith.addi %get3A_106, %add3A_405 : vector<16xi32>
    %swap3A_407 = arith.constant 0 : index
    %swap3A_408 = tpu.vector_load %arg20[%swap3A_407] {strides = array<i32>} : memref<128xi32, #tpu.memory_space<vmem>>, vector<16xi32>,
    %swap3A_409 = vector.shape_cast %swap3A_408 : vector<16xi32> to vector<16xi32>
    %swap3A_410 = vector.shape_cast %add3A_406 : vector<16xi32> to vector<16xi32>
    tpu.vector_store %arg20[%swap3A_407], %swap3A_410 {strides = array<i32>} : memref<128xi32, #tpu.memory_space<vmem>>, vector<16xi32>,
    %add3A_411 = arith.constant 120000 : i32
    %add3A_412 = vector.broadcast %add3A_411 : i32 to vector<16xi32>
    %add3A_413 = arith.addi %get3A_109, %add3A_412 : vector<16xi32>
    %swap3A_414 = arith.constant 16 : index
    %swap3A_415 = tpu.vector_load %arg20[%swap3A_414] {strides = array<i32>} : memref<128xi32, #tpu.memory_space<vmem>>, vector<16xi32>,
    %swap3A_416 = vector.shape_cast %swap3A_415 : vector<16xi32> to vector<16xi32>
    %swap3A_417 = vector.shape_cast %add3A_413 : vector<16xi32> to vector<16xi32>
    tpu.vector_store %arg20[%swap3A_414], %swap3A_417 {strides = array<i32>} : memref<128xi32, #tpu.memory_space<vmem>>, vector<16xi32>,
    %add3A_418 = arith.constant 120000 : i32
    %add3A_419 = vector.broadcast %add3A_418 : i32 to vector<16xi32>
    %add3A_420 = arith.addi %get3A_112, %add3A_419 : vector<16xi32>
    %swap3A_421 = arith.constant 32 : index
    %swap3A_422 = tpu.vector_load %arg20[%swap3A_421] {strides = array<i32>} : memref<128xi32, #tpu.memory_space<vmem>>, vector<16xi32>,
    %swap3A_423 = vector.shape_cast %swap3A_422 : vector<16xi32> to vector<16xi32>
    %swap3A_424 = vector.shape_cast %add3A_420 : vector<16xi32> to vector<16xi32>
    tpu.vector_store %arg20[%swap3A_421], %swap3A_424 {strides = array<i32>} : memref<128xi32, #tpu.memory_space<vmem>>, vector<16xi32>,
    %add3A_425 = arith.constant 120000 : i32
    %add3A_426 = vector.broadcast %add3A_425 : i32 to vector<16xi32>
    %add3A_427 = arith.addi %get3A_115, %add3A_426 : vector<16xi32>
    %swap3A_428 = arith.constant 48 : index
    %swap3A_429 = tpu.vector_load %arg20[%swap3A_428] {strides = array<i32>} : memref<128xi32, #tpu.memory_space<vmem>>, vector<16xi32>,
    %swap3A_430 = vector.shape_cast %swap3A_429 : vector<16xi32> to vector<16xi32>
    %swap3A_431 = vector.shape_cast %add3A_427 : vector<16xi32> to vector<16xi32>
    tpu.vector_store %arg20[%swap3A_428], %swap3A_431 {strides = array<i32>} : memref<128xi32, #tpu.memory_space<vmem>>, vector<16xi32>,
    %add3A_432 = arith.constant 140000 : i32
    %add3A_433 = vector.broadcast %add3A_432 : i32 to vector<16xi32>
    %add3A_434 = arith.addi %get3A_106, %add3A_433 : vector<16xi32>
    %swap3A_435 = arith.constant 64 : index
    %swap3A_436 = tpu.vector_load %arg20[%swap3A_435] {strides = array<i32>} : memref<128xi32, #tpu.memory_space<vmem>>, vector<16xi32>,
    %swap3A_437 = vector.shape_cast %swap3A_436 : vector<16xi32> to vector<16xi32>
    %swap3A_438 = vector.shape_cast %add3A_434 : vector<16xi32> to vector<16xi32>
    tpu.vector_store %arg20[%swap3A_435], %swap3A_438 {strides = array<i32>} : memref<128xi32, #tpu.memory_space<vmem>>, vector<16xi32>,
    %add3A_439 = arith.constant 140000 : i32
    %add3A_440 = vector.broadcast %add3A_439 : i32 to vector<16xi32>
    %add3A_441 = arith.addi %get3A_109, %add3A_440 : vector<16xi32>
    %swap3A_442 = arith.constant 80 : index
    %swap3A_443 = tpu.vector_load %arg20[%swap3A_442] {strides = array<i32>} : memref<128xi32, #tpu.memory_space<vmem>>, vector<16xi32>,
    %swap3A_444 = vector.shape_cast %swap3A_443 : vector<16xi32> to vector<16xi32>
    %swap3A_445 = vector.shape_cast %add3A_441 : vector<16xi32> to vector<16xi32>
    tpu.vector_store %arg20[%swap3A_442], %swap3A_445 {strides = array<i32>} : memref<128xi32, #tpu.memory_space<vmem>>, vector<16xi32>,
    %add3A_446 = arith.constant 140000 : i32
    %add3A_447 = vector.broadcast %add3A_446 : i32 to vector<16xi32>
    %add3A_448 = arith.addi %get3A_112, %add3A_447 : vector<16xi32>
    %swap3A_449 = arith.constant 96 : index
    %swap3A_450 = tpu.vector_load %arg20[%swap3A_449] {strides = array<i32>} : memref<128xi32, #tpu.memory_space<vmem>>, vector<16xi32>,
    %swap3A_451 = vector.shape_cast %swap3A_450 : vector<16xi32> to vector<16xi32>
    %swap3A_452 = vector.shape_cast %add3A_448 : vector<16xi32> to vector<16xi32>
    tpu.vector_store %arg20[%swap3A_449], %swap3A_452 {strides = array<i32>} : memref<128xi32, #tpu.memory_space<vmem>>, vector<16xi32>,
    %add3A_453 = arith.constant 140000 : i32
    %add3A_454 = vector.broadcast %add3A_453 : i32 to vector<16xi32>
    %add3A_455 = arith.addi %get3A_115, %add3A_454 : vector<16xi32>
    %swap3A_456 = arith.constant 112 : index
    %swap3A_457 = tpu.vector_load %arg20[%swap3A_456] {strides = array<i32>} : memref<128xi32, #tpu.memory_space<vmem>>, vector<16xi32>,
    %swap3A_458 = vector.shape_cast %swap3A_457 : vector<16xi32> to vector<16xi32>
    %swap3A_459 = vector.shape_cast %add3A_455 : vector<16xi32> to vector<16xi32>
    tpu.vector_store %arg20[%swap3A_456], %swap3A_459 {strides = array<i32>} : memref<128xi32, #tpu.memory_space<vmem>>, vector<16xi32>,
    %add3A_460 = arith.constant 160000 : i32
    %add3A_461 = vector.broadcast %add3A_460 : i32 to vector<16xi32>
    %add3A_462 = arith.addi %get3A_106, %add3A_461 : vector<16xi32>
    %swap3A_463 = arith.constant 0 : index
    %swap3A_464 = tpu.vector_load %arg21[%swap3A_463] {strides = array<i32>} : memref<128xi32, #tpu.memory_space<vmem>>, vector<16xi32>,
    %swap3A_465 = vector.shape_cast %swap3A_464 : vector<16xi32> to vector<16xi32>
    %swap3A_466 = vector.shape_cast %add3A_462 : vector<16xi32> to vector<16xi32>
    tpu.vector_store %arg21[%swap3A_463], %swap3A_466 {strides = array<i32>} : memref<128xi32, #tpu.memory_space<vmem>>, vector<16xi32>,
    %add3A_467 = arith.constant 160000 : i32
    %add3A_468 = vector.broadcast %add3A_467 : i32 to vector<16xi32>
    %add3A_469 = arith.addi %get3A_109, %add3A_468 : vector<16xi32>
    %swap3A_470 = arith.constant 16 : index
    %swap3A_471 = tpu.vector_load %arg21[%swap3A_470] {strides = array<i32>} : memref<128xi32, #tpu.memory_space<vmem>>, vector<16xi32>,
    %swap3A_472 = vector.shape_cast %swap3A_471 : vector<16xi32> to vector<16xi32>
    %swap3A_473 = vector.shape_cast %add3A_469 : vector<16xi32> to vector<16xi32>
    tpu.vector_store %arg21[%swap3A_470], %swap3A_473 {strides = array<i32>} : memref<128xi32, #tpu.memory_space<vmem>>, vector<16xi32>,
    %add3A_474 = arith.constant 160000 : i32
    %add3A_475 = vector.broadcast %add3A_474 : i32 to vector<16xi32>
    %add3A_476 = arith.addi %get3A_112, %add3A_475 : vector<16xi32>
    %swap3A_477 = arith.constant 32 : index
    %swap3A_478 = tpu.vector_load %arg21[%swap3A_477] {strides = array<i32>} : memref<128xi32, #tpu.memory_space<vmem>>, vector<16xi32>,
    %swap3A_479 = vector.shape_cast %swap3A_478 : vector<16xi32> to vector<16xi32>
    %swap3A_480 = vector.shape_cast %add3A_476 : vector<16xi32> to vector<16xi32>
    tpu.vector_store %arg21[%swap3A_477], %swap3A_480 {strides = array<i32>} : memref<128xi32, #tpu.memory_space<vmem>>, vector<16xi32>,
    %add3A_481 = arith.constant 160000 : i32
    %add3A_482 = vector.broadcast %add3A_481 : i32 to vector<16xi32>
    %add3A_483 = arith.addi %get3A_115, %add3A_482 : vector<16xi32>
    %swap3A_484 = arith.constant 48 : index
    %swap3A_485 = tpu.vector_load %arg21[%swap3A_484] {strides = array<i32>} : memref<128xi32, #tpu.memory_space<vmem>>, vector<16xi32>,
    %swap3A_486 = vector.shape_cast %swap3A_485 : vector<16xi32> to vector<16xi32>
    %swap3A_487 = vector.shape_cast %add3A_483 : vector<16xi32> to vector<16xi32>
    tpu.vector_store %arg21[%swap3A_484], %swap3A_487 {strides = array<i32>} : memref<128xi32, #tpu.memory_space<vmem>>, vector<16xi32>,
    %add3A_488 = arith.constant 180000 : i32
    %add3A_489 = vector.broadcast %add3A_488 : i32 to vector<16xi32>
    %add3A_490 = arith.addi %get3A_106, %add3A_489 : vector<16xi32>
    %swap3A_491 = arith.constant 64 : index
    %swap3A_492 = tpu.vector_load %arg21[%swap3A_491] {strides = array<i32>} : memref<128xi32, #tpu.memory_space<vmem>>, vector<16xi32>,
    %swap3A_493 = vector.shape_cast %swap3A_492 : vector<16xi32> to vector<16xi32>
    %swap3A_494 = vector.shape_cast %add3A_490 : vector<16xi32> to vector<16xi32>
    tpu.vector_store %arg21[%swap3A_491], %swap3A_494 {strides = array<i32>} : memref<128xi32, #tpu.memory_space<vmem>>, vector<16xi32>,
    %add3A_495 = arith.constant 180000 : i32
    %add3A_496 = vector.broadcast %add3A_495 : i32 to vector<16xi32>
    %add3A_497 = arith.addi %get3A_109, %add3A_496 : vector<16xi32>
    %swap3A_498 = arith.constant 80 : index
    %swap3A_499 = tpu.vector_load %arg21[%swap3A_498] {strides = array<i32>} : memref<128xi32, #tpu.memory_space<vmem>>, vector<16xi32>,
    %swap3A_500 = vector.shape_cast %swap3A_499 : vector<16xi32> to vector<16xi32>
    %swap3A_501 = vector.shape_cast %add3A_497 : vector<16xi32> to vector<16xi32>
    tpu.vector_store %arg21[%swap3A_498], %swap3A_501 {strides = array<i32>} : memref<128xi32, #tpu.memory_space<vmem>>, vector<16xi32>,
    %add3A_502 = arith.constant 180000 : i32
    %add3A_503 = vector.broadcast %add3A_502 : i32 to vector<16xi32>
    %add3A_504 = arith.addi %get3A_112, %add3A_503 : vector<16xi32>
    %swap3A_505 = arith.constant 96 : index
    %swap3A_506 = tpu.vector_load %arg21[%swap3A_505] {strides = array<i32>} : memref<128xi32, #tpu.memory_space<vmem>>, vector<16xi32>,
    %swap3A_507 = vector.shape_cast %swap3A_506 : vector<16xi32> to vector<16xi32>
    %swap3A_508 = vector.shape_cast %add3A_504 : vector<16xi32> to vector<16xi32>
    tpu.vector_store %arg21[%swap3A_505], %swap3A_508 {strides = array<i32>} : memref<128xi32, #tpu.memory_space<vmem>>, vector<16xi32>,
    %add3A_509 = arith.constant 180000 : i32
    %add3A_510 = vector.broadcast %add3A_509 : i32 to vector<16xi32>
    %add3A_511 = arith.addi %get3A_115, %add3A_510 : vector<16xi32>
    %swap3A_512 = arith.constant 112 : index
    %swap3A_513 = tpu.vector_load %arg21[%swap3A_512] {strides = array<i32>} : memref<128xi32, #tpu.memory_space<vmem>>, vector<16xi32>,
    %swap3A_514 = vector.shape_cast %swap3A_513 : vector<16xi32> to vector<16xi32>
    %swap3A_515 = vector.shape_cast %add3A_511 : vector<16xi32> to vector<16xi32>
    tpu.vector_store %arg21[%swap3A_512], %swap3A_515 {strides = array<i32>} : memref<128xi32, #tpu.memory_space<vmem>>, vector<16xi32>,
    %dma_start3A_516 = arith.constant 0 : i32
    %dma_start3A_517 = tpu.memref_slice %arg23[%dma_start3A_516] : memref<640xf32, #tpu.memory_space<vmem>> -> memref<128xf32, #tpu.memory_space<vmem>>
    %dma_start3A_518 = arith.constant 0 : i32
    %dma_start3A_519 = tpu.memref_slice %arg6[%dma_start3A_518] : memref<200000xf32, #tpu.memory_space<hbm>> -> memref<200000xf32, #tpu.memory_space<hbm>>
    tpu.enqueue_indirect_dma source(%dma_start3A_519 : memref<200000xf32, #tpu.memory_space<hbm>>) target(%dma_start3A_517 : memref<128xf32, #tpu.memory_space<vmem>>) offsets(%arg17 : memref<128xi32, #tpu.memory_space<vmem>>) semaphore(%arg30 : memref<!tpu.dma_semaphore, #tpu.memory_space<semaphore_mem>>)
    %dma_start3A_520 = arith.constant 128 : i32
    %dma_start3A_521 = tpu.memref_slice %arg23[%dma_start3A_520] : memref<640xf32, #tpu.memory_space<vmem>> -> memref<128xf32, #tpu.memory_space<vmem>>
    %dma_start3A_522 = arith.constant 0 : i32
    %dma_start3A_523 = tpu.memref_slice %arg6[%dma_start3A_522] : memref<200000xf32, #tpu.memory_space<hbm>> -> memref<200000xf32, #tpu.memory_space<hbm>>
    tpu.enqueue_indirect_dma source(%dma_start3A_523 : memref<200000xf32, #tpu.memory_space<hbm>>) target(%dma_start3A_521 : memref<128xf32, #tpu.memory_space<vmem>>) offsets(%arg18 : memref<128xi32, #tpu.memory_space<vmem>>) semaphore(%arg30 : memref<!tpu.dma_semaphore, #tpu.memory_space<semaphore_mem>>)
    %dma_start3A_524 = arith.constant 256 : i32
    %dma_start3A_525 = tpu.memref_slice %arg23[%dma_start3A_524] : memref<640xf32, #tpu.memory_space<vmem>> -> memref<128xf32, #tpu.memory_space<vmem>>
    %dma_start3A_526 = arith.constant 0 : i32
    %dma_start3A_527 = tpu.memref_slice %arg6[%dma_start3A_526] : memref<200000xf32, #tpu.memory_space<hbm>> -> memref<200000xf32, #tpu.memory_space<hbm>>
    tpu.enqueue_indirect_dma source(%dma_start3A_527 : memref<200000xf32, #tpu.memory_space<hbm>>) target(%dma_start3A_525 : memref<128xf32, #tpu.memory_space<vmem>>) offsets(%arg19 : memref<128xi32, #tpu.memory_space<vmem>>) semaphore(%arg30 : memref<!tpu.dma_semaphore, #tpu.memory_space<semaphore_mem>>)
    %dma_start3A_528 = arith.constant 384 : i32
    %dma_start3A_529 = tpu.memref_slice %arg23[%dma_start3A_528] : memref<640xf32, #tpu.memory_space<vmem>> -> memref<128xf32, #tpu.memory_space<vmem>>
    %dma_start3A_530 = arith.constant 0 : i32
    %dma_start3A_531 = tpu.memref_slice %arg6[%dma_start3A_530] : memref<200000xf32, #tpu.memory_space<hbm>> -> memref<200000xf32, #tpu.memory_space<hbm>>
    tpu.enqueue_indirect_dma source(%dma_start3A_531 : memref<200000xf32, #tpu.memory_space<hbm>>) target(%dma_start3A_529 : memref<128xf32, #tpu.memory_space<vmem>>) offsets(%arg20 : memref<128xi32, #tpu.memory_space<vmem>>) semaphore(%arg30 : memref<!tpu.dma_semaphore, #tpu.memory_space<semaphore_mem>>)
    %dma_start3A_532 = arith.constant 512 : i32
    %dma_start3A_533 = tpu.memref_slice %arg23[%dma_start3A_532] : memref<640xf32, #tpu.memory_space<vmem>> -> memref<128xf32, #tpu.memory_space<vmem>>
    %dma_start3A_534 = arith.constant 0 : i32
    %dma_start3A_535 = tpu.memref_slice %arg6[%dma_start3A_534] : memref<200000xf32, #tpu.memory_space<hbm>> -> memref<200000xf32, #tpu.memory_space<hbm>>
    tpu.enqueue_indirect_dma source(%dma_start3A_535 : memref<200000xf32, #tpu.memory_space<hbm>>) target(%dma_start3A_533 : memref<128xf32, #tpu.memory_space<vmem>>) offsets(%arg21 : memref<128xi32, #tpu.memory_space<vmem>>) semaphore(%arg30 : memref<!tpu.dma_semaphore, #tpu.memory_space<semaphore_mem>>)
    %dma_wait3A_536 = arith.constant 0 : i32
    %dma_wait3A_537 = tpu.memref_slice %arg2[%dma_wait3A_536] : memref<2xi32, #tpu.memory_space<hbm>> -> memref<2xi32, #tpu.memory_space<hbm>>
    tpu.wait_indirect_dma semaphore(%arg27 : memref<!tpu.dma_semaphore, #tpu.memory_space<semaphore_mem>>) src(%dma_wait3A_537 : memref<2xi32, #tpu.memory_space<hbm>>) dst(%arg12 : memref<32xi32, #tpu.memory_space<vmem>>)
    %get3A_538 = arith.constant 0 : index
    %get3A_539 = tpu.vector_load %arg12[%get3A_538] {strides = array<i32>} : memref<32xi32, #tpu.memory_space<vmem>>, vector<16xi32>,
    %get3A_540 = vector.shape_cast %get3A_539 : vector<16xi32> to vector<16xi32>
    %convert_element_type3A_541 = arith.sitofp %get3A_540 : vector<16xi32> to vector<16xf32>
    %get3A_542 = arith.constant 16 : index
    %get3A_543 = tpu.vector_load %arg12[%get3A_542] {strides = array<i32>} : memref<32xi32, #tpu.memory_space<vmem>>, vector<16xi32>,
    %get3A_544 = vector.shape_cast %get3A_543 : vector<16xi32> to vector<16xi32>
    %convert_element_type3A_545 = arith.sitofp %get3A_544 : vector<16xi32> to vector<16xf32>
    %max3A = arith.maximumf %convert_element_type3A_541, %convert_element_type3A_545 : vector<16xf32>
    %mul3A_546 = arith.constant 64 : i32
    %mul3A_547 = arith.muli %add3A, %mul3A_546 : i32
    %jit3A = arith.constant 2 : i32
    %div3A = arith.divsi %add3A, %jit3A : i32
    %sign3A = arith.constant 0 : i32
    %sign3A_548 = arith.cmpi sgt, %add3A, %sign3A : i32
    %sign3A_549 = arith.extui %sign3A_548 : i1 to i32
    %sign3A_550 = arith.constant 0 : i32
    %sign3A_551 = arith.cmpi slt, %add3A, %sign3A_550 : i32
    %sign3A_552 = arith.extui %sign3A_551 : i1 to i32
    %sign3A_553 = arith.subi %sign3A_549, %sign3A_552 : i32
    %sign3A_554 = arith.constant 0 : i32
    %sign3A_555 = arith.cmpi sgt, %jit3A, %sign3A_554 : i32
    %sign3A_556 = arith.extui %sign3A_555 : i1 to i32
    %sign3A_557 = arith.constant 0 : i32
    %sign3A_558 = arith.cmpi slt, %jit3A, %sign3A_557 : i32
    %sign3A_559 = arith.extui %sign3A_558 : i1 to i32
    %sign3A_560 = arith.subi %sign3A_556, %sign3A_559 : i32
    %ne3A = arith.cmpi ne, %sign3A_553, %sign3A_560 : i32
    %rem3A = arith.remsi %add3A, %jit3A : i32
    %ne3A_561 = arith.constant 0 : i32
    %ne3A_562 = arith.cmpi ne, %rem3A, %ne3A_561 : i32
    %and3A = arith.andi %ne3A, %ne3A_562 : i1
    %sub3A = arith.constant 1 : i32
    %sub3A_563 = arith.subi %div3A, %sub3A : i32
    %select_n3A = arith.select %and3A, %sub3A_563, %div3A : i32
    %jit3A_564 = arith.constant 2 : i32
    %eq3A_565 = arith.constant 0 : i32
    %eq3A_566 = arith.cmpi eq, %jit3A_564, %eq3A_565 : i32
    %jit3A_567 = arith.constant 1 : i32
    %select_n3A_568 = arith.select %eq3A_566, %jit3A_567, %jit3A_564 : i32
    %rem3A_569 = arith.remsi %add3A, %select_n3A_568 : i32
    %ne3A_570 = arith.constant 0 : i32
    %ne3A_571 = arith.cmpi ne, %rem3A_569, %ne3A_570 : i32
    %lt3A = arith.constant 0 : i32
    %lt3A_572 = arith.cmpi slt, %rem3A_569, %lt3A : i32
    %lt3A_573 = arith.constant 0 : i32
    %lt3A_574 = arith.cmpi slt, %select_n3A_568, %lt3A_573 : i32
    %ne3A_575 = arith.xori %lt3A_572, %lt3A_574 : i1
    %and3A_576 = arith.andi %ne3A_575, %ne3A_571 : i1
    %add3A_577 = arith.addi %rem3A_569, %select_n3A_568 : i32
    %select_n3A_578 = arith.select %and3A_576, %add3A_577, %rem3A_569 : i32
    %mul3A_579 = arith.constant 64 : i32
    %mul3A_580 = arith.muli %select_n3A_578, %mul3A_579 : i32
    %dma_wait3A_581 = arith.constant 0 : i32
    %dma_wait3A_582 = tpu.memref_slice %arg22[%dma_wait3A_581] : memref<256xf32, #tpu.memory_space<vmem>> -> memref<128xf32, #tpu.memory_space<vmem>>
    %dma_wait3A_583 = arith.constant 0 : i32
    %dma_wait3A_584 = tpu.memref_slice %arg5[%dma_wait3A_583] : memref<80000xf32, #tpu.memory_space<hbm>> -> memref<80000xf32, #tpu.memory_space<hbm>>
    tpu.wait_indirect_dma semaphore(%arg29 : memref<!tpu.dma_semaphore, #tpu.memory_space<semaphore_mem>>) src(%dma_wait3A_584 : memref<80000xf32, #tpu.memory_space<hbm>>) dst(%dma_wait3A_582 : memref<128xf32, #tpu.memory_space<vmem>>)
    %dma_wait3A_585 = arith.constant 128 : i32
    %dma_wait3A_586 = tpu.memref_slice %arg22[%dma_wait3A_585] : memref<256xf32, #tpu.memory_space<vmem>> -> memref<128xf32, #tpu.memory_space<vmem>>
    %dma_wait3A_587 = arith.constant 0 : i32
    %dma_wait3A_588 = tpu.memref_slice %arg5[%dma_wait3A_587] : memref<80000xf32, #tpu.memory_space<hbm>> -> memref<80000xf32, #tpu.memory_space<hbm>>
    tpu.wait_indirect_dma semaphore(%arg29 : memref<!tpu.dma_semaphore, #tpu.memory_space<semaphore_mem>>) src(%dma_wait3A_588 : memref<80000xf32, #tpu.memory_space<hbm>>) dst(%dma_wait3A_586 : memref<128xf32, #tpu.memory_space<vmem>>)
    %get3A_589 = arith.constant 0 : index
    %get3A_590 = tpu.vector_load %arg22[%get3A_589] {strides = array<i32>} : memref<256xf32, #tpu.memory_space<vmem>>, vector<16xf32>,
    %get3A_591 = vector.shape_cast %get3A_590 : vector<16xf32> to vector<16xf32>
    %mul3A_592 = arith.mulf %get3A_591, %max3A : vector<16xf32>
    %div3A_593 = arith.constant 6.400000e+02 : f32
    %div3A_594 = vector.broadcast %div3A_593 : f32 to vector<16xf32>
    %div3A_595 = arith.divf %mul3A_592, %div3A_594 : vector<16xf32>
    %jit3A_596 = arith.constant 0.000000e+00 : f32
    %max3A_597 = vector.broadcast %jit3A_596 : f32 to vector<16xf32>
    %max3A_598 = arith.maximumf %max3A_597, %div3A_595 : vector<16xf32>
    %min3A = arith.minimumf %convert_element_type3A_541, %max3A_598 : vector<16xf32>
    %convert_element_type3A_599 = arith.fptosi %min3A : vector<16xf32> to vector<16xi32>
    %swap3A_600 = arith.constant 0 : index
    %swap3A_601 = tpu.vector_load %arg24[%swap3A_600] {strides = array<i32>} : memref<256xi32, #tpu.memory_space<vmem>>, vector<16xi32>,
    %swap3A_602 = vector.shape_cast %swap3A_601 : vector<16xi32> to vector<16xi32>
    %swap3A_603 = vector.shape_cast %convert_element_type3A_599 : vector<16xi32> to vector<16xi32>
    tpu.vector_store %arg24[%swap3A_600], %swap3A_603 {strides = array<i32>} : memref<256xi32, #tpu.memory_space<vmem>>, vector<16xi32>,
    %get3A_604 = arith.constant 16 : index
    %get3A_605 = tpu.vector_load %arg22[%get3A_604] {strides = array<i32>} : memref<256xf32, #tpu.memory_space<vmem>>, vector<16xf32>,
    %get3A_606 = vector.shape_cast %get3A_605 : vector<16xf32> to vector<16xf32>
    %mul3A_607 = arith.mulf %get3A_606, %max3A : vector<16xf32>
    %div3A_608 = arith.constant 6.400000e+02 : f32
    %div3A_609 = vector.broadcast %div3A_608 : f32 to vector<16xf32>
    %div3A_610 = arith.divf %mul3A_607, %div3A_609 : vector<16xf32>
    %jit3A_611 = arith.constant 0.000000e+00 : f32
    %max3A_612 = vector.broadcast %jit3A_611 : f32 to vector<16xf32>
    %max3A_613 = arith.maximumf %max3A_612, %div3A_610 : vector<16xf32>
    %min3A_614 = arith.minimumf %convert_element_type3A_541, %max3A_613 : vector<16xf32>
    %convert_element_type3A_615 = arith.fptosi %min3A_614 : vector<16xf32> to vector<16xi32>
    %swap3A_616 = arith.constant 16 : index
    %swap3A_617 = tpu.vector_load %arg24[%swap3A_616] {strides = array<i32>} : memref<256xi32, #tpu.memory_space<vmem>>, vector<16xi32>,
    %swap3A_618 = vector.shape_cast %swap3A_617 : vector<16xi32> to vector<16xi32>
    %swap3A_619 = vector.shape_cast %convert_element_type3A_615 : vector<16xi32> to vector<16xi32>
    tpu.vector_store %arg24[%swap3A_616], %swap3A_619 {strides = array<i32>} : memref<256xi32, #tpu.memory_space<vmem>>, vector<16xi32>,
    %get3A_620 = arith.constant 32 : index
    %get3A_621 = tpu.vector_load %arg22[%get3A_620] {strides = array<i32>} : memref<256xf32, #tpu.memory_space<vmem>>, vector<16xf32>,
    %get3A_622 = vector.shape_cast %get3A_621 : vector<16xf32> to vector<16xf32>
    %mul3A_623 = arith.mulf %get3A_622, %max3A : vector<16xf32>
    %div3A_624 = arith.constant 6.400000e+02 : f32
    %div3A_625 = vector.broadcast %div3A_624 : f32 to vector<16xf32>
    %div3A_626 = arith.divf %mul3A_623, %div3A_625 : vector<16xf32>
    %jit3A_627 = arith.constant 0.000000e+00 : f32
    %max3A_628 = vector.broadcast %jit3A_627 : f32 to vector<16xf32>
    %max3A_629 = arith.maximumf %max3A_628, %div3A_626 : vector<16xf32>
    %min3A_630 = arith.minimumf %convert_element_type3A_541, %max3A_629 : vector<16xf32>
    %convert_element_type3A_631 = arith.fptosi %min3A_630 : vector<16xf32> to vector<16xi32>
    %swap3A_632 = arith.constant 32 : index
    %swap3A_633 = tpu.vector_load %arg24[%swap3A_632] {strides = array<i32>} : memref<256xi32, #tpu.memory_space<vmem>>, vector<16xi32>,
    %swap3A_634 = vector.shape_cast %swap3A_633 : vector<16xi32> to vector<16xi32>
    %swap3A_635 = vector.shape_cast %convert_element_type3A_631 : vector<16xi32> to vector<16xi32>
    tpu.vector_store %arg24[%swap3A_632], %swap3A_635 {strides = array<i32>} : memref<256xi32, #tpu.memory_space<vmem>>, vector<16xi32>,
    %get3A_636 = arith.constant 48 : index
    %get3A_637 = tpu.vector_load %arg22[%get3A_636] {strides = array<i32>} : memref<256xf32, #tpu.memory_space<vmem>>, vector<16xf32>,
    %get3A_638 = vector.shape_cast %get3A_637 : vector<16xf32> to vector<16xf32>
    %mul3A_639 = arith.mulf %get3A_638, %max3A : vector<16xf32>
    %div3A_640 = arith.constant 6.400000e+02 : f32
    %div3A_641 = vector.broadcast %div3A_640 : f32 to vector<16xf32>
    %div3A_642 = arith.divf %mul3A_639, %div3A_641 : vector<16xf32>
    %jit3A_643 = arith.constant 0.000000e+00 : f32
    %max3A_644 = vector.broadcast %jit3A_643 : f32 to vector<16xf32>
    %max3A_645 = arith.maximumf %max3A_644, %div3A_642 : vector<16xf32>
    %min3A_646 = arith.minimumf %convert_element_type3A_541, %max3A_645 : vector<16xf32>
    %convert_element_type3A_647 = arith.fptosi %min3A_646 : vector<16xf32> to vector<16xi32>
    %swap3A_648 = arith.constant 48 : index
    %swap3A_649 = tpu.vector_load %arg24[%swap3A_648] {strides = array<i32>} : memref<256xi32, #tpu.memory_space<vmem>>, vector<16xi32>,
    %swap3A_650 = vector.shape_cast %swap3A_649 : vector<16xi32> to vector<16xi32>
    %swap3A_651 = vector.shape_cast %convert_element_type3A_647 : vector<16xi32> to vector<16xi32>
    tpu.vector_store %arg24[%swap3A_648], %swap3A_651 {strides = array<i32>} : memref<256xi32, #tpu.memory_space<vmem>>, vector<16xi32>,
    %mul3A_652 = arith.constant 512 : i32
    %mul3A_653 = arith.muli %select_n3A, %mul3A_652 : i32
    %add3A_654 = arith.constant 0 : i32
    %add3A_655 = arith.addi %mul3A_653, %add3A_654 : i32
    %add3A_656 = arith.addi %add3A_655, %mul3A_580 : i32
    %dma_start3A_657 = arith.constant 0 : i32
    %dma_start3A_658 = tpu.memref_slice %arg24[%dma_start3A_657] : memref<256xi32, #tpu.memory_space<vmem>> -> memref<64xi32, #tpu.memory_space<vmem>>
    %dma_start3A_659 = tpu.memref_slice %arg8[%add3A_656] : memref<4096xi32, #tpu.memory_space<hbm>> -> memref<64xi32, #tpu.memory_space<hbm>>
    %dma_start3A_660 = tpu.memref_slice %arg8[%add3A_656] : memref<4096xi32, #tpu.memory_space<hbm>> -> memref<64xi32, #tpu.memory_space<hbm>>
    %dma_start3A_661 = arith.constant 0 : i32
    %dma_start3A_662 = tpu.memref_slice %arg24[%dma_start3A_661] : memref<256xi32, #tpu.memory_space<vmem>> -> memref<64xi32, #tpu.memory_space<vmem>>
    tpu.enqueue_dma source(%dma_start3A_662 : memref<64xi32, #tpu.memory_space<vmem>>) target(%dma_start3A_660 : memref<64xi32, #tpu.memory_space<hbm>>) target_semaphore(%arg31 : memref<!tpu.dma_semaphore, #tpu.memory_space<semaphore_mem>>)
    %get3A_663 = arith.constant 64 : index
    %get3A_664 = tpu.vector_load %arg22[%get3A_663] {strides = array<i32>} : memref<256xf32, #tpu.memory_space<vmem>>, vector<16xf32>,
    %get3A_665 = vector.shape_cast %get3A_664 : vector<16xf32> to vector<16xf32>
    %mul3A_666 = arith.mulf %get3A_665, %max3A : vector<16xf32>
    %div3A_667 = arith.constant 6.400000e+02 : f32
    %div3A_668 = vector.broadcast %div3A_667 : f32 to vector<16xf32>
    %div3A_669 = arith.divf %mul3A_666, %div3A_668 : vector<16xf32>
    %jit3A_670 = arith.constant 0.000000e+00 : f32
    %max3A_671 = vector.broadcast %jit3A_670 : f32 to vector<16xf32>
    %max3A_672 = arith.maximumf %max3A_671, %div3A_669 : vector<16xf32>
    %min3A_673 = arith.minimumf %convert_element_type3A_545, %max3A_672 : vector<16xf32>
    %convert_element_type3A_674 = arith.fptosi %min3A_673 : vector<16xf32> to vector<16xi32>
    %swap3A_675 = arith.constant 64 : index
    %swap3A_676 = tpu.vector_load %arg24[%swap3A_675] {strides = array<i32>} : memref<256xi32, #tpu.memory_space<vmem>>, vector<16xi32>,
    %swap3A_677 = vector.shape_cast %swap3A_676 : vector<16xi32> to vector<16xi32>
    %swap3A_678 = vector.shape_cast %convert_element_type3A_674 : vector<16xi32> to vector<16xi32>
    tpu.vector_store %arg24[%swap3A_675], %swap3A_678 {strides = array<i32>} : memref<256xi32, #tpu.memory_space<vmem>>, vector<16xi32>,
    %get3A_679 = arith.constant 80 : index
    %get3A_680 = tpu.vector_load %arg22[%get3A_679] {strides = array<i32>} : memref<256xf32, #tpu.memory_space<vmem>>, vector<16xf32>,
    %get3A_681 = vector.shape_cast %get3A_680 : vector<16xf32> to vector<16xf32>
    %mul3A_682 = arith.mulf %get3A_681, %max3A : vector<16xf32>
    %div3A_683 = arith.constant 6.400000e+02 : f32
    %div3A_684 = vector.broadcast %div3A_683 : f32 to vector<16xf32>
    %div3A_685 = arith.divf %mul3A_682, %div3A_684 : vector<16xf32>
    %jit3A_686 = arith.constant 0.000000e+00 : f32
    %max3A_687 = vector.broadcast %jit3A_686 : f32 to vector<16xf32>
    %max3A_688 = arith.maximumf %max3A_687, %div3A_685 : vector<16xf32>
    %min3A_689 = arith.minimumf %convert_element_type3A_545, %max3A_688 : vector<16xf32>
    %convert_element_type3A_690 = arith.fptosi %min3A_689 : vector<16xf32> to vector<16xi32>
    %swap3A_691 = arith.constant 80 : index
    %swap3A_692 = tpu.vector_load %arg24[%swap3A_691] {strides = array<i32>} : memref<256xi32, #tpu.memory_space<vmem>>, vector<16xi32>,
    %swap3A_693 = vector.shape_cast %swap3A_692 : vector<16xi32> to vector<16xi32>
    %swap3A_694 = vector.shape_cast %convert_element_type3A_690 : vector<16xi32> to vector<16xi32>
    tpu.vector_store %arg24[%swap3A_691], %swap3A_694 {strides = array<i32>} : memref<256xi32, #tpu.memory_space<vmem>>, vector<16xi32>,
    %get3A_695 = arith.constant 96 : index
    %get3A_696 = tpu.vector_load %arg22[%get3A_695] {strides = array<i32>} : memref<256xf32, #tpu.memory_space<vmem>>, vector<16xf32>,
    %get3A_697 = vector.shape_cast %get3A_696 : vector<16xf32> to vector<16xf32>
    %mul3A_698 = arith.mulf %get3A_697, %max3A : vector<16xf32>
    %div3A_699 = arith.constant 6.400000e+02 : f32
    %div3A_700 = vector.broadcast %div3A_699 : f32 to vector<16xf32>
    %div3A_701 = arith.divf %mul3A_698, %div3A_700 : vector<16xf32>
    %jit3A_702 = arith.constant 0.000000e+00 : f32
    %max3A_703 = vector.broadcast %jit3A_702 : f32 to vector<16xf32>
    %max3A_704 = arith.maximumf %max3A_703, %div3A_701 : vector<16xf32>
    %min3A_705 = arith.minimumf %convert_element_type3A_545, %max3A_704 : vector<16xf32>
    %convert_element_type3A_706 = arith.fptosi %min3A_705 : vector<16xf32> to vector<16xi32>
    %swap3A_707 = arith.constant 96 : index
    %swap3A_708 = tpu.vector_load %arg24[%swap3A_707] {strides = array<i32>} : memref<256xi32, #tpu.memory_space<vmem>>, vector<16xi32>,
    %swap3A_709 = vector.shape_cast %swap3A_708 : vector<16xi32> to vector<16xi32>
    %swap3A_710 = vector.shape_cast %convert_element_type3A_706 : vector<16xi32> to vector<16xi32>
    tpu.vector_store %arg24[%swap3A_707], %swap3A_710 {strides = array<i32>} : memref<256xi32, #tpu.memory_space<vmem>>, vector<16xi32>,
    %get3A_711 = arith.constant 112 : index
    %get3A_712 = tpu.vector_load %arg22[%get3A_711] {strides = array<i32>} : memref<256xf32, #tpu.memory_space<vmem>>, vector<16xf32>,
    %get3A_713 = vector.shape_cast %get3A_712 : vector<16xf32> to vector<16xf32>
    %mul3A_714 = arith.mulf %get3A_713, %max3A : vector<16xf32>
    %div3A_715 = arith.constant 6.400000e+02 : f32
    %div3A_716 = vector.broadcast %div3A_715 : f32 to vector<16xf32>
    %div3A_717 = arith.divf %mul3A_714, %div3A_716 : vector<16xf32>
    %jit3A_718 = arith.constant 0.000000e+00 : f32
    %max3A_719 = vector.broadcast %jit3A_718 : f32 to vector<16xf32>
    %max3A_720 = arith.maximumf %max3A_719, %div3A_717 : vector<16xf32>
    %min3A_721 = arith.minimumf %convert_element_type3A_545, %max3A_720 : vector<16xf32>
    %convert_element_type3A_722 = arith.fptosi %min3A_721 : vector<16xf32> to vector<16xi32>
    %swap3A_723 = arith.constant 112 : index
    %swap3A_724 = tpu.vector_load %arg24[%swap3A_723] {strides = array<i32>} : memref<256xi32, #tpu.memory_space<vmem>>, vector<16xi32>,
    %swap3A_725 = vector.shape_cast %swap3A_724 : vector<16xi32> to vector<16xi32>
    %swap3A_726 = vector.shape_cast %convert_element_type3A_722 : vector<16xi32> to vector<16xi32>
    tpu.vector_store %arg24[%swap3A_723], %swap3A_726 {strides = array<i32>} : memref<256xi32, #tpu.memory_space<vmem>>, vector<16xi32>,
    %mul3A_727 = arith.constant 512 : i32
    %mul3A_728 = arith.muli %select_n3A, %mul3A_727 : i32
    %add3A_729 = arith.constant 128 : i32
    %add3A_730 = arith.addi %mul3A_728, %add3A_729 : i32
    %add3A_731 = arith.addi %add3A_730, %mul3A_580 : i32
    %dma_start3A_732 = arith.constant 64 : i32
    %dma_start3A_733 = tpu.memref_slice %arg24[%dma_start3A_732] : memref<256xi32, #tpu.memory_space<vmem>> -> memref<64xi32, #tpu.memory_space<vmem>>
    %dma_start3A_734 = tpu.memref_slice %arg8[%add3A_731] : memref<4096xi32, #tpu.memory_space<hbm>> -> memref<64xi32, #tpu.memory_space<hbm>>
    %dma_start3A_735 = tpu.memref_slice %arg8[%add3A_731] : memref<4096xi32, #tpu.memory_space<hbm>> -> memref<64xi32, #tpu.memory_space<hbm>>
    %dma_start3A_736 = arith.constant 64 : i32
    %dma_start3A_737 = tpu.memref_slice %arg24[%dma_start3A_736] : memref<256xi32, #tpu.memory_space<vmem>> -> memref<64xi32, #tpu.memory_space<vmem>>
    tpu.enqueue_dma source(%dma_start3A_737 : memref<64xi32, #tpu.memory_space<vmem>>) target(%dma_start3A_735 : memref<64xi32, #tpu.memory_space<hbm>>) target_semaphore(%arg31 : memref<!tpu.dma_semaphore, #tpu.memory_space<semaphore_mem>>)
    %get3A_738 = arith.constant 128 : index
    %get3A_739 = tpu.vector_load %arg22[%get3A_738] {strides = array<i32>} : memref<256xf32, #tpu.memory_space<vmem>>, vector<16xf32>,
    %get3A_740 = vector.shape_cast %get3A_739 : vector<16xf32> to vector<16xf32>
    %mul3A_741 = arith.mulf %get3A_740, %max3A : vector<16xf32>
    %div3A_742 = arith.constant 6.400000e+02 : f32
    %div3A_743 = vector.broadcast %div3A_742 : f32 to vector<16xf32>
    %div3A_744 = arith.divf %mul3A_741, %div3A_743 : vector<16xf32>
    %jit3A_745 = arith.constant 0.000000e+00 : f32
    %max3A_746 = vector.broadcast %jit3A_745 : f32 to vector<16xf32>
    %max3A_747 = arith.maximumf %max3A_746, %div3A_744 : vector<16xf32>
    %min3A_748 = arith.minimumf %convert_element_type3A_541, %max3A_747 : vector<16xf32>
    %convert_element_type3A_749 = arith.fptosi %min3A_748 : vector<16xf32> to vector<16xi32>
    %swap3A_750 = arith.constant 128 : index
    %swap3A_751 = tpu.vector_load %arg24[%swap3A_750] {strides = array<i32>} : memref<256xi32, #tpu.memory_space<vmem>>, vector<16xi32>,
    %swap3A_752 = vector.shape_cast %swap3A_751 : vector<16xi32> to vector<16xi32>
    %swap3A_753 = vector.shape_cast %convert_element_type3A_749 : vector<16xi32> to vector<16xi32>
    tpu.vector_store %arg24[%swap3A_750], %swap3A_753 {strides = array<i32>} : memref<256xi32, #tpu.memory_space<vmem>>, vector<16xi32>,
    %get3A_754 = arith.constant 144 : index
    %get3A_755 = tpu.vector_load %arg22[%get3A_754] {strides = array<i32>} : memref<256xf32, #tpu.memory_space<vmem>>, vector<16xf32>,
    %get3A_756 = vector.shape_cast %get3A_755 : vector<16xf32> to vector<16xf32>
    %mul3A_757 = arith.mulf %get3A_756, %max3A : vector<16xf32>
    %div3A_758 = arith.constant 6.400000e+02 : f32
    %div3A_759 = vector.broadcast %div3A_758 : f32 to vector<16xf32>
    %div3A_760 = arith.divf %mul3A_757, %div3A_759 : vector<16xf32>
    %jit3A_761 = arith.constant 0.000000e+00 : f32
    %max3A_762 = vector.broadcast %jit3A_761 : f32 to vector<16xf32>
    %max3A_763 = arith.maximumf %max3A_762, %div3A_760 : vector<16xf32>
    %min3A_764 = arith.minimumf %convert_element_type3A_541, %max3A_763 : vector<16xf32>
    %convert_element_type3A_765 = arith.fptosi %min3A_764 : vector<16xf32> to vector<16xi32>
    %swap3A_766 = arith.constant 144 : index
    %swap3A_767 = tpu.vector_load %arg24[%swap3A_766] {strides = array<i32>} : memref<256xi32, #tpu.memory_space<vmem>>, vector<16xi32>,
    %swap3A_768 = vector.shape_cast %swap3A_767 : vector<16xi32> to vector<16xi32>
    %swap3A_769 = vector.shape_cast %convert_element_type3A_765 : vector<16xi32> to vector<16xi32>
    tpu.vector_store %arg24[%swap3A_766], %swap3A_769 {strides = array<i32>} : memref<256xi32, #tpu.memory_space<vmem>>, vector<16xi32>,
    %get3A_770 = arith.constant 160 : index
    %get3A_771 = tpu.vector_load %arg22[%get3A_770] {strides = array<i32>} : memref<256xf32, #tpu.memory_space<vmem>>, vector<16xf32>,
    %get3A_772 = vector.shape_cast %get3A_771 : vector<16xf32> to vector<16xf32>
    %mul3A_773 = arith.mulf %get3A_772, %max3A : vector<16xf32>
    %div3A_774 = arith.constant 6.400000e+02 : f32
    %div3A_775 = vector.broadcast %div3A_774 : f32 to vector<16xf32>
    %div3A_776 = arith.divf %mul3A_773, %div3A_775 : vector<16xf32>
    %jit3A_777 = arith.constant 0.000000e+00 : f32
    %max3A_778 = vector.broadcast %jit3A_777 : f32 to vector<16xf32>
    %max3A_779 = arith.maximumf %max3A_778, %div3A_776 : vector<16xf32>
    %min3A_780 = arith.minimumf %convert_element_type3A_541, %max3A_779 : vector<16xf32>
    %convert_element_type3A_781 = arith.fptosi %min3A_780 : vector<16xf32> to vector<16xi32>
    %swap3A_782 = arith.constant 160 : index
    %swap3A_783 = tpu.vector_load %arg24[%swap3A_782] {strides = array<i32>} : memref<256xi32, #tpu.memory_space<vmem>>, vector<16xi32>,
    %swap3A_784 = vector.shape_cast %swap3A_783 : vector<16xi32> to vector<16xi32>
    %swap3A_785 = vector.shape_cast %convert_element_type3A_781 : vector<16xi32> to vector<16xi32>
    tpu.vector_store %arg24[%swap3A_782], %swap3A_785 {strides = array<i32>} : memref<256xi32, #tpu.memory_space<vmem>>, vector<16xi32>,
    %get3A_786 = arith.constant 176 : index
    %get3A_787 = tpu.vector_load %arg22[%get3A_786] {strides = array<i32>} : memref<256xf32, #tpu.memory_space<vmem>>, vector<16xf32>,
    %get3A_788 = vector.shape_cast %get3A_787 : vector<16xf32> to vector<16xf32>
    %mul3A_789 = arith.mulf %get3A_788, %max3A : vector<16xf32>
    %div3A_790 = arith.constant 6.400000e+02 : f32
    %div3A_791 = vector.broadcast %div3A_790 : f32 to vector<16xf32>
    %div3A_792 = arith.divf %mul3A_789, %div3A_791 : vector<16xf32>
    %jit3A_793 = arith.constant 0.000000e+00 : f32
    %max3A_794 = vector.broadcast %jit3A_793 : f32 to vector<16xf32>
    %max3A_795 = arith.maximumf %max3A_794, %div3A_792 : vector<16xf32>
    %min3A_796 = arith.minimumf %convert_element_type3A_541, %max3A_795 : vector<16xf32>
    %convert_element_type3A_797 = arith.fptosi %min3A_796 : vector<16xf32> to vector<16xi32>
    %swap3A_798 = arith.constant 176 : index
    %swap3A_799 = tpu.vector_load %arg24[%swap3A_798] {strides = array<i32>} : memref<256xi32, #tpu.memory_space<vmem>>, vector<16xi32>,
    %swap3A_800 = vector.shape_cast %swap3A_799 : vector<16xi32> to vector<16xi32>
    %swap3A_801 = vector.shape_cast %convert_element_type3A_797 : vector<16xi32> to vector<16xi32>
    tpu.vector_store %arg24[%swap3A_798], %swap3A_801 {strides = array<i32>} : memref<256xi32, #tpu.memory_space<vmem>>, vector<16xi32>,
    %mul3A_802 = arith.constant 512 : i32
    %mul3A_803 = arith.muli %select_n3A, %mul3A_802 : i32
    %add3A_804 = arith.constant 256 : i32
    %add3A_805 = arith.addi %mul3A_803, %add3A_804 : i32
    %add3A_806 = arith.addi %add3A_805, %mul3A_580 : i32
    %dma_start3A_807 = arith.constant 128 : i32
    %dma_start3A_808 = tpu.memref_slice %arg24[%dma_start3A_807] : memref<256xi32, #tpu.memory_space<vmem>> -> memref<64xi32, #tpu.memory_space<vmem>>
    %dma_start3A_809 = tpu.memref_slice %arg8[%add3A_806] : memref<4096xi32, #tpu.memory_space<hbm>> -> memref<64xi32, #tpu.memory_space<hbm>>
    %dma_start3A_810 = tpu.memref_slice %arg8[%add3A_806] : memref<4096xi32, #tpu.memory_space<hbm>> -> memref<64xi32, #tpu.memory_space<hbm>>
    %dma_start3A_811 = arith.constant 128 : i32
    %dma_start3A_812 = tpu.memref_slice %arg24[%dma_start3A_811] : memref<256xi32, #tpu.memory_space<vmem>> -> memref<64xi32, #tpu.memory_space<vmem>>
    tpu.enqueue_dma source(%dma_start3A_812 : memref<64xi32, #tpu.memory_space<vmem>>) target(%dma_start3A_810 : memref<64xi32, #tpu.memory_space<hbm>>) target_semaphore(%arg31 : memref<!tpu.dma_semaphore, #tpu.memory_space<semaphore_mem>>)
    %get3A_813 = arith.constant 192 : index
    %get3A_814 = tpu.vector_load %arg22[%get3A_813] {strides = array<i32>} : memref<256xf32, #tpu.memory_space<vmem>>, vector<16xf32>,
    %get3A_815 = vector.shape_cast %get3A_814 : vector<16xf32> to vector<16xf32>
    %mul3A_816 = arith.mulf %get3A_815, %max3A : vector<16xf32>
    %div3A_817 = arith.constant 6.400000e+02 : f32
    %div3A_818 = vector.broadcast %div3A_817 : f32 to vector<16xf32>
    %div3A_819 = arith.divf %mul3A_816, %div3A_818 : vector<16xf32>
    %jit3A_820 = arith.constant 0.000000e+00 : f32
    %max3A_821 = vector.broadcast %jit3A_820 : f32 to vector<16xf32>
    %max3A_822 = arith.maximumf %max3A_821, %div3A_819 : vector<16xf32>
    %min3A_823 = arith.minimumf %convert_element_type3A_545, %max3A_822 : vector<16xf32>
    %convert_element_type3A_824 = arith.fptosi %min3A_823 : vector<16xf32> to vector<16xi32>
    %swap3A_825 = arith.constant 192 : index
    %swap3A_826 = tpu.vector_load %arg24[%swap3A_825] {strides = array<i32>} : memref<256xi32, #tpu.memory_space<vmem>>, vector<16xi32>,
    %swap3A_827 = vector.shape_cast %swap3A_826 : vector<16xi32> to vector<16xi32>
    %swap3A_828 = vector.shape_cast %convert_element_type3A_824 : vector<16xi32> to vector<16xi32>
    tpu.vector_store %arg24[%swap3A_825], %swap3A_828 {strides = array<i32>} : memref<256xi32, #tpu.memory_space<vmem>>, vector<16xi32>,
    %get3A_829 = arith.constant 208 : index
    %get3A_830 = tpu.vector_load %arg22[%get3A_829] {strides = array<i32>} : memref<256xf32, #tpu.memory_space<vmem>>, vector<16xf32>,
    %get3A_831 = vector.shape_cast %get3A_830 : vector<16xf32> to vector<16xf32>
    %mul3A_832 = arith.mulf %get3A_831, %max3A : vector<16xf32>
    %div3A_833 = arith.constant 6.400000e+02 : f32
    %div3A_834 = vector.broadcast %div3A_833 : f32 to vector<16xf32>
    %div3A_835 = arith.divf %mul3A_832, %div3A_834 : vector<16xf32>
    %jit3A_836 = arith.constant 0.000000e+00 : f32
    %max3A_837 = vector.broadcast %jit3A_836 : f32 to vector<16xf32>
    %max3A_838 = arith.maximumf %max3A_837, %div3A_835 : vector<16xf32>
    %min3A_839 = arith.minimumf %convert_element_type3A_545, %max3A_838 : vector<16xf32>
    %convert_element_type3A_840 = arith.fptosi %min3A_839 : vector<16xf32> to vector<16xi32>
    %swap3A_841 = arith.constant 208 : index
    %swap3A_842 = tpu.vector_load %arg24[%swap3A_841] {strides = array<i32>} : memref<256xi32, #tpu.memory_space<vmem>>, vector<16xi32>,
    %swap3A_843 = vector.shape_cast %swap3A_842 : vector<16xi32> to vector<16xi32>
    %swap3A_844 = vector.shape_cast %convert_element_type3A_840 : vector<16xi32> to vector<16xi32>
    tpu.vector_store %arg24[%swap3A_841], %swap3A_844 {strides = array<i32>} : memref<256xi32, #tpu.memory_space<vmem>>, vector<16xi32>,
    %get3A_845 = arith.constant 224 : index
    %get3A_846 = tpu.vector_load %arg22[%get3A_845] {strides = array<i32>} : memref<256xf32, #tpu.memory_space<vmem>>, vector<16xf32>,
    %get3A_847 = vector.shape_cast %get3A_846 : vector<16xf32> to vector<16xf32>
    %mul3A_848 = arith.mulf %get3A_847, %max3A : vector<16xf32>
    %div3A_849 = arith.constant 6.400000e+02 : f32
    %div3A_850 = vector.broadcast %div3A_849 : f32 to vector<16xf32>
    %div3A_851 = arith.divf %mul3A_848, %div3A_850 : vector<16xf32>
    %jit3A_852 = arith.constant 0.000000e+00 : f32
    %max3A_853 = vector.broadcast %jit3A_852 : f32 to vector<16xf32>
    %max3A_854 = arith.maximumf %max3A_853, %div3A_851 : vector<16xf32>
    %min3A_855 = arith.minimumf %convert_element_type3A_545, %max3A_854 : vector<16xf32>
    %convert_element_type3A_856 = arith.fptosi %min3A_855 : vector<16xf32> to vector<16xi32>
    %swap3A_857 = arith.constant 224 : index
    %swap3A_858 = tpu.vector_load %arg24[%swap3A_857] {strides = array<i32>} : memref<256xi32, #tpu.memory_space<vmem>>, vector<16xi32>,
    %swap3A_859 = vector.shape_cast %swap3A_858 : vector<16xi32> to vector<16xi32>
    %swap3A_860 = vector.shape_cast %convert_element_type3A_856 : vector<16xi32> to vector<16xi32>
    tpu.vector_store %arg24[%swap3A_857], %swap3A_860 {strides = array<i32>} : memref<256xi32, #tpu.memory_space<vmem>>, vector<16xi32>,
    %get3A_861 = arith.constant 240 : index
    %get3A_862 = tpu.vector_load %arg22[%get3A_861] {strides = array<i32>} : memref<256xf32, #tpu.memory_space<vmem>>, vector<16xf32>,
    %get3A_863 = vector.shape_cast %get3A_862 : vector<16xf32> to vector<16xf32>
    %mul3A_864 = arith.mulf %get3A_863, %max3A : vector<16xf32>
    %div3A_865 = arith.constant 6.400000e+02 : f32
    %div3A_866 = vector.broadcast %div3A_865 : f32 to vector<16xf32>
    %div3A_867 = arith.divf %mul3A_864, %div3A_866 : vector<16xf32>
    %jit3A_868 = arith.constant 0.000000e+00 : f32
    %max3A_869 = vector.broadcast %jit3A_868 : f32 to vector<16xf32>
    %max3A_870 = arith.maximumf %max3A_869, %div3A_867 : vector<16xf32>
    %min3A_871 = arith.minimumf %convert_element_type3A_545, %max3A_870 : vector<16xf32>
    %convert_element_type3A_872 = arith.fptosi %min3A_871 : vector<16xf32> to vector<16xi32>
    %swap3A_873 = arith.constant 240 : index
    %swap3A_874 = tpu.vector_load %arg24[%swap3A_873] {strides = array<i32>} : memref<256xi32, #tpu.memory_space<vmem>>, vector<16xi32>,
    %swap3A_875 = vector.shape_cast %swap3A_874 : vector<16xi32> to vector<16xi32>
    %swap3A_876 = vector.shape_cast %convert_element_type3A_872 : vector<16xi32> to vector<16xi32>
    tpu.vector_store %arg24[%swap3A_873], %swap3A_876 {strides = array<i32>} : memref<256xi32, #tpu.memory_space<vmem>>, vector<16xi32>,
    %mul3A_877 = arith.constant 512 : i32
    %mul3A_878 = arith.muli %select_n3A, %mul3A_877 : i32
    %add3A_879 = arith.constant 384 : i32
    %add3A_880 = arith.addi %mul3A_878, %add3A_879 : i32
    %add3A_881 = arith.addi %add3A_880, %mul3A_580 : i32
    %dma_start3A_882 = arith.constant 192 : i32
    %dma_start3A_883 = tpu.memref_slice %arg24[%dma_start3A_882] : memref<256xi32, #tpu.memory_space<vmem>> -> memref<64xi32, #tpu.memory_space<vmem>>
    %dma_start3A_884 = tpu.memref_slice %arg8[%add3A_881] : memref<4096xi32, #tpu.memory_space<hbm>> -> memref<64xi32, #tpu.memory_space<hbm>>
    %dma_start3A_885 = tpu.memref_slice %arg8[%add3A_881] : memref<4096xi32, #tpu.memory_space<hbm>> -> memref<64xi32, #tpu.memory_space<hbm>>
    %dma_start3A_886 = arith.constant 192 : i32
    %dma_start3A_887 = tpu.memref_slice %arg24[%dma_start3A_886] : memref<256xi32, #tpu.memory_space<vmem>> -> memref<64xi32, #tpu.memory_space<vmem>>
    tpu.enqueue_dma source(%dma_start3A_887 : memref<64xi32, #tpu.memory_space<vmem>>) target(%dma_start3A_885 : memref<64xi32, #tpu.memory_space<hbm>>) target_semaphore(%arg31 : memref<!tpu.dma_semaphore, #tpu.memory_space<semaphore_mem>>)
    %dma_wait3A_888 = arith.constant 0 : i32
    %dma_wait3A_889 = tpu.memref_slice %arg23[%dma_wait3A_888] : memref<640xf32, #tpu.memory_space<vmem>> -> memref<128xf32, #tpu.memory_space<vmem>>
    %dma_wait3A_890 = arith.constant 0 : i32
    %dma_wait3A_891 = tpu.memref_slice %arg6[%dma_wait3A_890] : memref<200000xf32, #tpu.memory_space<hbm>> -> memref<200000xf32, #tpu.memory_space<hbm>>
    tpu.wait_indirect_dma semaphore(%arg30 : memref<!tpu.dma_semaphore, #tpu.memory_space<semaphore_mem>>) src(%dma_wait3A_891 : memref<200000xf32, #tpu.memory_space<hbm>>) dst(%dma_wait3A_889 : memref<128xf32, #tpu.memory_space<vmem>>)
    %dma_wait3A_892 = arith.constant 128 : i32
    %dma_wait3A_893 = tpu.memref_slice %arg23[%dma_wait3A_892] : memref<640xf32, #tpu.memory_space<vmem>> -> memref<128xf32, #tpu.memory_space<vmem>>
    %dma_wait3A_894 = arith.constant 0 : i32
    %dma_wait3A_895 = tpu.memref_slice %arg6[%dma_wait3A_894] : memref<200000xf32, #tpu.memory_space<hbm>> -> memref<200000xf32, #tpu.memory_space<hbm>>
    tpu.wait_indirect_dma semaphore(%arg30 : memref<!tpu.dma_semaphore, #tpu.memory_space<semaphore_mem>>) src(%dma_wait3A_895 : memref<200000xf32, #tpu.memory_space<hbm>>) dst(%dma_wait3A_893 : memref<128xf32, #tpu.memory_space<vmem>>)
    %dma_wait3A_896 = arith.constant 256 : i32
    %dma_wait3A_897 = tpu.memref_slice %arg23[%dma_wait3A_896] : memref<640xf32, #tpu.memory_space<vmem>> -> memref<128xf32, #tpu.memory_space<vmem>>
    %dma_wait3A_898 = arith.constant 0 : i32
    %dma_wait3A_899 = tpu.memref_slice %arg6[%dma_wait3A_898] : memref<200000xf32, #tpu.memory_space<hbm>> -> memref<200000xf32, #tpu.memory_space<hbm>>
    tpu.wait_indirect_dma semaphore(%arg30 : memref<!tpu.dma_semaphore, #tpu.memory_space<semaphore_mem>>) src(%dma_wait3A_899 : memref<200000xf32, #tpu.memory_space<hbm>>) dst(%dma_wait3A_897 : memref<128xf32, #tpu.memory_space<vmem>>)
    %dma_wait3A_900 = arith.constant 384 : i32
    %dma_wait3A_901 = tpu.memref_slice %arg23[%dma_wait3A_900] : memref<640xf32, #tpu.memory_space<vmem>> -> memref<128xf32, #tpu.memory_space<vmem>>
    %dma_wait3A_902 = arith.constant 0 : i32
    %dma_wait3A_903 = tpu.memref_slice %arg6[%dma_wait3A_902] : memref<200000xf32, #tpu.memory_space<hbm>> -> memref<200000xf32, #tpu.memory_space<hbm>>
    tpu.wait_indirect_dma semaphore(%arg30 : memref<!tpu.dma_semaphore, #tpu.memory_space<semaphore_mem>>) src(%dma_wait3A_903 : memref<200000xf32, #tpu.memory_space<hbm>>) dst(%dma_wait3A_901 : memref<128xf32, #tpu.memory_space<vmem>>)
    %dma_wait3A_904 = arith.constant 512 : i32
    %dma_wait3A_905 = tpu.memref_slice %arg23[%dma_wait3A_904] : memref<640xf32, #tpu.memory_space<vmem>> -> memref<128xf32, #tpu.memory_space<vmem>>
    %dma_wait3A_906 = arith.constant 0 : i32
    %dma_wait3A_907 = tpu.memref_slice %arg6[%dma_wait3A_906] : memref<200000xf32, #tpu.memory_space<hbm>> -> memref<200000xf32, #tpu.memory_space<hbm>>
    tpu.wait_indirect_dma semaphore(%arg30 : memref<!tpu.dma_semaphore, #tpu.memory_space<semaphore_mem>>) src(%dma_wait3A_907 : memref<200000xf32, #tpu.memory_space<hbm>>) dst(%dma_wait3A_905 : memref<128xf32, #tpu.memory_space<vmem>>)
    %get3A_908 = arith.constant 0 : index
    %get3A_909 = tpu.vector_load %arg23[%get3A_908] {strides = array<i32>} : memref<640xf32, #tpu.memory_space<vmem>>, vector<16xf32>,
    %get3A_910 = vector.shape_cast %get3A_909 : vector<16xf32> to vector<16xf32>
    %mul3A_911 = arith.mulf %get3A_910, %max3A : vector<16xf32>
    %div3A_912 = arith.constant 6.400000e+02 : f32
    %div3A_913 = vector.broadcast %div3A_912 : f32 to vector<16xf32>
    %div3A_914 = arith.divf %mul3A_911, %div3A_913 : vector<16xf32>
    %jit3A_915 = arith.constant 0.000000e+00 : f32
    %max3A_916 = vector.broadcast %jit3A_915 : f32 to vector<16xf32>
    %max3A_917 = arith.maximumf %max3A_916, %div3A_914 : vector<16xf32>
    %min3A_918 = arith.minimumf %convert_element_type3A_541, %max3A_917 : vector<16xf32>
    %convert_element_type3A_919 = arith.fptosi %min3A_918 : vector<16xf32> to vector<16xi32>
    %swap3A_920 = arith.constant 0 : index
    %swap3A_921 = tpu.vector_load %arg25[%swap3A_920] {strides = array<i32>} : memref<640xi32, #tpu.memory_space<vmem>>, vector<16xi32>,
    %swap3A_922 = vector.shape_cast %swap3A_921 : vector<16xi32> to vector<16xi32>
    %swap3A_923 = vector.shape_cast %convert_element_type3A_919 : vector<16xi32> to vector<16xi32>
    tpu.vector_store %arg25[%swap3A_920], %swap3A_923 {strides = array<i32>} : memref<640xi32, #tpu.memory_space<vmem>>, vector<16xi32>,
    %get3A_924 = arith.constant 16 : index
    %get3A_925 = tpu.vector_load %arg23[%get3A_924] {strides = array<i32>} : memref<640xf32, #tpu.memory_space<vmem>>, vector<16xf32>,
    %get3A_926 = vector.shape_cast %get3A_925 : vector<16xf32> to vector<16xf32>
    %mul3A_927 = arith.mulf %get3A_926, %max3A : vector<16xf32>
    %div3A_928 = arith.constant 6.400000e+02 : f32
    %div3A_929 = vector.broadcast %div3A_928 : f32 to vector<16xf32>
    %div3A_930 = arith.divf %mul3A_927, %div3A_929 : vector<16xf32>
    %jit3A_931 = arith.constant 0.000000e+00 : f32
    %max3A_932 = vector.broadcast %jit3A_931 : f32 to vector<16xf32>
    %max3A_933 = arith.maximumf %max3A_932, %div3A_930 : vector<16xf32>
    %min3A_934 = arith.minimumf %convert_element_type3A_541, %max3A_933 : vector<16xf32>
    %convert_element_type3A_935 = arith.fptosi %min3A_934 : vector<16xf32> to vector<16xi32>
    %swap3A_936 = arith.constant 16 : index
    %swap3A_937 = tpu.vector_load %arg25[%swap3A_936] {strides = array<i32>} : memref<640xi32, #tpu.memory_space<vmem>>, vector<16xi32>,
    %swap3A_938 = vector.shape_cast %swap3A_937 : vector<16xi32> to vector<16xi32>
    %swap3A_939 = vector.shape_cast %convert_element_type3A_935 : vector<16xi32> to vector<16xi32>
    tpu.vector_store %arg25[%swap3A_936], %swap3A_939 {strides = array<i32>} : memref<640xi32, #tpu.memory_space<vmem>>, vector<16xi32>,
    %get3A_940 = arith.constant 32 : index
    %get3A_941 = tpu.vector_load %arg23[%get3A_940] {strides = array<i32>} : memref<640xf32, #tpu.memory_space<vmem>>, vector<16xf32>,
    %get3A_942 = vector.shape_cast %get3A_941 : vector<16xf32> to vector<16xf32>
    %mul3A_943 = arith.mulf %get3A_942, %max3A : vector<16xf32>
    %div3A_944 = arith.constant 6.400000e+02 : f32
    %div3A_945 = vector.broadcast %div3A_944 : f32 to vector<16xf32>
    %div3A_946 = arith.divf %mul3A_943, %div3A_945 : vector<16xf32>
    %jit3A_947 = arith.constant 0.000000e+00 : f32
    %max3A_948 = vector.broadcast %jit3A_947 : f32 to vector<16xf32>
    %max3A_949 = arith.maximumf %max3A_948, %div3A_946 : vector<16xf32>
    %min3A_950 = arith.minimumf %convert_element_type3A_541, %max3A_949 : vector<16xf32>
    %convert_element_type3A_951 = arith.fptosi %min3A_950 : vector<16xf32> to vector<16xi32>
    %swap3A_952 = arith.constant 32 : index
    %swap3A_953 = tpu.vector_load %arg25[%swap3A_952] {strides = array<i32>} : memref<640xi32, #tpu.memory_space<vmem>>, vector<16xi32>,
    %swap3A_954 = vector.shape_cast %swap3A_953 : vector<16xi32> to vector<16xi32>
    %swap3A_955 = vector.shape_cast %convert_element_type3A_951 : vector<16xi32> to vector<16xi32>
    tpu.vector_store %arg25[%swap3A_952], %swap3A_955 {strides = array<i32>} : memref<640xi32, #tpu.memory_space<vmem>>, vector<16xi32>,
    %get3A_956 = arith.constant 48 : index
    %get3A_957 = tpu.vector_load %arg23[%get3A_956] {strides = array<i32>} : memref<640xf32, #tpu.memory_space<vmem>>, vector<16xf32>,
    %get3A_958 = vector.shape_cast %get3A_957 : vector<16xf32> to vector<16xf32>
    %mul3A_959 = arith.mulf %get3A_958, %max3A : vector<16xf32>
    %div3A_960 = arith.constant 6.400000e+02 : f32
    %div3A_961 = vector.broadcast %div3A_960 : f32 to vector<16xf32>
    %div3A_962 = arith.divf %mul3A_959, %div3A_961 : vector<16xf32>
    %jit3A_963 = arith.constant 0.000000e+00 : f32
    %max3A_964 = vector.broadcast %jit3A_963 : f32 to vector<16xf32>
    %max3A_965 = arith.maximumf %max3A_964, %div3A_962 : vector<16xf32>
    %min3A_966 = arith.minimumf %convert_element_type3A_541, %max3A_965 : vector<16xf32>
    %convert_element_type3A_967 = arith.fptosi %min3A_966 : vector<16xf32> to vector<16xi32>
    %swap3A_968 = arith.constant 48 : index
    %swap3A_969 = tpu.vector_load %arg25[%swap3A_968] {strides = array<i32>} : memref<640xi32, #tpu.memory_space<vmem>>, vector<16xi32>,
    %swap3A_970 = vector.shape_cast %swap3A_969 : vector<16xi32> to vector<16xi32>
    %swap3A_971 = vector.shape_cast %convert_element_type3A_967 : vector<16xi32> to vector<16xi32>
    tpu.vector_store %arg25[%swap3A_968], %swap3A_971 {strides = array<i32>} : memref<640xi32, #tpu.memory_space<vmem>>, vector<16xi32>,
    %mul3A_972 = arith.constant 256 : i32
    %mul3A_973 = arith.muli %select_n3A, %mul3A_972 : i32
    %add3A_974 = arith.constant 0 : i32
    %add3A_975 = arith.addi %add3A_974, %mul3A_973 : i32
    %add3A_976 = arith.addi %add3A_975, %mul3A_580 : i32
    %dma_start3A_977 = arith.constant 0 : i32
    %dma_start3A_978 = tpu.memref_slice %arg25[%dma_start3A_977] : memref<640xi32, #tpu.memory_space<vmem>> -> memref<64xi32, #tpu.memory_space<vmem>>
    %dma_start3A_979 = tpu.memref_slice %arg9[%add3A_976] : memref<10240xi32, #tpu.memory_space<hbm>> -> memref<64xi32, #tpu.memory_space<hbm>>
    %dma_start3A_980 = tpu.memref_slice %arg9[%add3A_976] : memref<10240xi32, #tpu.memory_space<hbm>> -> memref<64xi32, #tpu.memory_space<hbm>>
    %dma_start3A_981 = arith.constant 0 : i32
    %dma_start3A_982 = tpu.memref_slice %arg25[%dma_start3A_981] : memref<640xi32, #tpu.memory_space<vmem>> -> memref<64xi32, #tpu.memory_space<vmem>>
    tpu.enqueue_dma source(%dma_start3A_982 : memref<64xi32, #tpu.memory_space<vmem>>) target(%dma_start3A_980 : memref<64xi32, #tpu.memory_space<hbm>>) target_semaphore(%arg31 : memref<!tpu.dma_semaphore, #tpu.memory_space<semaphore_mem>>)
    %get3A_983 = arith.constant 64 : index
    %get3A_984 = tpu.vector_load %arg23[%get3A_983] {strides = array<i32>} : memref<640xf32, #tpu.memory_space<vmem>>, vector<16xf32>,
    %get3A_985 = vector.shape_cast %get3A_984 : vector<16xf32> to vector<16xf32>
    %mul3A_986 = arith.mulf %get3A_985, %max3A : vector<16xf32>
    %div3A_987 = arith.constant 6.400000e+02 : f32
    %div3A_988 = vector.broadcast %div3A_987 : f32 to vector<16xf32>
    %div3A_989 = arith.divf %mul3A_986, %div3A_988 : vector<16xf32>
    %jit3A_990 = arith.constant 0.000000e+00 : f32
    %max3A_991 = vector.broadcast %jit3A_990 : f32 to vector<16xf32>
    %max3A_992 = arith.maximumf %max3A_991, %div3A_989 : vector<16xf32>
    %min3A_993 = arith.minimumf %convert_element_type3A_545, %max3A_992 : vector<16xf32>
    %convert_element_type3A_994 = arith.fptosi %min3A_993 : vector<16xf32> to vector<16xi32>
    %swap3A_995 = arith.constant 64 : index
    %swap3A_996 = tpu.vector_load %arg25[%swap3A_995] {strides = array<i32>} : memref<640xi32, #tpu.memory_space<vmem>>, vector<16xi32>,
    %swap3A_997 = vector.shape_cast %swap3A_996 : vector<16xi32> to vector<16xi32>
    %swap3A_998 = vector.shape_cast %convert_element_type3A_994 : vector<16xi32> to vector<16xi32>
    tpu.vector_store %arg25[%swap3A_995], %swap3A_998 {strides = array<i32>} : memref<640xi32, #tpu.memory_space<vmem>>, vector<16xi32>,
    %get3A_999 = arith.constant 80 : index
    %get3A_1000 = tpu.vector_load %arg23[%get3A_999] {strides = array<i32>} : memref<640xf32, #tpu.memory_space<vmem>>, vector<16xf32>,
    %get3A_1001 = vector.shape_cast %get3A_1000 : vector<16xf32> to vector<16xf32>
    %mul3A_1002 = arith.mulf %get3A_1001, %max3A : vector<16xf32>
    %div3A_1003 = arith.constant 6.400000e+02 : f32
    %div3A_1004 = vector.broadcast %div3A_1003 : f32 to vector<16xf32>
    %div3A_1005 = arith.divf %mul3A_1002, %div3A_1004 : vector<16xf32>
    %jit3A_1006 = arith.constant 0.000000e+00 : f32
    %max3A_1007 = vector.broadcast %jit3A_1006 : f32 to vector<16xf32>
    %max3A_1008 = arith.maximumf %max3A_1007, %div3A_1005 : vector<16xf32>
    %min3A_1009 = arith.minimumf %convert_element_type3A_545, %max3A_1008 : vector<16xf32>
    %convert_element_type3A_1010 = arith.fptosi %min3A_1009 : vector<16xf32> to vector<16xi32>
    %swap3A_1011 = arith.constant 80 : index
    %swap3A_1012 = tpu.vector_load %arg25[%swap3A_1011] {strides = array<i32>} : memref<640xi32, #tpu.memory_space<vmem>>, vector<16xi32>,
    %swap3A_1013 = vector.shape_cast %swap3A_1012 : vector<16xi32> to vector<16xi32>
    %swap3A_1014 = vector.shape_cast %convert_element_type3A_1010 : vector<16xi32> to vector<16xi32>
    tpu.vector_store %arg25[%swap3A_1011], %swap3A_1014 {strides = array<i32>} : memref<640xi32, #tpu.memory_space<vmem>>, vector<16xi32>,
    %get3A_1015 = arith.constant 96 : index
    %get3A_1016 = tpu.vector_load %arg23[%get3A_1015] {strides = array<i32>} : memref<640xf32, #tpu.memory_space<vmem>>, vector<16xf32>,
    %get3A_1017 = vector.shape_cast %get3A_1016 : vector<16xf32> to vector<16xf32>
    %mul3A_1018 = arith.mulf %get3A_1017, %max3A : vector<16xf32>
    %div3A_1019 = arith.constant 6.400000e+02 : f32
    %div3A_1020 = vector.broadcast %div3A_1019 : f32 to vector<16xf32>
    %div3A_1021 = arith.divf %mul3A_1018, %div3A_1020 : vector<16xf32>
    %jit3A_1022 = arith.constant 0.000000e+00 : f32
    %max3A_1023 = vector.broadcast %jit3A_1022 : f32 to vector<16xf32>
    %max3A_1024 = arith.maximumf %max3A_1023, %div3A_1021 : vector<16xf32>
    %min3A_1025 = arith.minimumf %convert_element_type3A_545, %max3A_1024 : vector<16xf32>
    %convert_element_type3A_1026 = arith.fptosi %min3A_1025 : vector<16xf32> to vector<16xi32>
    %swap3A_1027 = arith.constant 96 : index
    %swap3A_1028 = tpu.vector_load %arg25[%swap3A_1027] {strides = array<i32>} : memref<640xi32, #tpu.memory_space<vmem>>, vector<16xi32>,
    %swap3A_1029 = vector.shape_cast %swap3A_1028 : vector<16xi32> to vector<16xi32>
    %swap3A_1030 = vector.shape_cast %convert_element_type3A_1026 : vector<16xi32> to vector<16xi32>
    tpu.vector_store %arg25[%swap3A_1027], %swap3A_1030 {strides = array<i32>} : memref<640xi32, #tpu.memory_space<vmem>>, vector<16xi32>,
    %get3A_1031 = arith.constant 112 : index
    %get3A_1032 = tpu.vector_load %arg23[%get3A_1031] {strides = array<i32>} : memref<640xf32, #tpu.memory_space<vmem>>, vector<16xf32>,
    %get3A_1033 = vector.shape_cast %get3A_1032 : vector<16xf32> to vector<16xf32>
    %mul3A_1034 = arith.mulf %get3A_1033, %max3A : vector<16xf32>
    %div3A_1035 = arith.constant 6.400000e+02 : f32
    %div3A_1036 = vector.broadcast %div3A_1035 : f32 to vector<16xf32>
    %div3A_1037 = arith.divf %mul3A_1034, %div3A_1036 : vector<16xf32>
    %jit3A_1038 = arith.constant 0.000000e+00 : f32
    %max3A_1039 = vector.broadcast %jit3A_1038 : f32 to vector<16xf32>
    %max3A_1040 = arith.maximumf %max3A_1039, %div3A_1037 : vector<16xf32>
    %min3A_1041 = arith.minimumf %convert_element_type3A_545, %max3A_1040 : vector<16xf32>
    %convert_element_type3A_1042 = arith.fptosi %min3A_1041 : vector<16xf32> to vector<16xi32>
    %swap3A_1043 = arith.constant 112 : index
    %swap3A_1044 = tpu.vector_load %arg25[%swap3A_1043] {strides = array<i32>} : memref<640xi32, #tpu.memory_space<vmem>>, vector<16xi32>,
    %swap3A_1045 = vector.shape_cast %swap3A_1044 : vector<16xi32> to vector<16xi32>
    %swap3A_1046 = vector.shape_cast %convert_element_type3A_1042 : vector<16xi32> to vector<16xi32>
    tpu.vector_store %arg25[%swap3A_1043], %swap3A_1046 {strides = array<i32>} : memref<640xi32, #tpu.memory_space<vmem>>, vector<16xi32>,
    %mul3A_1047 = arith.constant 256 : i32
    %mul3A_1048 = arith.muli %select_n3A, %mul3A_1047 : i32
    %add3A_1049 = arith.constant 128 : i32
    %add3A_1050 = arith.addi %add3A_1049, %mul3A_1048 : i32
    %add3A_1051 = arith.addi %add3A_1050, %mul3A_580 : i32
    %dma_start3A_1052 = arith.constant 64 : i32
    %dma_start3A_1053 = tpu.memref_slice %arg25[%dma_start3A_1052] : memref<640xi32, #tpu.memory_space<vmem>> -> memref<64xi32, #tpu.memory_space<vmem>>
    %dma_start3A_1054 = tpu.memref_slice %arg9[%add3A_1051] : memref<10240xi32, #tpu.memory_space<hbm>> -> memref<64xi32, #tpu.memory_space<hbm>>
    %dma_start3A_1055 = tpu.memref_slice %arg9[%add3A_1051] : memref<10240xi32, #tpu.memory_space<hbm>> -> memref<64xi32, #tpu.memory_space<hbm>>
    %dma_start3A_1056 = arith.constant 64 : i32
    %dma_start3A_1057 = tpu.memref_slice %arg25[%dma_start3A_1056] : memref<640xi32, #tpu.memory_space<vmem>> -> memref<64xi32, #tpu.memory_space<vmem>>
    tpu.enqueue_dma source(%dma_start3A_1057 : memref<64xi32, #tpu.memory_space<vmem>>) target(%dma_start3A_1055 : memref<64xi32, #tpu.memory_space<hbm>>) target_semaphore(%arg31 : memref<!tpu.dma_semaphore, #tpu.memory_space<semaphore_mem>>)
    %get3A_1058 = arith.constant 128 : index
    %get3A_1059 = tpu.vector_load %arg23[%get3A_1058] {strides = array<i32>} : memref<640xf32, #tpu.memory_space<vmem>>, vector<16xf32>,
    %get3A_1060 = vector.shape_cast %get3A_1059 : vector<16xf32> to vector<16xf32>
    %mul3A_1061 = arith.mulf %get3A_1060, %max3A : vector<16xf32>
    %div3A_1062 = arith.constant 6.400000e+02 : f32
    %div3A_1063 = vector.broadcast %div3A_1062 : f32 to vector<16xf32>
    %div3A_1064 = arith.divf %mul3A_1061, %div3A_1063 : vector<16xf32>
    %jit3A_1065 = arith.constant 0.000000e+00 : f32
    %max3A_1066 = vector.broadcast %jit3A_1065 : f32 to vector<16xf32>
    %max3A_1067 = arith.maximumf %max3A_1066, %div3A_1064 : vector<16xf32>
    %min3A_1068 = arith.minimumf %convert_element_type3A_541, %max3A_1067 : vector<16xf32>
    %convert_element_type3A_1069 = arith.fptosi %min3A_1068 : vector<16xf32> to vector<16xi32>
    %swap3A_1070 = arith.constant 128 : index
    %swap3A_1071 = tpu.vector_load %arg25[%swap3A_1070] {strides = array<i32>} : memref<640xi32, #tpu.memory_space<vmem>>, vector<16xi32>,
    %swap3A_1072 = vector.shape_cast %swap3A_1071 : vector<16xi32> to vector<16xi32>
    %swap3A_1073 = vector.shape_cast %convert_element_type3A_1069 : vector<16xi32> to vector<16xi32>
    tpu.vector_store %arg25[%swap3A_1070], %swap3A_1073 {strides = array<i32>} : memref<640xi32, #tpu.memory_space<vmem>>, vector<16xi32>,
    %get3A_1074 = arith.constant 144 : index
    %get3A_1075 = tpu.vector_load %arg23[%get3A_1074] {strides = array<i32>} : memref<640xf32, #tpu.memory_space<vmem>>, vector<16xf32>,
    %get3A_1076 = vector.shape_cast %get3A_1075 : vector<16xf32> to vector<16xf32>
    %mul3A_1077 = arith.mulf %get3A_1076, %max3A : vector<16xf32>
    %div3A_1078 = arith.constant 6.400000e+02 : f32
    %div3A_1079 = vector.broadcast %div3A_1078 : f32 to vector<16xf32>
    %div3A_1080 = arith.divf %mul3A_1077, %div3A_1079 : vector<16xf32>
    %jit3A_1081 = arith.constant 0.000000e+00 : f32
    %max3A_1082 = vector.broadcast %jit3A_1081 : f32 to vector<16xf32>
    %max3A_1083 = arith.maximumf %max3A_1082, %div3A_1080 : vector<16xf32>
    %min3A_1084 = arith.minimumf %convert_element_type3A_541, %max3A_1083 : vector<16xf32>
    %convert_element_type3A_1085 = arith.fptosi %min3A_1084 : vector<16xf32> to vector<16xi32>
    %swap3A_1086 = arith.constant 144 : index
    %swap3A_1087 = tpu.vector_load %arg25[%swap3A_1086] {strides = array<i32>} : memref<640xi32, #tpu.memory_space<vmem>>, vector<16xi32>,
    %swap3A_1088 = vector.shape_cast %swap3A_1087 : vector<16xi32> to vector<16xi32>
    %swap3A_1089 = vector.shape_cast %convert_element_type3A_1085 : vector<16xi32> to vector<16xi32>
    tpu.vector_store %arg25[%swap3A_1086], %swap3A_1089 {strides = array<i32>} : memref<640xi32, #tpu.memory_space<vmem>>, vector<16xi32>,
    %get3A_1090 = arith.constant 160 : index
    %get3A_1091 = tpu.vector_load %arg23[%get3A_1090] {strides = array<i32>} : memref<640xf32, #tpu.memory_space<vmem>>, vector<16xf32>,
    %get3A_1092 = vector.shape_cast %get3A_1091 : vector<16xf32> to vector<16xf32>
    %mul3A_1093 = arith.mulf %get3A_1092, %max3A : vector<16xf32>
    %div3A_1094 = arith.constant 6.400000e+02 : f32
    %div3A_1095 = vector.broadcast %div3A_1094 : f32 to vector<16xf32>
    %div3A_1096 = arith.divf %mul3A_1093, %div3A_1095 : vector<16xf32>
    %jit3A_1097 = arith.constant 0.000000e+00 : f32
    %max3A_1098 = vector.broadcast %jit3A_1097 : f32 to vector<16xf32>
    %max3A_1099 = arith.maximumf %max3A_1098, %div3A_1096 : vector<16xf32>
    %min3A_1100 = arith.minimumf %convert_element_type3A_541, %max3A_1099 : vector<16xf32>
    %convert_element_type3A_1101 = arith.fptosi %min3A_1100 : vector<16xf32> to vector<16xi32>
    %swap3A_1102 = arith.constant 160 : index
    %swap3A_1103 = tpu.vector_load %arg25[%swap3A_1102] {strides = array<i32>} : memref<640xi32, #tpu.memory_space<vmem>>, vector<16xi32>,
    %swap3A_1104 = vector.shape_cast %swap3A_1103 : vector<16xi32> to vector<16xi32>
    %swap3A_1105 = vector.shape_cast %convert_element_type3A_1101 : vector<16xi32> to vector<16xi32>
    tpu.vector_store %arg25[%swap3A_1102], %swap3A_1105 {strides = array<i32>} : memref<640xi32, #tpu.memory_space<vmem>>, vector<16xi32>,
    %get3A_1106 = arith.constant 176 : index
    %get3A_1107 = tpu.vector_load %arg23[%get3A_1106] {strides = array<i32>} : memref<640xf32, #tpu.memory_space<vmem>>, vector<16xf32>,
    %get3A_1108 = vector.shape_cast %get3A_1107 : vector<16xf32> to vector<16xf32>
    %mul3A_1109 = arith.mulf %get3A_1108, %max3A : vector<16xf32>
    %div3A_1110 = arith.constant 6.400000e+02 : f32
    %div3A_1111 = vector.broadcast %div3A_1110 : f32 to vector<16xf32>
    %div3A_1112 = arith.divf %mul3A_1109, %div3A_1111 : vector<16xf32>
    %jit3A_1113 = arith.constant 0.000000e+00 : f32
    %max3A_1114 = vector.broadcast %jit3A_1113 : f32 to vector<16xf32>
    %max3A_1115 = arith.maximumf %max3A_1114, %div3A_1112 : vector<16xf32>
    %min3A_1116 = arith.minimumf %convert_element_type3A_541, %max3A_1115 : vector<16xf32>
    %convert_element_type3A_1117 = arith.fptosi %min3A_1116 : vector<16xf32> to vector<16xi32>
    %swap3A_1118 = arith.constant 176 : index
    %swap3A_1119 = tpu.vector_load %arg25[%swap3A_1118] {strides = array<i32>} : memref<640xi32, #tpu.memory_space<vmem>>, vector<16xi32>,
    %swap3A_1120 = vector.shape_cast %swap3A_1119 : vector<16xi32> to vector<16xi32>
    %swap3A_1121 = vector.shape_cast %convert_element_type3A_1117 : vector<16xi32> to vector<16xi32>
    tpu.vector_store %arg25[%swap3A_1118], %swap3A_1121 {strides = array<i32>} : memref<640xi32, #tpu.memory_space<vmem>>, vector<16xi32>,
    %mul3A_1122 = arith.constant 256 : i32
    %mul3A_1123 = arith.muli %select_n3A, %mul3A_1122 : i32
    %add3A_1124 = arith.constant 2048 : i32
    %add3A_1125 = arith.addi %add3A_1124, %mul3A_1123 : i32
    %add3A_1126 = arith.addi %add3A_1125, %mul3A_580 : i32
    %dma_start3A_1127 = arith.constant 128 : i32
    %dma_start3A_1128 = tpu.memref_slice %arg25[%dma_start3A_1127] : memref<640xi32, #tpu.memory_space<vmem>> -> memref<64xi32, #tpu.memory_space<vmem>>
    %dma_start3A_1129 = tpu.memref_slice %arg9[%add3A_1126] : memref<10240xi32, #tpu.memory_space<hbm>> -> memref<64xi32, #tpu.memory_space<hbm>>
    %dma_start3A_1130 = tpu.memref_slice %arg9[%add3A_1126] : memref<10240xi32, #tpu.memory_space<hbm>> -> memref<64xi32, #tpu.memory_space<hbm>>
    %dma_start3A_1131 = arith.constant 128 : i32
    %dma_start3A_1132 = tpu.memref_slice %arg25[%dma_start3A_1131] : memref<640xi32, #tpu.memory_space<vmem>> -> memref<64xi32, #tpu.memory_space<vmem>>
    tpu.enqueue_dma source(%dma_start3A_1132 : memref<64xi32, #tpu.memory_space<vmem>>) target(%dma_start3A_1130 : memref<64xi32, #tpu.memory_space<hbm>>) target_semaphore(%arg31 : memref<!tpu.dma_semaphore, #tpu.memory_space<semaphore_mem>>)
    %get3A_1133 = arith.constant 192 : index
    %get3A_1134 = tpu.vector_load %arg23[%get3A_1133] {strides = array<i32>} : memref<640xf32, #tpu.memory_space<vmem>>, vector<16xf32>,
    %get3A_1135 = vector.shape_cast %get3A_1134 : vector<16xf32> to vector<16xf32>
    %mul3A_1136 = arith.mulf %get3A_1135, %max3A : vector<16xf32>
    %div3A_1137 = arith.constant 6.400000e+02 : f32
    %div3A_1138 = vector.broadcast %div3A_1137 : f32 to vector<16xf32>
    %div3A_1139 = arith.divf %mul3A_1136, %div3A_1138 : vector<16xf32>
    %jit3A_1140 = arith.constant 0.000000e+00 : f32
    %max3A_1141 = vector.broadcast %jit3A_1140 : f32 to vector<16xf32>
    %max3A_1142 = arith.maximumf %max3A_1141, %div3A_1139 : vector<16xf32>
    %min3A_1143 = arith.minimumf %convert_element_type3A_545, %max3A_1142 : vector<16xf32>
    %convert_element_type3A_1144 = arith.fptosi %min3A_1143 : vector<16xf32> to vector<16xi32>
    %swap3A_1145 = arith.constant 192 : index
    %swap3A_1146 = tpu.vector_load %arg25[%swap3A_1145] {strides = array<i32>} : memref<640xi32, #tpu.memory_space<vmem>>, vector<16xi32>,
    %swap3A_1147 = vector.shape_cast %swap3A_1146 : vector<16xi32> to vector<16xi32>
    %swap3A_1148 = vector.shape_cast %convert_element_type3A_1144 : vector<16xi32> to vector<16xi32>
    tpu.vector_store %arg25[%swap3A_1145], %swap3A_1148 {strides = array<i32>} : memref<640xi32, #tpu.memory_space<vmem>>, vector<16xi32>,
    %get3A_1149 = arith.constant 208 : index
    %get3A_1150 = tpu.vector_load %arg23[%get3A_1149] {strides = array<i32>} : memref<640xf32, #tpu.memory_space<vmem>>, vector<16xf32>,
    %get3A_1151 = vector.shape_cast %get3A_1150 : vector<16xf32> to vector<16xf32>
    %mul3A_1152 = arith.mulf %get3A_1151, %max3A : vector<16xf32>
    %div3A_1153 = arith.constant 6.400000e+02 : f32
    %div3A_1154 = vector.broadcast %div3A_1153 : f32 to vector<16xf32>
    %div3A_1155 = arith.divf %mul3A_1152, %div3A_1154 : vector<16xf32>
    %jit3A_1156 = arith.constant 0.000000e+00 : f32
    %max3A_1157 = vector.broadcast %jit3A_1156 : f32 to vector<16xf32>
    %max3A_1158 = arith.maximumf %max3A_1157, %div3A_1155 : vector<16xf32>
    %min3A_1159 = arith.minimumf %convert_element_type3A_545, %max3A_1158 : vector<16xf32>
    %convert_element_type3A_1160 = arith.fptosi %min3A_1159 : vector<16xf32> to vector<16xi32>
    %swap3A_1161 = arith.constant 208 : index
    %swap3A_1162 = tpu.vector_load %arg25[%swap3A_1161] {strides = array<i32>} : memref<640xi32, #tpu.memory_space<vmem>>, vector<16xi32>,
    %swap3A_1163 = vector.shape_cast %swap3A_1162 : vector<16xi32> to vector<16xi32>
    %swap3A_1164 = vector.shape_cast %convert_element_type3A_1160 : vector<16xi32> to vector<16xi32>
    tpu.vector_store %arg25[%swap3A_1161], %swap3A_1164 {strides = array<i32>} : memref<640xi32, #tpu.memory_space<vmem>>, vector<16xi32>,
    %get3A_1165 = arith.constant 224 : index
    %get3A_1166 = tpu.vector_load %arg23[%get3A_1165] {strides = array<i32>} : memref<640xf32, #tpu.memory_space<vmem>>, vector<16xf32>,
    %get3A_1167 = vector.shape_cast %get3A_1166 : vector<16xf32> to vector<16xf32>
    %mul3A_1168 = arith.mulf %get3A_1167, %max3A : vector<16xf32>
    %div3A_1169 = arith.constant 6.400000e+02 : f32
    %div3A_1170 = vector.broadcast %div3A_1169 : f32 to vector<16xf32>
    %div3A_1171 = arith.divf %mul3A_1168, %div3A_1170 : vector<16xf32>
    %jit3A_1172 = arith.constant 0.000000e+00 : f32
    %max3A_1173 = vector.broadcast %jit3A_1172 : f32 to vector<16xf32>
    %max3A_1174 = arith.maximumf %max3A_1173, %div3A_1171 : vector<16xf32>
    %min3A_1175 = arith.minimumf %convert_element_type3A_545, %max3A_1174 : vector<16xf32>
    %convert_element_type3A_1176 = arith.fptosi %min3A_1175 : vector<16xf32> to vector<16xi32>
    %swap3A_1177 = arith.constant 224 : index
    %swap3A_1178 = tpu.vector_load %arg25[%swap3A_1177] {strides = array<i32>} : memref<640xi32, #tpu.memory_space<vmem>>, vector<16xi32>,
    %swap3A_1179 = vector.shape_cast %swap3A_1178 : vector<16xi32> to vector<16xi32>
    %swap3A_1180 = vector.shape_cast %convert_element_type3A_1176 : vector<16xi32> to vector<16xi32>
    tpu.vector_store %arg25[%swap3A_1177], %swap3A_1180 {strides = array<i32>} : memref<640xi32, #tpu.memory_space<vmem>>, vector<16xi32>,
    %get3A_1181 = arith.constant 240 : index
    %get3A_1182 = tpu.vector_load %arg23[%get3A_1181] {strides = array<i32>} : memref<640xf32, #tpu.memory_space<vmem>>, vector<16xf32>,
    %get3A_1183 = vector.shape_cast %get3A_1182 : vector<16xf32> to vector<16xf32>
    %mul3A_1184 = arith.mulf %get3A_1183, %max3A : vector<16xf32>
    %div3A_1185 = arith.constant 6.400000e+02 : f32
    %div3A_1186 = vector.broadcast %div3A_1185 : f32 to vector<16xf32>
    %div3A_1187 = arith.divf %mul3A_1184, %div3A_1186 : vector<16xf32>
    %jit3A_1188 = arith.constant 0.000000e+00 : f32
    %max3A_1189 = vector.broadcast %jit3A_1188 : f32 to vector<16xf32>
    %max3A_1190 = arith.maximumf %max3A_1189, %div3A_1187 : vector<16xf32>
    %min3A_1191 = arith.minimumf %convert_element_type3A_545, %max3A_1190 : vector<16xf32>
    %convert_element_type3A_1192 = arith.fptosi %min3A_1191 : vector<16xf32> to vector<16xi32>
    %swap3A_1193 = arith.constant 240 : index
    %swap3A_1194 = tpu.vector_load %arg25[%swap3A_1193] {strides = array<i32>} : memref<640xi32, #tpu.memory_space<vmem>>, vector<16xi32>,
    %swap3A_1195 = vector.shape_cast %swap3A_1194 : vector<16xi32> to vector<16xi32>
    %swap3A_1196 = vector.shape_cast %convert_element_type3A_1192 : vector<16xi32> to vector<16xi32>
    tpu.vector_store %arg25[%swap3A_1193], %swap3A_1196 {strides = array<i32>} : memref<640xi32, #tpu.memory_space<vmem>>, vector<16xi32>,
    %mul3A_1197 = arith.constant 256 : i32
    %mul3A_1198 = arith.muli %select_n3A, %mul3A_1197 : i32
    %add3A_1199 = arith.constant 2176 : i32
    %add3A_1200 = arith.addi %add3A_1199, %mul3A_1198 : i32
    %add3A_1201 = arith.addi %add3A_1200, %mul3A_580 : i32
    %dma_start3A_1202 = arith.constant 192 : i32
    %dma_start3A_1203 = tpu.memref_slice %arg25[%dma_start3A_1202] : memref<640xi32, #tpu.memory_space<vmem>> -> memref<64xi32, #tpu.memory_space<vmem>>
    %dma_start3A_1204 = tpu.memref_slice %arg9[%add3A_1201] : memref<10240xi32, #tpu.memory_space<hbm>> -> memref<64xi32, #tpu.memory_space<hbm>>
    %dma_start3A_1205 = tpu.memref_slice %arg9[%add3A_1201] : memref<10240xi32, #tpu.memory_space<hbm>> -> memref<64xi32, #tpu.memory_space<hbm>>
    %dma_start3A_1206 = arith.constant 192 : i32
    %dma_start3A_1207 = tpu.memref_slice %arg25[%dma_start3A_1206] : memref<640xi32, #tpu.memory_space<vmem>> -> memref<64xi32, #tpu.memory_space<vmem>>
    tpu.enqueue_dma source(%dma_start3A_1207 : memref<64xi32, #tpu.memory_space<vmem>>) target(%dma_start3A_1205 : memref<64xi32, #tpu.memory_space<hbm>>) target_semaphore(%arg31 : memref<!tpu.dma_semaphore, #tpu.memory_space<semaphore_mem>>)
    %get3A_1208 = arith.constant 256 : index
    %get3A_1209 = tpu.vector_load %arg23[%get3A_1208] {strides = array<i32>} : memref<640xf32, #tpu.memory_space<vmem>>, vector<16xf32>,
    %get3A_1210 = vector.shape_cast %get3A_1209 : vector<16xf32> to vector<16xf32>
    %mul3A_1211 = arith.mulf %get3A_1210, %max3A : vector<16xf32>
    %div3A_1212 = arith.constant 6.400000e+02 : f32
    %div3A_1213 = vector.broadcast %div3A_1212 : f32 to vector<16xf32>
    %div3A_1214 = arith.divf %mul3A_1211, %div3A_1213 : vector<16xf32>
    %jit3A_1215 = arith.constant 0.000000e+00 : f32
    %max3A_1216 = vector.broadcast %jit3A_1215 : f32 to vector<16xf32>
    %max3A_1217 = arith.maximumf %max3A_1216, %div3A_1214 : vector<16xf32>
    %min3A_1218 = arith.minimumf %convert_element_type3A_541, %max3A_1217 : vector<16xf32>
    %convert_element_type3A_1219 = arith.fptosi %min3A_1218 : vector<16xf32> to vector<16xi32>
    %swap3A_1220 = arith.constant 256 : index
    %swap3A_1221 = tpu.vector_load %arg25[%swap3A_1220] {strides = array<i32>} : memref<640xi32, #tpu.memory_space<vmem>>, vector<16xi32>,
    %swap3A_1222 = vector.shape_cast %swap3A_1221 : vector<16xi32> to vector<16xi32>
    %swap3A_1223 = vector.shape_cast %convert_element_type3A_1219 : vector<16xi32> to vector<16xi32>
    tpu.vector_store %arg25[%swap3A_1220], %swap3A_1223 {strides = array<i32>} : memref<640xi32, #tpu.memory_space<vmem>>, vector<16xi32>,
    %get3A_1224 = arith.constant 272 : index
    %get3A_1225 = tpu.vector_load %arg23[%get3A_1224] {strides = array<i32>} : memref<640xf32, #tpu.memory_space<vmem>>, vector<16xf32>,
    %get3A_1226 = vector.shape_cast %get3A_1225 : vector<16xf32> to vector<16xf32>
    %mul3A_1227 = arith.mulf %get3A_1226, %max3A : vector<16xf32>
    %div3A_1228 = arith.constant 6.400000e+02 : f32
    %div3A_1229 = vector.broadcast %div3A_1228 : f32 to vector<16xf32>
    %div3A_1230 = arith.divf %mul3A_1227, %div3A_1229 : vector<16xf32>
    %jit3A_1231 = arith.constant 0.000000e+00 : f32
    %max3A_1232 = vector.broadcast %jit3A_1231 : f32 to vector<16xf32>
    %max3A_1233 = arith.maximumf %max3A_1232, %div3A_1230 : vector<16xf32>
    %min3A_1234 = arith.minimumf %convert_element_type3A_541, %max3A_1233 : vector<16xf32>
    %convert_element_type3A_1235 = arith.fptosi %min3A_1234 : vector<16xf32> to vector<16xi32>
    %swap3A_1236 = arith.constant 272 : index
    %swap3A_1237 = tpu.vector_load %arg25[%swap3A_1236] {strides = array<i32>} : memref<640xi32, #tpu.memory_space<vmem>>, vector<16xi32>,
    %swap3A_1238 = vector.shape_cast %swap3A_1237 : vector<16xi32> to vector<16xi32>
    %swap3A_1239 = vector.shape_cast %convert_element_type3A_1235 : vector<16xi32> to vector<16xi32>
    tpu.vector_store %arg25[%swap3A_1236], %swap3A_1239 {strides = array<i32>} : memref<640xi32, #tpu.memory_space<vmem>>, vector<16xi32>,
    %get3A_1240 = arith.constant 288 : index
    %get3A_1241 = tpu.vector_load %arg23[%get3A_1240] {strides = array<i32>} : memref<640xf32, #tpu.memory_space<vmem>>, vector<16xf32>,
    %get3A_1242 = vector.shape_cast %get3A_1241 : vector<16xf32> to vector<16xf32>
    %mul3A_1243 = arith.mulf %get3A_1242, %max3A : vector<16xf32>
    %div3A_1244 = arith.constant 6.400000e+02 : f32
    %div3A_1245 = vector.broadcast %div3A_1244 : f32 to vector<16xf32>
    %div3A_1246 = arith.divf %mul3A_1243, %div3A_1245 : vector<16xf32>
    %jit3A_1247 = arith.constant 0.000000e+00 : f32
    %max3A_1248 = vector.broadcast %jit3A_1247 : f32 to vector<16xf32>
    %max3A_1249 = arith.maximumf %max3A_1248, %div3A_1246 : vector<16xf32>
    %min3A_1250 = arith.minimumf %convert_element_type3A_541, %max3A_1249 : vector<16xf32>
    %convert_element_type3A_1251 = arith.fptosi %min3A_1250 : vector<16xf32> to vector<16xi32>
    %swap3A_1252 = arith.constant 288 : index
    %swap3A_1253 = tpu.vector_load %arg25[%swap3A_1252] {strides = array<i32>} : memref<640xi32, #tpu.memory_space<vmem>>, vector<16xi32>,
    %swap3A_1254 = vector.shape_cast %swap3A_1253 : vector<16xi32> to vector<16xi32>
    %swap3A_1255 = vector.shape_cast %convert_element_type3A_1251 : vector<16xi32> to vector<16xi32>
    tpu.vector_store %arg25[%swap3A_1252], %swap3A_1255 {strides = array<i32>} : memref<640xi32, #tpu.memory_space<vmem>>, vector<16xi32>,
    %get3A_1256 = arith.constant 304 : index
    %get3A_1257 = tpu.vector_load %arg23[%get3A_1256] {strides = array<i32>} : memref<640xf32, #tpu.memory_space<vmem>>, vector<16xf32>,
    %get3A_1258 = vector.shape_cast %get3A_1257 : vector<16xf32> to vector<16xf32>
    %mul3A_1259 = arith.mulf %get3A_1258, %max3A : vector<16xf32>
    %div3A_1260 = arith.constant 6.400000e+02 : f32
    %div3A_1261 = vector.broadcast %div3A_1260 : f32 to vector<16xf32>
    %div3A_1262 = arith.divf %mul3A_1259, %div3A_1261 : vector<16xf32>
    %jit3A_1263 = arith.constant 0.000000e+00 : f32
    %max3A_1264 = vector.broadcast %jit3A_1263 : f32 to vector<16xf32>
    %max3A_1265 = arith.maximumf %max3A_1264, %div3A_1262 : vector<16xf32>
    %min3A_1266 = arith.minimumf %convert_element_type3A_541, %max3A_1265 : vector<16xf32>
    %convert_element_type3A_1267 = arith.fptosi %min3A_1266 : vector<16xf32> to vector<16xi32>
    %swap3A_1268 = arith.constant 304 : index
    %swap3A_1269 = tpu.vector_load %arg25[%swap3A_1268] {strides = array<i32>} : memref<640xi32, #tpu.memory_space<vmem>>, vector<16xi32>,
    %swap3A_1270 = vector.shape_cast %swap3A_1269 : vector<16xi32> to vector<16xi32>
    %swap3A_1271 = vector.shape_cast %convert_element_type3A_1267 : vector<16xi32> to vector<16xi32>
    tpu.vector_store %arg25[%swap3A_1268], %swap3A_1271 {strides = array<i32>} : memref<640xi32, #tpu.memory_space<vmem>>, vector<16xi32>,
    %mul3A_1272 = arith.constant 256 : i32
    %mul3A_1273 = arith.muli %select_n3A, %mul3A_1272 : i32
    %add3A_1274 = arith.constant 4096 : i32
    %add3A_1275 = arith.addi %add3A_1274, %mul3A_1273 : i32
    %add3A_1276 = arith.addi %add3A_1275, %mul3A_580 : i32
    %dma_start3A_1277 = arith.constant 256 : i32
    %dma_start3A_1278 = tpu.memref_slice %arg25[%dma_start3A_1277] : memref<640xi32, #tpu.memory_space<vmem>> -> memref<64xi32, #tpu.memory_space<vmem>>
    %dma_start3A_1279 = tpu.memref_slice %arg9[%add3A_1276] : memref<10240xi32, #tpu.memory_space<hbm>> -> memref<64xi32, #tpu.memory_space<hbm>>
    %dma_start3A_1280 = tpu.memref_slice %arg9[%add3A_1276] : memref<10240xi32, #tpu.memory_space<hbm>> -> memref<64xi32, #tpu.memory_space<hbm>>
    %dma_start3A_1281 = arith.constant 256 : i32
    %dma_start3A_1282 = tpu.memref_slice %arg25[%dma_start3A_1281] : memref<640xi32, #tpu.memory_space<vmem>> -> memref<64xi32, #tpu.memory_space<vmem>>
    tpu.enqueue_dma source(%dma_start3A_1282 : memref<64xi32, #tpu.memory_space<vmem>>) target(%dma_start3A_1280 : memref<64xi32, #tpu.memory_space<hbm>>) target_semaphore(%arg31 : memref<!tpu.dma_semaphore, #tpu.memory_space<semaphore_mem>>)
    %get3A_1283 = arith.constant 320 : index
    %get3A_1284 = tpu.vector_load %arg23[%get3A_1283] {strides = array<i32>} : memref<640xf32, #tpu.memory_space<vmem>>, vector<16xf32>,
    %get3A_1285 = vector.shape_cast %get3A_1284 : vector<16xf32> to vector<16xf32>
    %mul3A_1286 = arith.mulf %get3A_1285, %max3A : vector<16xf32>
    %div3A_1287 = arith.constant 6.400000e+02 : f32
    %div3A_1288 = vector.broadcast %div3A_1287 : f32 to vector<16xf32>
    %div3A_1289 = arith.divf %mul3A_1286, %div3A_1288 : vector<16xf32>
    %jit3A_1290 = arith.constant 0.000000e+00 : f32
    %max3A_1291 = vector.broadcast %jit3A_1290 : f32 to vector<16xf32>
    %max3A_1292 = arith.maximumf %max3A_1291, %div3A_1289 : vector<16xf32>
    %min3A_1293 = arith.minimumf %convert_element_type3A_545, %max3A_1292 : vector<16xf32>
    %convert_element_type3A_1294 = arith.fptosi %min3A_1293 : vector<16xf32> to vector<16xi32>
    %swap3A_1295 = arith.constant 320 : index
    %swap3A_1296 = tpu.vector_load %arg25[%swap3A_1295] {strides = array<i32>} : memref<640xi32, #tpu.memory_space<vmem>>, vector<16xi32>,
    %swap3A_1297 = vector.shape_cast %swap3A_1296 : vector<16xi32> to vector<16xi32>
    %swap3A_1298 = vector.shape_cast %convert_element_type3A_1294 : vector<16xi32> to vector<16xi32>
    tpu.vector_store %arg25[%swap3A_1295], %swap3A_1298 {strides = array<i32>} : memref<640xi32, #tpu.memory_space<vmem>>, vector<16xi32>,
    %get3A_1299 = arith.constant 336 : index
    %get3A_1300 = tpu.vector_load %arg23[%get3A_1299] {strides = array<i32>} : memref<640xf32, #tpu.memory_space<vmem>>, vector<16xf32>,
    %get3A_1301 = vector.shape_cast %get3A_1300 : vector<16xf32> to vector<16xf32>
    %mul3A_1302 = arith.mulf %get3A_1301, %max3A : vector<16xf32>
    %div3A_1303 = arith.constant 6.400000e+02 : f32
    %div3A_1304 = vector.broadcast %div3A_1303 : f32 to vector<16xf32>
    %div3A_1305 = arith.divf %mul3A_1302, %div3A_1304 : vector<16xf32>
    %jit3A_1306 = arith.constant 0.000000e+00 : f32
    %max3A_1307 = vector.broadcast %jit3A_1306 : f32 to vector<16xf32>
    %max3A_1308 = arith.maximumf %max3A_1307, %div3A_1305 : vector<16xf32>
    %min3A_1309 = arith.minimumf %convert_element_type3A_545, %max3A_1308 : vector<16xf32>
    %convert_element_type3A_1310 = arith.fptosi %min3A_1309 : vector<16xf32> to vector<16xi32>
    %swap3A_1311 = arith.constant 336 : index
    %swap3A_1312 = tpu.vector_load %arg25[%swap3A_1311] {strides = array<i32>} : memref<640xi32, #tpu.memory_space<vmem>>, vector<16xi32>,
    %swap3A_1313 = vector.shape_cast %swap3A_1312 : vector<16xi32> to vector<16xi32>
    %swap3A_1314 = vector.shape_cast %convert_element_type3A_1310 : vector<16xi32> to vector<16xi32>
    tpu.vector_store %arg25[%swap3A_1311], %swap3A_1314 {strides = array<i32>} : memref<640xi32, #tpu.memory_space<vmem>>, vector<16xi32>,
    %get3A_1315 = arith.constant 352 : index
    %get3A_1316 = tpu.vector_load %arg23[%get3A_1315] {strides = array<i32>} : memref<640xf32, #tpu.memory_space<vmem>>, vector<16xf32>,
    %get3A_1317 = vector.shape_cast %get3A_1316 : vector<16xf32> to vector<16xf32>
    %mul3A_1318 = arith.mulf %get3A_1317, %max3A : vector<16xf32>
    %div3A_1319 = arith.constant 6.400000e+02 : f32
    %div3A_1320 = vector.broadcast %div3A_1319 : f32 to vector<16xf32>
    %div3A_1321 = arith.divf %mul3A_1318, %div3A_1320 : vector<16xf32>
    %jit3A_1322 = arith.constant 0.000000e+00 : f32
    %max3A_1323 = vector.broadcast %jit3A_1322 : f32 to vector<16xf32>
    %max3A_1324 = arith.maximumf %max3A_1323, %div3A_1321 : vector<16xf32>
    %min3A_1325 = arith.minimumf %convert_element_type3A_545, %max3A_1324 : vector<16xf32>
    %convert_element_type3A_1326 = arith.fptosi %min3A_1325 : vector<16xf32> to vector<16xi32>
    %swap3A_1327 = arith.constant 352 : index
    %swap3A_1328 = tpu.vector_load %arg25[%swap3A_1327] {strides = array<i32>} : memref<640xi32, #tpu.memory_space<vmem>>, vector<16xi32>,
    %swap3A_1329 = vector.shape_cast %swap3A_1328 : vector<16xi32> to vector<16xi32>
    %swap3A_1330 = vector.shape_cast %convert_element_type3A_1326 : vector<16xi32> to vector<16xi32>
    tpu.vector_store %arg25[%swap3A_1327], %swap3A_1330 {strides = array<i32>} : memref<640xi32, #tpu.memory_space<vmem>>, vector<16xi32>,
    %get3A_1331 = arith.constant 368 : index
    %get3A_1332 = tpu.vector_load %arg23[%get3A_1331] {strides = array<i32>} : memref<640xf32, #tpu.memory_space<vmem>>, vector<16xf32>,
    %get3A_1333 = vector.shape_cast %get3A_1332 : vector<16xf32> to vector<16xf32>
    %mul3A_1334 = arith.mulf %get3A_1333, %max3A : vector<16xf32>
    %div3A_1335 = arith.constant 6.400000e+02 : f32
    %div3A_1336 = vector.broadcast %div3A_1335 : f32 to vector<16xf32>
    %div3A_1337 = arith.divf %mul3A_1334, %div3A_1336 : vector<16xf32>
    %jit3A_1338 = arith.constant 0.000000e+00 : f32
    %max3A_1339 = vector.broadcast %jit3A_1338 : f32 to vector<16xf32>
    %max3A_1340 = arith.maximumf %max3A_1339, %div3A_1337 : vector<16xf32>
    %min3A_1341 = arith.minimumf %convert_element_type3A_545, %max3A_1340 : vector<16xf32>
    %convert_element_type3A_1342 = arith.fptosi %min3A_1341 : vector<16xf32> to vector<16xi32>
    %swap3A_1343 = arith.constant 368 : index
    %swap3A_1344 = tpu.vector_load %arg25[%swap3A_1343] {strides = array<i32>} : memref<640xi32, #tpu.memory_space<vmem>>, vector<16xi32>,
    %swap3A_1345 = vector.shape_cast %swap3A_1344 : vector<16xi32> to vector<16xi32>
    %swap3A_1346 = vector.shape_cast %convert_element_type3A_1342 : vector<16xi32> to vector<16xi32>
    tpu.vector_store %arg25[%swap3A_1343], %swap3A_1346 {strides = array<i32>} : memref<640xi32, #tpu.memory_space<vmem>>, vector<16xi32>,
    %mul3A_1347 = arith.constant 256 : i32
    %mul3A_1348 = arith.muli %select_n3A, %mul3A_1347 : i32
    %add3A_1349 = arith.constant 4224 : i32
    %add3A_1350 = arith.addi %add3A_1349, %mul3A_1348 : i32
    %add3A_1351 = arith.addi %add3A_1350, %mul3A_580 : i32
    %dma_start3A_1352 = arith.constant 320 : i32
    %dma_start3A_1353 = tpu.memref_slice %arg25[%dma_start3A_1352] : memref<640xi32, #tpu.memory_space<vmem>> -> memref<64xi32, #tpu.memory_space<vmem>>
    %dma_start3A_1354 = tpu.memref_slice %arg9[%add3A_1351] : memref<10240xi32, #tpu.memory_space<hbm>> -> memref<64xi32, #tpu.memory_space<hbm>>
    %dma_start3A_1355 = tpu.memref_slice %arg9[%add3A_1351] : memref<10240xi32, #tpu.memory_space<hbm>> -> memref<64xi32, #tpu.memory_space<hbm>>
    %dma_start3A_1356 = arith.constant 320 : i32
    %dma_start3A_1357 = tpu.memref_slice %arg25[%dma_start3A_1356] : memref<640xi32, #tpu.memory_space<vmem>> -> memref<64xi32, #tpu.memory_space<vmem>>
    tpu.enqueue_dma source(%dma_start3A_1357 : memref<64xi32, #tpu.memory_space<vmem>>) target(%dma_start3A_1355 : memref<64xi32, #tpu.memory_space<hbm>>) target_semaphore(%arg31 : memref<!tpu.dma_semaphore, #tpu.memory_space<semaphore_mem>>)
    %get3A_1358 = arith.constant 384 : index
    %get3A_1359 = tpu.vector_load %arg23[%get3A_1358] {strides = array<i32>} : memref<640xf32, #tpu.memory_space<vmem>>, vector<16xf32>,
    %get3A_1360 = vector.shape_cast %get3A_1359 : vector<16xf32> to vector<16xf32>
    %mul3A_1361 = arith.mulf %get3A_1360, %max3A : vector<16xf32>
    %div3A_1362 = arith.constant 6.400000e+02 : f32
    %div3A_1363 = vector.broadcast %div3A_1362 : f32 to vector<16xf32>
    %div3A_1364 = arith.divf %mul3A_1361, %div3A_1363 : vector<16xf32>
    %jit3A_1365 = arith.constant 0.000000e+00 : f32
    %max3A_1366 = vector.broadcast %jit3A_1365 : f32 to vector<16xf32>
    %max3A_1367 = arith.maximumf %max3A_1366, %div3A_1364 : vector<16xf32>
    %min3A_1368 = arith.minimumf %convert_element_type3A_541, %max3A_1367 : vector<16xf32>
    %convert_element_type3A_1369 = arith.fptosi %min3A_1368 : vector<16xf32> to vector<16xi32>
    %swap3A_1370 = arith.constant 384 : index
    %swap3A_1371 = tpu.vector_load %arg25[%swap3A_1370] {strides = array<i32>} : memref<640xi32, #tpu.memory_space<vmem>>, vector<16xi32>,
    %swap3A_1372 = vector.shape_cast %swap3A_1371 : vector<16xi32> to vector<16xi32>
    %swap3A_1373 = vector.shape_cast %convert_element_type3A_1369 : vector<16xi32> to vector<16xi32>
    tpu.vector_store %arg25[%swap3A_1370], %swap3A_1373 {strides = array<i32>} : memref<640xi32, #tpu.memory_space<vmem>>, vector<16xi32>,
    %get3A_1374 = arith.constant 400 : index
    %get3A_1375 = tpu.vector_load %arg23[%get3A_1374] {strides = array<i32>} : memref<640xf32, #tpu.memory_space<vmem>>, vector<16xf32>,
    %get3A_1376 = vector.shape_cast %get3A_1375 : vector<16xf32> to vector<16xf32>
    %mul3A_1377 = arith.mulf %get3A_1376, %max3A : vector<16xf32>
    %div3A_1378 = arith.constant 6.400000e+02 : f32
    %div3A_1379 = vector.broadcast %div3A_1378 : f32 to vector<16xf32>
    %div3A_1380 = arith.divf %mul3A_1377, %div3A_1379 : vector<16xf32>
    %jit3A_1381 = arith.constant 0.000000e+00 : f32
    %max3A_1382 = vector.broadcast %jit3A_1381 : f32 to vector<16xf32>
    %max3A_1383 = arith.maximumf %max3A_1382, %div3A_1380 : vector<16xf32>
    %min3A_1384 = arith.minimumf %convert_element_type3A_541, %max3A_1383 : vector<16xf32>
    %convert_element_type3A_1385 = arith.fptosi %min3A_1384 : vector<16xf32> to vector<16xi32>
    %swap3A_1386 = arith.constant 400 : index
    %swap3A_1387 = tpu.vector_load %arg25[%swap3A_1386] {strides = array<i32>} : memref<640xi32, #tpu.memory_space<vmem>>, vector<16xi32>,
    %swap3A_1388 = vector.shape_cast %swap3A_1387 : vector<16xi32> to vector<16xi32>
    %swap3A_1389 = vector.shape_cast %convert_element_type3A_1385 : vector<16xi32> to vector<16xi32>
    tpu.vector_store %arg25[%swap3A_1386], %swap3A_1389 {strides = array<i32>} : memref<640xi32, #tpu.memory_space<vmem>>, vector<16xi32>,
    %get3A_1390 = arith.constant 416 : index
    %get3A_1391 = tpu.vector_load %arg23[%get3A_1390] {strides = array<i32>} : memref<640xf32, #tpu.memory_space<vmem>>, vector<16xf32>,
    %get3A_1392 = vector.shape_cast %get3A_1391 : vector<16xf32> to vector<16xf32>
    %mul3A_1393 = arith.mulf %get3A_1392, %max3A : vector<16xf32>
    %div3A_1394 = arith.constant 6.400000e+02 : f32
    %div3A_1395 = vector.broadcast %div3A_1394 : f32 to vector<16xf32>
    %div3A_1396 = arith.divf %mul3A_1393, %div3A_1395 : vector<16xf32>
    %jit3A_1397 = arith.constant 0.000000e+00 : f32
    %max3A_1398 = vector.broadcast %jit3A_1397 : f32 to vector<16xf32>
    %max3A_1399 = arith.maximumf %max3A_1398, %div3A_1396 : vector<16xf32>
    %min3A_1400 = arith.minimumf %convert_element_type3A_541, %max3A_1399 : vector<16xf32>
    %convert_element_type3A_1401 = arith.fptosi %min3A_1400 : vector<16xf32> to vector<16xi32>
    %swap3A_1402 = arith.constant 416 : index
    %swap3A_1403 = tpu.vector_load %arg25[%swap3A_1402] {strides = array<i32>} : memref<640xi32, #tpu.memory_space<vmem>>, vector<16xi32>,
    %swap3A_1404 = vector.shape_cast %swap3A_1403 : vector<16xi32> to vector<16xi32>
    %swap3A_1405 = vector.shape_cast %convert_element_type3A_1401 : vector<16xi32> to vector<16xi32>
    tpu.vector_store %arg25[%swap3A_1402], %swap3A_1405 {strides = array<i32>} : memref<640xi32, #tpu.memory_space<vmem>>, vector<16xi32>,
    %get3A_1406 = arith.constant 432 : index
    %get3A_1407 = tpu.vector_load %arg23[%get3A_1406] {strides = array<i32>} : memref<640xf32, #tpu.memory_space<vmem>>, vector<16xf32>,
    %get3A_1408 = vector.shape_cast %get3A_1407 : vector<16xf32> to vector<16xf32>
    %mul3A_1409 = arith.mulf %get3A_1408, %max3A : vector<16xf32>
    %div3A_1410 = arith.constant 6.400000e+02 : f32
    %div3A_1411 = vector.broadcast %div3A_1410 : f32 to vector<16xf32>
    %div3A_1412 = arith.divf %mul3A_1409, %div3A_1411 : vector<16xf32>
    %jit3A_1413 = arith.constant 0.000000e+00 : f32
    %max3A_1414 = vector.broadcast %jit3A_1413 : f32 to vector<16xf32>
    %max3A_1415 = arith.maximumf %max3A_1414, %div3A_1412 : vector<16xf32>
    %min3A_1416 = arith.minimumf %convert_element_type3A_541, %max3A_1415 : vector<16xf32>
    %convert_element_type3A_1417 = arith.fptosi %min3A_1416 : vector<16xf32> to vector<16xi32>
    %swap3A_1418 = arith.constant 432 : index
    %swap3A_1419 = tpu.vector_load %arg25[%swap3A_1418] {strides = array<i32>} : memref<640xi32, #tpu.memory_space<vmem>>, vector<16xi32>,
    %swap3A_1420 = vector.shape_cast %swap3A_1419 : vector<16xi32> to vector<16xi32>
    %swap3A_1421 = vector.shape_cast %convert_element_type3A_1417 : vector<16xi32> to vector<16xi32>
    tpu.vector_store %arg25[%swap3A_1418], %swap3A_1421 {strides = array<i32>} : memref<640xi32, #tpu.memory_space<vmem>>, vector<16xi32>,
    %mul3A_1422 = arith.constant 256 : i32
    %mul3A_1423 = arith.muli %select_n3A, %mul3A_1422 : i32
    %add3A_1424 = arith.constant 6144 : i32
    %add3A_1425 = arith.addi %add3A_1424, %mul3A_1423 : i32
    %add3A_1426 = arith.addi %add3A_1425, %mul3A_580 : i32
    %dma_start3A_1427 = arith.constant 384 : i32
    %dma_start3A_1428 = tpu.memref_slice %arg25[%dma_start3A_1427] : memref<640xi32, #tpu.memory_space<vmem>> -> memref<64xi32, #tpu.memory_space<vmem>>
    %dma_start3A_1429 = tpu.memref_slice %arg9[%add3A_1426] : memref<10240xi32, #tpu.memory_space<hbm>> -> memref<64xi32, #tpu.memory_space<hbm>>
    %dma_start3A_1430 = tpu.memref_slice %arg9[%add3A_1426] : memref<10240xi32, #tpu.memory_space<hbm>> -> memref<64xi32, #tpu.memory_space<hbm>>
    %dma_start3A_1431 = arith.constant 384 : i32
    %dma_start3A_1432 = tpu.memref_slice %arg25[%dma_start3A_1431] : memref<640xi32, #tpu.memory_space<vmem>> -> memref<64xi32, #tpu.memory_space<vmem>>
    tpu.enqueue_dma source(%dma_start3A_1432 : memref<64xi32, #tpu.memory_space<vmem>>) target(%dma_start3A_1430 : memref<64xi32, #tpu.memory_space<hbm>>) target_semaphore(%arg31 : memref<!tpu.dma_semaphore, #tpu.memory_space<semaphore_mem>>)
    %get3A_1433 = arith.constant 448 : index
    %get3A_1434 = tpu.vector_load %arg23[%get3A_1433] {strides = array<i32>} : memref<640xf32, #tpu.memory_space<vmem>>, vector<16xf32>,
    %get3A_1435 = vector.shape_cast %get3A_1434 : vector<16xf32> to vector<16xf32>
    %mul3A_1436 = arith.mulf %get3A_1435, %max3A : vector<16xf32>
    %div3A_1437 = arith.constant 6.400000e+02 : f32
    %div3A_1438 = vector.broadcast %div3A_1437 : f32 to vector<16xf32>
    %div3A_1439 = arith.divf %mul3A_1436, %div3A_1438 : vector<16xf32>
    %jit3A_1440 = arith.constant 0.000000e+00 : f32
    %max3A_1441 = vector.broadcast %jit3A_1440 : f32 to vector<16xf32>
    %max3A_1442 = arith.maximumf %max3A_1441, %div3A_1439 : vector<16xf32>
    %min3A_1443 = arith.minimumf %convert_element_type3A_545, %max3A_1442 : vector<16xf32>
    %convert_element_type3A_1444 = arith.fptosi %min3A_1443 : vector<16xf32> to vector<16xi32>
    %swap3A_1445 = arith.constant 448 : index
    %swap3A_1446 = tpu.vector_load %arg25[%swap3A_1445] {strides = array<i32>} : memref<640xi32, #tpu.memory_space<vmem>>, vector<16xi32>,
    %swap3A_1447 = vector.shape_cast %swap3A_1446 : vector<16xi32> to vector<16xi32>
    %swap3A_1448 = vector.shape_cast %convert_element_type3A_1444 : vector<16xi32> to vector<16xi32>
    tpu.vector_store %arg25[%swap3A_1445], %swap3A_1448 {strides = array<i32>} : memref<640xi32, #tpu.memory_space<vmem>>, vector<16xi32>,
    %get3A_1449 = arith.constant 464 : index
    %get3A_1450 = tpu.vector_load %arg23[%get3A_1449] {strides = array<i32>} : memref<640xf32, #tpu.memory_space<vmem>>, vector<16xf32>,
    %get3A_1451 = vector.shape_cast %get3A_1450 : vector<16xf32> to vector<16xf32>
    %mul3A_1452 = arith.mulf %get3A_1451, %max3A : vector<16xf32>
    %div3A_1453 = arith.constant 6.400000e+02 : f32
    %div3A_1454 = vector.broadcast %div3A_1453 : f32 to vector<16xf32>
    %div3A_1455 = arith.divf %mul3A_1452, %div3A_1454 : vector<16xf32>
    %jit3A_1456 = arith.constant 0.000000e+00 : f32
    %max3A_1457 = vector.broadcast %jit3A_1456 : f32 to vector<16xf32>
    %max3A_1458 = arith.maximumf %max3A_1457, %div3A_1455 : vector<16xf32>
    %min3A_1459 = arith.minimumf %convert_element_type3A_545, %max3A_1458 : vector<16xf32>
    %convert_element_type3A_1460 = arith.fptosi %min3A_1459 : vector<16xf32> to vector<16xi32>
    %swap3A_1461 = arith.constant 464 : index
    %swap3A_1462 = tpu.vector_load %arg25[%swap3A_1461] {strides = array<i32>} : memref<640xi32, #tpu.memory_space<vmem>>, vector<16xi32>,
    %swap3A_1463 = vector.shape_cast %swap3A_1462 : vector<16xi32> to vector<16xi32>
    %swap3A_1464 = vector.shape_cast %convert_element_type3A_1460 : vector<16xi32> to vector<16xi32>
    tpu.vector_store %arg25[%swap3A_1461], %swap3A_1464 {strides = array<i32>} : memref<640xi32, #tpu.memory_space<vmem>>, vector<16xi32>,
    %get3A_1465 = arith.constant 480 : index
    %get3A_1466 = tpu.vector_load %arg23[%get3A_1465] {strides = array<i32>} : memref<640xf32, #tpu.memory_space<vmem>>, vector<16xf32>,
    %get3A_1467 = vector.shape_cast %get3A_1466 : vector<16xf32> to vector<16xf32>
    %mul3A_1468 = arith.mulf %get3A_1467, %max3A : vector<16xf32>
    %div3A_1469 = arith.constant 6.400000e+02 : f32
    %div3A_1470 = vector.broadcast %div3A_1469 : f32 to vector<16xf32>
    %div3A_1471 = arith.divf %mul3A_1468, %div3A_1470 : vector<16xf32>
    %jit3A_1472 = arith.constant 0.000000e+00 : f32
    %max3A_1473 = vector.broadcast %jit3A_1472 : f32 to vector<16xf32>
    %max3A_1474 = arith.maximumf %max3A_1473, %div3A_1471 : vector<16xf32>
    %min3A_1475 = arith.minimumf %convert_element_type3A_545, %max3A_1474 : vector<16xf32>
    %convert_element_type3A_1476 = arith.fptosi %min3A_1475 : vector<16xf32> to vector<16xi32>
    %swap3A_1477 = arith.constant 480 : index
    %swap3A_1478 = tpu.vector_load %arg25[%swap3A_1477] {strides = array<i32>} : memref<640xi32, #tpu.memory_space<vmem>>, vector<16xi32>,
    %swap3A_1479 = vector.shape_cast %swap3A_1478 : vector<16xi32> to vector<16xi32>
    %swap3A_1480 = vector.shape_cast %convert_element_type3A_1476 : vector<16xi32> to vector<16xi32>
    tpu.vector_store %arg25[%swap3A_1477], %swap3A_1480 {strides = array<i32>} : memref<640xi32, #tpu.memory_space<vmem>>, vector<16xi32>,
    %get3A_1481 = arith.constant 496 : index
    %get3A_1482 = tpu.vector_load %arg23[%get3A_1481] {strides = array<i32>} : memref<640xf32, #tpu.memory_space<vmem>>, vector<16xf32>,
    %get3A_1483 = vector.shape_cast %get3A_1482 : vector<16xf32> to vector<16xf32>
    %mul3A_1484 = arith.mulf %get3A_1483, %max3A : vector<16xf32>
    %div3A_1485 = arith.constant 6.400000e+02 : f32
    %div3A_1486 = vector.broadcast %div3A_1485 : f32 to vector<16xf32>
    %div3A_1487 = arith.divf %mul3A_1484, %div3A_1486 : vector<16xf32>
    %jit3A_1488 = arith.constant 0.000000e+00 : f32
    %max3A_1489 = vector.broadcast %jit3A_1488 : f32 to vector<16xf32>
    %max3A_1490 = arith.maximumf %max3A_1489, %div3A_1487 : vector<16xf32>
    %min3A_1491 = arith.minimumf %convert_element_type3A_545, %max3A_1490 : vector<16xf32>
    %convert_element_type3A_1492 = arith.fptosi %min3A_1491 : vector<16xf32> to vector<16xi32>
    %swap3A_1493 = arith.constant 496 : index
    %swap3A_1494 = tpu.vector_load %arg25[%swap3A_1493] {strides = array<i32>} : memref<640xi32, #tpu.memory_space<vmem>>, vector<16xi32>,
    %swap3A_1495 = vector.shape_cast %swap3A_1494 : vector<16xi32> to vector<16xi32>
    %swap3A_1496 = vector.shape_cast %convert_element_type3A_1492 : vector<16xi32> to vector<16xi32>
    tpu.vector_store %arg25[%swap3A_1493], %swap3A_1496 {strides = array<i32>} : memref<640xi32, #tpu.memory_space<vmem>>, vector<16xi32>,
    %mul3A_1497 = arith.constant 256 : i32
    %mul3A_1498 = arith.muli %select_n3A, %mul3A_1497 : i32
    %add3A_1499 = arith.constant 6272 : i32
    %add3A_1500 = arith.addi %add3A_1499, %mul3A_1498 : i32
    %add3A_1501 = arith.addi %add3A_1500, %mul3A_580 : i32
    %dma_start3A_1502 = arith.constant 448 : i32
    %dma_start3A_1503 = tpu.memref_slice %arg25[%dma_start3A_1502] : memref<640xi32, #tpu.memory_space<vmem>> -> memref<64xi32, #tpu.memory_space<vmem>>
    %dma_start3A_1504 = tpu.memref_slice %arg9[%add3A_1501] : memref<10240xi32, #tpu.memory_space<hbm>> -> memref<64xi32, #tpu.memory_space<hbm>>
    %dma_start3A_1505 = tpu.memref_slice %arg9[%add3A_1501] : memref<10240xi32, #tpu.memory_space<hbm>> -> memref<64xi32, #tpu.memory_space<hbm>>
    %dma_start3A_1506 = arith.constant 448 : i32
    %dma_start3A_1507 = tpu.memref_slice %arg25[%dma_start3A_1506] : memref<640xi32, #tpu.memory_space<vmem>> -> memref<64xi32, #tpu.memory_space<vmem>>
    tpu.enqueue_dma source(%dma_start3A_1507 : memref<64xi32, #tpu.memory_space<vmem>>) target(%dma_start3A_1505 : memref<64xi32, #tpu.memory_space<hbm>>) target_semaphore(%arg31 : memref<!tpu.dma_semaphore, #tpu.memory_space<semaphore_mem>>)
    %get3A_1508 = arith.constant 512 : index
    %get3A_1509 = tpu.vector_load %arg23[%get3A_1508] {strides = array<i32>} : memref<640xf32, #tpu.memory_space<vmem>>, vector<16xf32>,
    %get3A_1510 = vector.shape_cast %get3A_1509 : vector<16xf32> to vector<16xf32>
    %mul3A_1511 = arith.mulf %get3A_1510, %max3A : vector<16xf32>
    %div3A_1512 = arith.constant 6.400000e+02 : f32
    %div3A_1513 = vector.broadcast %div3A_1512 : f32 to vector<16xf32>
    %div3A_1514 = arith.divf %mul3A_1511, %div3A_1513 : vector<16xf32>
    %jit3A_1515 = arith.constant 0.000000e+00 : f32
    %max3A_1516 = vector.broadcast %jit3A_1515 : f32 to vector<16xf32>
    %max3A_1517 = arith.maximumf %max3A_1516, %div3A_1514 : vector<16xf32>
    %min3A_1518 = arith.minimumf %convert_element_type3A_541, %max3A_1517 : vector<16xf32>
    %convert_element_type3A_1519 = arith.fptosi %min3A_1518 : vector<16xf32> to vector<16xi32>
    %swap3A_1520 = arith.constant 512 : index
    %swap3A_1521 = tpu.vector_load %arg25[%swap3A_1520] {strides = array<i32>} : memref<640xi32, #tpu.memory_space<vmem>>, vector<16xi32>,
    %swap3A_1522 = vector.shape_cast %swap3A_1521 : vector<16xi32> to vector<16xi32>
    %swap3A_1523 = vector.shape_cast %convert_element_type3A_1519 : vector<16xi32> to vector<16xi32>
    tpu.vector_store %arg25[%swap3A_1520], %swap3A_1523 {strides = array<i32>} : memref<640xi32, #tpu.memory_space<vmem>>, vector<16xi32>,
    %get3A_1524 = arith.constant 528 : index
    %get3A_1525 = tpu.vector_load %arg23[%get3A_1524] {strides = array<i32>} : memref<640xf32, #tpu.memory_space<vmem>>, vector<16xf32>,
    %get3A_1526 = vector.shape_cast %get3A_1525 : vector<16xf32> to vector<16xf32>
    %mul3A_1527 = arith.mulf %get3A_1526, %max3A : vector<16xf32>
    %div3A_1528 = arith.constant 6.400000e+02 : f32
    %div3A_1529 = vector.broadcast %div3A_1528 : f32 to vector<16xf32>
    %div3A_1530 = arith.divf %mul3A_1527, %div3A_1529 : vector<16xf32>
    %jit3A_1531 = arith.constant 0.000000e+00 : f32
    %max3A_1532 = vector.broadcast %jit3A_1531 : f32 to vector<16xf32>
    %max3A_1533 = arith.maximumf %max3A_1532, %div3A_1530 : vector<16xf32>
    %min3A_1534 = arith.minimumf %convert_element_type3A_541, %max3A_1533 : vector<16xf32>
    %convert_element_type3A_1535 = arith.fptosi %min3A_1534 : vector<16xf32> to vector<16xi32>
    %swap3A_1536 = arith.constant 528 : index
    %swap3A_1537 = tpu.vector_load %arg25[%swap3A_1536] {strides = array<i32>} : memref<640xi32, #tpu.memory_space<vmem>>, vector<16xi32>,
    %swap3A_1538 = vector.shape_cast %swap3A_1537 : vector<16xi32> to vector<16xi32>
    %swap3A_1539 = vector.shape_cast %convert_element_type3A_1535 : vector<16xi32> to vector<16xi32>
    tpu.vector_store %arg25[%swap3A_1536], %swap3A_1539 {strides = array<i32>} : memref<640xi32, #tpu.memory_space<vmem>>, vector<16xi32>,
    %get3A_1540 = arith.constant 544 : index
    %get3A_1541 = tpu.vector_load %arg23[%get3A_1540] {strides = array<i32>} : memref<640xf32, #tpu.memory_space<vmem>>, vector<16xf32>,
    %get3A_1542 = vector.shape_cast %get3A_1541 : vector<16xf32> to vector<16xf32>
    %mul3A_1543 = arith.mulf %get3A_1542, %max3A : vector<16xf32>
    %div3A_1544 = arith.constant 6.400000e+02 : f32
    %div3A_1545 = vector.broadcast %div3A_1544 : f32 to vector<16xf32>
    %div3A_1546 = arith.divf %mul3A_1543, %div3A_1545 : vector<16xf32>
    %jit3A_1547 = arith.constant 0.000000e+00 : f32
    %max3A_1548 = vector.broadcast %jit3A_1547 : f32 to vector<16xf32>
    %max3A_1549 = arith.maximumf %max3A_1548, %div3A_1546 : vector<16xf32>
    %min3A_1550 = arith.minimumf %convert_element_type3A_541, %max3A_1549 : vector<16xf32>
    %convert_element_type3A_1551 = arith.fptosi %min3A_1550 : vector<16xf32> to vector<16xi32>
    %swap3A_1552 = arith.constant 544 : index
    %swap3A_1553 = tpu.vector_load %arg25[%swap3A_1552] {strides = array<i32>} : memref<640xi32, #tpu.memory_space<vmem>>, vector<16xi32>,
    %swap3A_1554 = vector.shape_cast %swap3A_1553 : vector<16xi32> to vector<16xi32>
    %swap3A_1555 = vector.shape_cast %convert_element_type3A_1551 : vector<16xi32> to vector<16xi32>
    tpu.vector_store %arg25[%swap3A_1552], %swap3A_1555 {strides = array<i32>} : memref<640xi32, #tpu.memory_space<vmem>>, vector<16xi32>,
    %get3A_1556 = arith.constant 560 : index
    %get3A_1557 = tpu.vector_load %arg23[%get3A_1556] {strides = array<i32>} : memref<640xf32, #tpu.memory_space<vmem>>, vector<16xf32>,
    %get3A_1558 = vector.shape_cast %get3A_1557 : vector<16xf32> to vector<16xf32>
    %mul3A_1559 = arith.mulf %get3A_1558, %max3A : vector<16xf32>
    %div3A_1560 = arith.constant 6.400000e+02 : f32
    %div3A_1561 = vector.broadcast %div3A_1560 : f32 to vector<16xf32>
    %div3A_1562 = arith.divf %mul3A_1559, %div3A_1561 : vector<16xf32>
    %jit3A_1563 = arith.constant 0.000000e+00 : f32
    %max3A_1564 = vector.broadcast %jit3A_1563 : f32 to vector<16xf32>
    %max3A_1565 = arith.maximumf %max3A_1564, %div3A_1562 : vector<16xf32>
    %min3A_1566 = arith.minimumf %convert_element_type3A_541, %max3A_1565 : vector<16xf32>
    %convert_element_type3A_1567 = arith.fptosi %min3A_1566 : vector<16xf32> to vector<16xi32>
    %swap3A_1568 = arith.constant 560 : index
    %swap3A_1569 = tpu.vector_load %arg25[%swap3A_1568] {strides = array<i32>} : memref<640xi32, #tpu.memory_space<vmem>>, vector<16xi32>,
    %swap3A_1570 = vector.shape_cast %swap3A_1569 : vector<16xi32> to vector<16xi32>
    %swap3A_1571 = vector.shape_cast %convert_element_type3A_1567 : vector<16xi32> to vector<16xi32>
    tpu.vector_store %arg25[%swap3A_1568], %swap3A_1571 {strides = array<i32>} : memref<640xi32, #tpu.memory_space<vmem>>, vector<16xi32>,
    %mul3A_1572 = arith.constant 256 : i32
    %mul3A_1573 = arith.muli %select_n3A, %mul3A_1572 : i32
    %add3A_1574 = arith.constant 8192 : i32
    %add3A_1575 = arith.addi %add3A_1574, %mul3A_1573 : i32
    %add3A_1576 = arith.addi %add3A_1575, %mul3A_580 : i32
    %dma_start3A_1577 = arith.constant 512 : i32
    %dma_start3A_1578 = tpu.memref_slice %arg25[%dma_start3A_1577] : memref<640xi32, #tpu.memory_space<vmem>> -> memref<64xi32, #tpu.memory_space<vmem>>
    %dma_start3A_1579 = tpu.memref_slice %arg9[%add3A_1576] : memref<10240xi32, #tpu.memory_space<hbm>> -> memref<64xi32, #tpu.memory_space<hbm>>
    %dma_start3A_1580 = tpu.memref_slice %arg9[%add3A_1576] : memref<10240xi32, #tpu.memory_space<hbm>> -> memref<64xi32, #tpu.memory_space<hbm>>
    %dma_start3A_1581 = arith.constant 512 : i32
    %dma_start3A_1582 = tpu.memref_slice %arg25[%dma_start3A_1581] : memref<640xi32, #tpu.memory_space<vmem>> -> memref<64xi32, #tpu.memory_space<vmem>>
    tpu.enqueue_dma source(%dma_start3A_1582 : memref<64xi32, #tpu.memory_space<vmem>>) target(%dma_start3A_1580 : memref<64xi32, #tpu.memory_space<hbm>>) target_semaphore(%arg31 : memref<!tpu.dma_semaphore, #tpu.memory_space<semaphore_mem>>)
    %get3A_1583 = arith.constant 576 : index
    %get3A_1584 = tpu.vector_load %arg23[%get3A_1583] {strides = array<i32>} : memref<640xf32, #tpu.memory_space<vmem>>, vector<16xf32>,
    %get3A_1585 = vector.shape_cast %get3A_1584 : vector<16xf32> to vector<16xf32>
    %mul3A_1586 = arith.mulf %get3A_1585, %max3A : vector<16xf32>
    %div3A_1587 = arith.constant 6.400000e+02 : f32
    %div3A_1588 = vector.broadcast %div3A_1587 : f32 to vector<16xf32>
    %div3A_1589 = arith.divf %mul3A_1586, %div3A_1588 : vector<16xf32>
    %jit3A_1590 = arith.constant 0.000000e+00 : f32
    %max3A_1591 = vector.broadcast %jit3A_1590 : f32 to vector<16xf32>
    %max3A_1592 = arith.maximumf %max3A_1591, %div3A_1589 : vector<16xf32>
    %min3A_1593 = arith.minimumf %convert_element_type3A_545, %max3A_1592 : vector<16xf32>
    %convert_element_type3A_1594 = arith.fptosi %min3A_1593 : vector<16xf32> to vector<16xi32>
    %swap3A_1595 = arith.constant 576 : index
    %swap3A_1596 = tpu.vector_load %arg25[%swap3A_1595] {strides = array<i32>} : memref<640xi32, #tpu.memory_space<vmem>>, vector<16xi32>,
    %swap3A_1597 = vector.shape_cast %swap3A_1596 : vector<16xi32> to vector<16xi32>
    %swap3A_1598 = vector.shape_cast %convert_element_type3A_1594 : vector<16xi32> to vector<16xi32>
    tpu.vector_store %arg25[%swap3A_1595], %swap3A_1598 {strides = array<i32>} : memref<640xi32, #tpu.memory_space<vmem>>, vector<16xi32>,
    %get3A_1599 = arith.constant 592 : index
    %get3A_1600 = tpu.vector_load %arg23[%get3A_1599] {strides = array<i32>} : memref<640xf32, #tpu.memory_space<vmem>>, vector<16xf32>,
    %get3A_1601 = vector.shape_cast %get3A_1600 : vector<16xf32> to vector<16xf32>
    %mul3A_1602 = arith.mulf %get3A_1601, %max3A : vector<16xf32>
    %div3A_1603 = arith.constant 6.400000e+02 : f32
    %div3A_1604 = vector.broadcast %div3A_1603 : f32 to vector<16xf32>
    %div3A_1605 = arith.divf %mul3A_1602, %div3A_1604 : vector<16xf32>
    %jit3A_1606 = arith.constant 0.000000e+00 : f32
    %max3A_1607 = vector.broadcast %jit3A_1606 : f32 to vector<16xf32>
    %max3A_1608 = arith.maximumf %max3A_1607, %div3A_1605 : vector<16xf32>
    %min3A_1609 = arith.minimumf %convert_element_type3A_545, %max3A_1608 : vector<16xf32>
    %convert_element_type3A_1610 = arith.fptosi %min3A_1609 : vector<16xf32> to vector<16xi32>
    %swap3A_1611 = arith.constant 592 : index
    %swap3A_1612 = tpu.vector_load %arg25[%swap3A_1611] {strides = array<i32>} : memref<640xi32, #tpu.memory_space<vmem>>, vector<16xi32>,
    %swap3A_1613 = vector.shape_cast %swap3A_1612 : vector<16xi32> to vector<16xi32>
    %swap3A_1614 = vector.shape_cast %convert_element_type3A_1610 : vector<16xi32> to vector<16xi32>
    tpu.vector_store %arg25[%swap3A_1611], %swap3A_1614 {strides = array<i32>} : memref<640xi32, #tpu.memory_space<vmem>>, vector<16xi32>,
    %get3A_1615 = arith.constant 608 : index
    %get3A_1616 = tpu.vector_load %arg23[%get3A_1615] {strides = array<i32>} : memref<640xf32, #tpu.memory_space<vmem>>, vector<16xf32>,
    %get3A_1617 = vector.shape_cast %get3A_1616 : vector<16xf32> to vector<16xf32>
    %mul3A_1618 = arith.mulf %get3A_1617, %max3A : vector<16xf32>
    %div3A_1619 = arith.constant 6.400000e+02 : f32
    %div3A_1620 = vector.broadcast %div3A_1619 : f32 to vector<16xf32>
    %div3A_1621 = arith.divf %mul3A_1618, %div3A_1620 : vector<16xf32>
    %jit3A_1622 = arith.constant 0.000000e+00 : f32
    %max3A_1623 = vector.broadcast %jit3A_1622 : f32 to vector<16xf32>
    %max3A_1624 = arith.maximumf %max3A_1623, %div3A_1621 : vector<16xf32>
    %min3A_1625 = arith.minimumf %convert_element_type3A_545, %max3A_1624 : vector<16xf32>
    %convert_element_type3A_1626 = arith.fptosi %min3A_1625 : vector<16xf32> to vector<16xi32>
    %swap3A_1627 = arith.constant 608 : index
    %swap3A_1628 = tpu.vector_load %arg25[%swap3A_1627] {strides = array<i32>} : memref<640xi32, #tpu.memory_space<vmem>>, vector<16xi32>,
    %swap3A_1629 = vector.shape_cast %swap3A_1628 : vector<16xi32> to vector<16xi32>
    %swap3A_1630 = vector.shape_cast %convert_element_type3A_1626 : vector<16xi32> to vector<16xi32>
    tpu.vector_store %arg25[%swap3A_1627], %swap3A_1630 {strides = array<i32>} : memref<640xi32, #tpu.memory_space<vmem>>, vector<16xi32>,
    %get3A_1631 = arith.constant 624 : index
    %get3A_1632 = tpu.vector_load %arg23[%get3A_1631] {strides = array<i32>} : memref<640xf32, #tpu.memory_space<vmem>>, vector<16xf32>,
    %get3A_1633 = vector.shape_cast %get3A_1632 : vector<16xf32> to vector<16xf32>
    %mul3A_1634 = arith.mulf %get3A_1633, %max3A : vector<16xf32>
    %div3A_1635 = arith.constant 6.400000e+02 : f32
    %div3A_1636 = vector.broadcast %div3A_1635 : f32 to vector<16xf32>
    %div3A_1637 = arith.divf %mul3A_1634, %div3A_1636 : vector<16xf32>
    %jit3A_1638 = arith.constant 0.000000e+00 : f32
    %max3A_1639 = vector.broadcast %jit3A_1638 : f32 to vector<16xf32>
    %max3A_1640 = arith.maximumf %max3A_1639, %div3A_1637 : vector<16xf32>
    %min3A_1641 = arith.minimumf %convert_element_type3A_545, %max3A_1640 : vector<16xf32>
    %convert_element_type3A_1642 = arith.fptosi %min3A_1641 : vector<16xf32> to vector<16xi32>
    %swap3A_1643 = arith.constant 624 : index
    %swap3A_1644 = tpu.vector_load %arg25[%swap3A_1643] {strides = array<i32>} : memref<640xi32, #tpu.memory_space<vmem>>, vector<16xi32>,
    %swap3A_1645 = vector.shape_cast %swap3A_1644 : vector<16xi32> to vector<16xi32>
    %swap3A_1646 = vector.shape_cast %convert_element_type3A_1642 : vector<16xi32> to vector<16xi32>
    tpu.vector_store %arg25[%swap3A_1643], %swap3A_1646 {strides = array<i32>} : memref<640xi32, #tpu.memory_space<vmem>>, vector<16xi32>,
    %mul3A_1647 = arith.constant 256 : i32
    %mul3A_1648 = arith.muli %select_n3A, %mul3A_1647 : i32
    %add3A_1649 = arith.constant 8320 : i32
    %add3A_1650 = arith.addi %add3A_1649, %mul3A_1648 : i32
    %add3A_1651 = arith.addi %add3A_1650, %mul3A_580 : i32
    %dma_start3A_1652 = arith.constant 576 : i32
    %dma_start3A_1653 = tpu.memref_slice %arg25[%dma_start3A_1652] : memref<640xi32, #tpu.memory_space<vmem>> -> memref<64xi32, #tpu.memory_space<vmem>>
    %dma_start3A_1654 = tpu.memref_slice %arg9[%add3A_1651] : memref<10240xi32, #tpu.memory_space<hbm>> -> memref<64xi32, #tpu.memory_space<hbm>>
    %dma_start3A_1655 = tpu.memref_slice %arg9[%add3A_1651] : memref<10240xi32, #tpu.memory_space<hbm>> -> memref<64xi32, #tpu.memory_space<hbm>>
    %dma_start3A_1656 = arith.constant 576 : i32
    %dma_start3A_1657 = tpu.memref_slice %arg25[%dma_start3A_1656] : memref<640xi32, #tpu.memory_space<vmem>> -> memref<64xi32, #tpu.memory_space<vmem>>
    tpu.enqueue_dma source(%dma_start3A_1657 : memref<64xi32, #tpu.memory_space<vmem>>) target(%dma_start3A_1655 : memref<64xi32, #tpu.memory_space<hbm>>) target_semaphore(%arg31 : memref<!tpu.dma_semaphore, #tpu.memory_space<semaphore_mem>>)
    %dma_wait3A_1658 = arith.constant 0 : i32
    %dma_wait3A_1659 = tpu.memref_slice %arg4[%dma_wait3A_1658] : memref<20000xf32, #tpu.memory_space<hbm>> -> memref<20000xf32, #tpu.memory_space<hbm>>
    tpu.wait_indirect_dma semaphore(%arg28 : memref<!tpu.dma_semaphore, #tpu.memory_space<semaphore_mem>>) src(%dma_wait3A_1659 : memref<20000xf32, #tpu.memory_space<hbm>>) dst(%arg14 : memref<64xf32, #tpu.memory_space<vmem>>)
    %dma_start3A_1660 = tpu.memref_slice %arg7[%mul3A_547] : memref<1024xf32, #tpu.memory_space<hbm>> -> memref<64xf32, #tpu.memory_space<hbm>>
    %dma_start3A_1661 = tpu.memref_slice %arg7[%mul3A_547] : memref<1024xf32, #tpu.memory_space<hbm>> -> memref<64xf32, #tpu.memory_space<hbm>>
    tpu.enqueue_dma source(%arg14 : memref<64xf32, #tpu.memory_space<vmem>>) target(%dma_start3A_1661 : memref<64xf32, #tpu.memory_space<hbm>>) target_semaphore(%arg31 : memref<!tpu.dma_semaphore, #tpu.memory_space<semaphore_mem>>)
    %dma_wait3A_1662 = arith.constant 0 : i32
    %dma_wait3A_1663 = tpu.memref_slice %arg24[%dma_wait3A_1662] : memref<256xi32, #tpu.memory_space<vmem>> -> memref<64xi32, #tpu.memory_space<vmem>>
    %dma_wait3A_1664 = tpu.memref_slice %arg8[%add3A_656] : memref<4096xi32, #tpu.memory_space<hbm>> -> memref<64xi32, #tpu.memory_space<hbm>>
    %dma_wait3A_1665 = tpu.memref_slice %arg8[%add3A_656] : memref<4096xi32, #tpu.memory_space<hbm>> -> memref<64xi32, #tpu.memory_space<hbm>>
    %dma_wait3A_1666 = arith.constant 0 : i32
    %dma_wait3A_1667 = tpu.memref_slice %arg24[%dma_wait3A_1666] : memref<256xi32, #tpu.memory_space<vmem>> -> memref<64xi32, #tpu.memory_space<vmem>>
    tpu.wait_dma2 semaphore(%arg31 : memref<!tpu.dma_semaphore, #tpu.memory_space<semaphore_mem>>) src(%dma_wait3A_1667 : memref<64xi32, #tpu.memory_space<vmem>>) dst(%dma_wait3A_1665 : memref<64xi32, #tpu.memory_space<hbm>>)
    %dma_wait3A_1668 = arith.constant 64 : i32
    %dma_wait3A_1669 = tpu.memref_slice %arg24[%dma_wait3A_1668] : memref<256xi32, #tpu.memory_space<vmem>> -> memref<64xi32, #tpu.memory_space<vmem>>
    %dma_wait3A_1670 = tpu.memref_slice %arg8[%add3A_731] : memref<4096xi32, #tpu.memory_space<hbm>> -> memref<64xi32, #tpu.memory_space<hbm>>
    %dma_wait3A_1671 = tpu.memref_slice %arg8[%add3A_731] : memref<4096xi32, #tpu.memory_space<hbm>> -> memref<64xi32, #tpu.memory_space<hbm>>
    %dma_wait3A_1672 = arith.constant 64 : i32
    %dma_wait3A_1673 = tpu.memref_slice %arg24[%dma_wait3A_1672] : memref<256xi32, #tpu.memory_space<vmem>> -> memref<64xi32, #tpu.memory_space<vmem>>
    tpu.wait_dma2 semaphore(%arg31 : memref<!tpu.dma_semaphore, #tpu.memory_space<semaphore_mem>>) src(%dma_wait3A_1673 : memref<64xi32, #tpu.memory_space<vmem>>) dst(%dma_wait3A_1671 : memref<64xi32, #tpu.memory_space<hbm>>)
    %dma_wait3A_1674 = arith.constant 128 : i32
    %dma_wait3A_1675 = tpu.memref_slice %arg24[%dma_wait3A_1674] : memref<256xi32, #tpu.memory_space<vmem>> -> memref<64xi32, #tpu.memory_space<vmem>>
    %dma_wait3A_1676 = tpu.memref_slice %arg8[%add3A_806] : memref<4096xi32, #tpu.memory_space<hbm>> -> memref<64xi32, #tpu.memory_space<hbm>>
    %dma_wait3A_1677 = tpu.memref_slice %arg8[%add3A_806] : memref<4096xi32, #tpu.memory_space<hbm>> -> memref<64xi32, #tpu.memory_space<hbm>>
    %dma_wait3A_1678 = arith.constant 128 : i32
    %dma_wait3A_1679 = tpu.memref_slice %arg24[%dma_wait3A_1678] : memref<256xi32, #tpu.memory_space<vmem>> -> memref<64xi32, #tpu.memory_space<vmem>>
    tpu.wait_dma2 semaphore(%arg31 : memref<!tpu.dma_semaphore, #tpu.memory_space<semaphore_mem>>) src(%dma_wait3A_1679 : memref<64xi32, #tpu.memory_space<vmem>>) dst(%dma_wait3A_1677 : memref<64xi32, #tpu.memory_space<hbm>>)
    %dma_wait3A_1680 = arith.constant 192 : i32
    %dma_wait3A_1681 = tpu.memref_slice %arg24[%dma_wait3A_1680] : memref<256xi32, #tpu.memory_space<vmem>> -> memref<64xi32, #tpu.memory_space<vmem>>
    %dma_wait3A_1682 = tpu.memref_slice %arg8[%add3A_881] : memref<4096xi32, #tpu.memory_space<hbm>> -> memref<64xi32, #tpu.memory_space<hbm>>
    %dma_wait3A_1683 = tpu.memref_slice %arg8[%add3A_881] : memref<4096xi32, #tpu.memory_space<hbm>> -> memref<64xi32, #tpu.memory_space<hbm>>
    %dma_wait3A_1684 = arith.constant 192 : i32
    %dma_wait3A_1685 = tpu.memref_slice %arg24[%dma_wait3A_1684] : memref<256xi32, #tpu.memory_space<vmem>> -> memref<64xi32, #tpu.memory_space<vmem>>
    tpu.wait_dma2 semaphore(%arg31 : memref<!tpu.dma_semaphore, #tpu.memory_space<semaphore_mem>>) src(%dma_wait3A_1685 : memref<64xi32, #tpu.memory_space<vmem>>) dst(%dma_wait3A_1683 : memref<64xi32, #tpu.memory_space<hbm>>)
    %dma_wait3A_1686 = arith.constant 0 : i32
    %dma_wait3A_1687 = tpu.memref_slice %arg25[%dma_wait3A_1686] : memref<640xi32, #tpu.memory_space<vmem>> -> memref<64xi32, #tpu.memory_space<vmem>>
    %dma_wait3A_1688 = tpu.memref_slice %arg9[%add3A_976] : memref<10240xi32, #tpu.memory_space<hbm>> -> memref<64xi32, #tpu.memory_space<hbm>>
    %dma_wait3A_1689 = tpu.memref_slice %arg9[%add3A_976] : memref<10240xi32, #tpu.memory_space<hbm>> -> memref<64xi32, #tpu.memory_space<hbm>>
    %dma_wait3A_1690 = arith.constant 0 : i32
    %dma_wait3A_1691 = tpu.memref_slice %arg25[%dma_wait3A_1690] : memref<640xi32, #tpu.memory_space<vmem>> -> memref<64xi32, #tpu.memory_space<vmem>>
    tpu.wait_dma2 semaphore(%arg31 : memref<!tpu.dma_semaphore, #tpu.memory_space<semaphore_mem>>) src(%dma_wait3A_1691 : memref<64xi32, #tpu.memory_space<vmem>>) dst(%dma_wait3A_1689 : memref<64xi32, #tpu.memory_space<hbm>>)
    %dma_wait3A_1692 = arith.constant 64 : i32
    %dma_wait3A_1693 = tpu.memref_slice %arg25[%dma_wait3A_1692] : memref<640xi32, #tpu.memory_space<vmem>> -> memref<64xi32, #tpu.memory_space<vmem>>
    %dma_wait3A_1694 = tpu.memref_slice %arg9[%add3A_1051] : memref<10240xi32, #tpu.memory_space<hbm>> -> memref<64xi32, #tpu.memory_space<hbm>>
    %dma_wait3A_1695 = tpu.memref_slice %arg9[%add3A_1051] : memref<10240xi32, #tpu.memory_space<hbm>> -> memref<64xi32, #tpu.memory_space<hbm>>
    %dma_wait3A_1696 = arith.constant 64 : i32
    %dma_wait3A_1697 = tpu.memref_slice %arg25[%dma_wait3A_1696] : memref<640xi32, #tpu.memory_space<vmem>> -> memref<64xi32, #tpu.memory_space<vmem>>
    tpu.wait_dma2 semaphore(%arg31 : memref<!tpu.dma_semaphore, #tpu.memory_space<semaphore_mem>>) src(%dma_wait3A_1697 : memref<64xi32, #tpu.memory_space<vmem>>) dst(%dma_wait3A_1695 : memref<64xi32, #tpu.memory_space<hbm>>)
    %dma_wait3A_1698 = arith.constant 128 : i32
    %dma_wait3A_1699 = tpu.memref_slice %arg25[%dma_wait3A_1698] : memref<640xi32, #tpu.memory_space<vmem>> -> memref<64xi32, #tpu.memory_space<vmem>>
    %dma_wait3A_1700 = tpu.memref_slice %arg9[%add3A_1126] : memref<10240xi32, #tpu.memory_space<hbm>> -> memref<64xi32, #tpu.memory_space<hbm>>
    %dma_wait3A_1701 = tpu.memref_slice %arg9[%add3A_1126] : memref<10240xi32, #tpu.memory_space<hbm>> -> memref<64xi32, #tpu.memory_space<hbm>>
    %dma_wait3A_1702 = arith.constant 128 : i32
    %dma_wait3A_1703 = tpu.memref_slice %arg25[%dma_wait3A_1702] : memref<640xi32, #tpu.memory_space<vmem>> -> memref<64xi32, #tpu.memory_space<vmem>>
    tpu.wait_dma2 semaphore(%arg31 : memref<!tpu.dma_semaphore, #tpu.memory_space<semaphore_mem>>) src(%dma_wait3A_1703 : memref<64xi32, #tpu.memory_space<vmem>>) dst(%dma_wait3A_1701 : memref<64xi32, #tpu.memory_space<hbm>>)
    %dma_wait3A_1704 = arith.constant 192 : i32
    %dma_wait3A_1705 = tpu.memref_slice %arg25[%dma_wait3A_1704] : memref<640xi32, #tpu.memory_space<vmem>> -> memref<64xi32, #tpu.memory_space<vmem>>
    %dma_wait3A_1706 = tpu.memref_slice %arg9[%add3A_1201] : memref<10240xi32, #tpu.memory_space<hbm>> -> memref<64xi32, #tpu.memory_space<hbm>>
    %dma_wait3A_1707 = tpu.memref_slice %arg9[%add3A_1201] : memref<10240xi32, #tpu.memory_space<hbm>> -> memref<64xi32, #tpu.memory_space<hbm>>
    %dma_wait3A_1708 = arith.constant 192 : i32
    %dma_wait3A_1709 = tpu.memref_slice %arg25[%dma_wait3A_1708] : memref<640xi32, #tpu.memory_space<vmem>> -> memref<64xi32, #tpu.memory_space<vmem>>
    tpu.wait_dma2 semaphore(%arg31 : memref<!tpu.dma_semaphore, #tpu.memory_space<semaphore_mem>>) src(%dma_wait3A_1709 : memref<64xi32, #tpu.memory_space<vmem>>) dst(%dma_wait3A_1707 : memref<64xi32, #tpu.memory_space<hbm>>)
    %dma_wait3A_1710 = arith.constant 256 : i32
    %dma_wait3A_1711 = tpu.memref_slice %arg25[%dma_wait3A_1710] : memref<640xi32, #tpu.memory_space<vmem>> -> memref<64xi32, #tpu.memory_space<vmem>>
    %dma_wait3A_1712 = tpu.memref_slice %arg9[%add3A_1276] : memref<10240xi32, #tpu.memory_space<hbm>> -> memref<64xi32, #tpu.memory_space<hbm>>
    %dma_wait3A_1713 = tpu.memref_slice %arg9[%add3A_1276] : memref<10240xi32, #tpu.memory_space<hbm>> -> memref<64xi32, #tpu.memory_space<hbm>>
    %dma_wait3A_1714 = arith.constant 256 : i32
    %dma_wait3A_1715 = tpu.memref_slice %arg25[%dma_wait3A_1714] : memref<640xi32, #tpu.memory_space<vmem>> -> memref<64xi32, #tpu.memory_space<vmem>>
    tpu.wait_dma2 semaphore(%arg31 : memref<!tpu.dma_semaphore, #tpu.memory_space<semaphore_mem>>) src(%dma_wait3A_1715 : memref<64xi32, #tpu.memory_space<vmem>>) dst(%dma_wait3A_1713 : memref<64xi32, #tpu.memory_space<hbm>>)
    %dma_wait3A_1716 = arith.constant 320 : i32
    %dma_wait3A_1717 = tpu.memref_slice %arg25[%dma_wait3A_1716] : memref<640xi32, #tpu.memory_space<vmem>> -> memref<64xi32, #tpu.memory_space<vmem>>
    %dma_wait3A_1718 = tpu.memref_slice %arg9[%add3A_1351] : memref<10240xi32, #tpu.memory_space<hbm>> -> memref<64xi32, #tpu.memory_space<hbm>>
    %dma_wait3A_1719 = tpu.memref_slice %arg9[%add3A_1351] : memref<10240xi32, #tpu.memory_space<hbm>> -> memref<64xi32, #tpu.memory_space<hbm>>
    %dma_wait3A_1720 = arith.constant 320 : i32
    %dma_wait3A_1721 = tpu.memref_slice %arg25[%dma_wait3A_1720] : memref<640xi32, #tpu.memory_space<vmem>> -> memref<64xi32, #tpu.memory_space<vmem>>
    tpu.wait_dma2 semaphore(%arg31 : memref<!tpu.dma_semaphore, #tpu.memory_space<semaphore_mem>>) src(%dma_wait3A_1721 : memref<64xi32, #tpu.memory_space<vmem>>) dst(%dma_wait3A_1719 : memref<64xi32, #tpu.memory_space<hbm>>)
    %dma_wait3A_1722 = arith.constant 384 : i32
    %dma_wait3A_1723 = tpu.memref_slice %arg25[%dma_wait3A_1722] : memref<640xi32, #tpu.memory_space<vmem>> -> memref<64xi32, #tpu.memory_space<vmem>>
    %dma_wait3A_1724 = tpu.memref_slice %arg9[%add3A_1426] : memref<10240xi32, #tpu.memory_space<hbm>> -> memref<64xi32, #tpu.memory_space<hbm>>
    %dma_wait3A_1725 = tpu.memref_slice %arg9[%add3A_1426] : memref<10240xi32, #tpu.memory_space<hbm>> -> memref<64xi32, #tpu.memory_space<hbm>>
    %dma_wait3A_1726 = arith.constant 384 : i32
    %dma_wait3A_1727 = tpu.memref_slice %arg25[%dma_wait3A_1726] : memref<640xi32, #tpu.memory_space<vmem>> -> memref<64xi32, #tpu.memory_space<vmem>>
    tpu.wait_dma2 semaphore(%arg31 : memref<!tpu.dma_semaphore, #tpu.memory_space<semaphore_mem>>) src(%dma_wait3A_1727 : memref<64xi32, #tpu.memory_space<vmem>>) dst(%dma_wait3A_1725 : memref<64xi32, #tpu.memory_space<hbm>>)
    %dma_wait3A_1728 = arith.constant 448 : i32
    %dma_wait3A_1729 = tpu.memref_slice %arg25[%dma_wait3A_1728] : memref<640xi32, #tpu.memory_space<vmem>> -> memref<64xi32, #tpu.memory_space<vmem>>
    %dma_wait3A_1730 = tpu.memref_slice %arg9[%add3A_1501] : memref<10240xi32, #tpu.memory_space<hbm>> -> memref<64xi32, #tpu.memory_space<hbm>>
    %dma_wait3A_1731 = tpu.memref_slice %arg9[%add3A_1501] : memref<10240xi32, #tpu.memory_space<hbm>> -> memref<64xi32, #tpu.memory_space<hbm>>
    %dma_wait3A_1732 = arith.constant 448 : i32
    %dma_wait3A_1733 = tpu.memref_slice %arg25[%dma_wait3A_1732] : memref<640xi32, #tpu.memory_space<vmem>> -> memref<64xi32, #tpu.memory_space<vmem>>
    tpu.wait_dma2 semaphore(%arg31 : memref<!tpu.dma_semaphore, #tpu.memory_space<semaphore_mem>>) src(%dma_wait3A_1733 : memref<64xi32, #tpu.memory_space<vmem>>) dst(%dma_wait3A_1731 : memref<64xi32, #tpu.memory_space<hbm>>)
    %dma_wait3A_1734 = arith.constant 512 : i32
    %dma_wait3A_1735 = tpu.memref_slice %arg25[%dma_wait3A_1734] : memref<640xi32, #tpu.memory_space<vmem>> -> memref<64xi32, #tpu.memory_space<vmem>>
    %dma_wait3A_1736 = tpu.memref_slice %arg9[%add3A_1576] : memref<10240xi32, #tpu.memory_space<hbm>> -> memref<64xi32, #tpu.memory_space<hbm>>
    %dma_wait3A_1737 = tpu.memref_slice %arg9[%add3A_1576] : memref<10240xi32, #tpu.memory_space<hbm>> -> memref<64xi32, #tpu.memory_space<hbm>>
    %dma_wait3A_1738 = arith.constant 512 : i32
    %dma_wait3A_1739 = tpu.memref_slice %arg25[%dma_wait3A_1738] : memref<640xi32, #tpu.memory_space<vmem>> -> memref<64xi32, #tpu.memory_space<vmem>>
    tpu.wait_dma2 semaphore(%arg31 : memref<!tpu.dma_semaphore, #tpu.memory_space<semaphore_mem>>) src(%dma_wait3A_1739 : memref<64xi32, #tpu.memory_space<vmem>>) dst(%dma_wait3A_1737 : memref<64xi32, #tpu.memory_space<hbm>>)
    %dma_wait3A_1740 = arith.constant 576 : i32
    %dma_wait3A_1741 = tpu.memref_slice %arg25[%dma_wait3A_1740] : memref<640xi32, #tpu.memory_space<vmem>> -> memref<64xi32, #tpu.memory_space<vmem>>
    %dma_wait3A_1742 = tpu.memref_slice %arg9[%add3A_1651] : memref<10240xi32, #tpu.memory_space<hbm>> -> memref<64xi32, #tpu.memory_space<hbm>>
    %dma_wait3A_1743 = tpu.memref_slice %arg9[%add3A_1651] : memref<10240xi32, #tpu.memory_space<hbm>> -> memref<64xi32, #tpu.memory_space<hbm>>
    %dma_wait3A_1744 = arith.constant 576 : i32
    %dma_wait3A_1745 = tpu.memref_slice %arg25[%dma_wait3A_1744] : memref<640xi32, #tpu.memory_space<vmem>> -> memref<64xi32, #tpu.memory_space<vmem>>
    tpu.wait_dma2 semaphore(%arg31 : memref<!tpu.dma_semaphore, #tpu.memory_space<semaphore_mem>>) src(%dma_wait3A_1745 : memref<64xi32, #tpu.memory_space<vmem>>) dst(%dma_wait3A_1743 : memref<64xi32, #tpu.memory_space<hbm>>)
    %dma_wait3A_1746 = tpu.memref_slice %arg7[%mul3A_547] : memref<1024xf32, #tpu.memory_space<hbm>> -> memref<64xf32, #tpu.memory_space<hbm>>
    %dma_wait3A_1747 = tpu.memref_slice %arg7[%mul3A_547] : memref<1024xf32, #tpu.memory_space<hbm>> -> memref<64xf32, #tpu.memory_space<hbm>>
    tpu.wait_dma2 semaphore(%arg31 : memref<!tpu.dma_semaphore, #tpu.memory_space<semaphore_mem>>) src(%arg14 : memref<64xf32, #tpu.memory_space<vmem>>) dst(%dma_wait3A_1747 : memref<64xf32, #tpu.memory_space<hbm>>)
    return
  }
}

</mosaic_0001>

<sc_bundles>
// kernel: kernel.3.cloned.1.call-start
scs
__scs_entry_jumppad:
0x0: {  	(pc) =	sbr.rel $0x88, $3  }
0x1: {  	(tag) =	ssettag $0x0;
	lr =	simm.s32 $0x1  }
0x2: {  	[smem:$0x3F9C] =	sst lr;
	_ =	strace $0xD0000000  }
0x3: {  	_ = 	snop  }
0x4: {  	_ = 	snop  }
0x5: {  	_ = 	snop  }
0x6: {  	_ = 	snop  }
0x7: {  	_ = 	snop  }
__scs_overlays_trampoline_lowered:
0x8: {  	[smem:$0x3FAB] =	sst s0  }
0x9: {  	[smem:$0x3FAC] =	sst s1  }
0xa: {  	[smem:$0x3FAD] =	sst s2  }
0xb: {  	[smem:$0x3FAE] =	sst s3  }
0xc: {  	[smem:$0x3FAF] =	sst s4  }
0xd: {  	[smem:$0x3FB0] =	sst s5  }
0xe: {  	[smem:$0x3FB1] =	sst s6  }
0xf: {  	[smem:$0x3FB2] =	sst s7  }
0x10: {  	[smem:$0x3FB3] =	sst s8  }
0x11: {  	[smem:$0x3FB4] =	sst s9;
	s0 =	simm.s32 @!p0 $0x0  }
0x12: {  	s1 =	sld [smem:$0x3F9A];
	s0 =	simm.s32 @p0 $0x1  }
0x13: {  	[smem:$0x3FB5] =	sst s0;
	s0 =	simm.s32 @!p1 $0x0  }
0x14: {  	s2 =	sld [smem:$0x3F99];
	s0 =	simm.s32 @p1 $0x1  }
0x15: {  	[smem:$0x3FB6] =	sst s0;
	s0 =	simm.s32 @!p2 $0x0  }
0x16: {  	s3 =	sld [smem:$0x3FDB];
	s0 =	simm.s32 @p2 $0x1  }
0x17: {  	s4 =	simm.s32 $0x1BF5;
	[smem:$0x3FB8] =	sst s0  }
0x18: {  	s0 =	sld [smem:$0x3F9B];
	_ =	swait.ge [sflag:s4], $0x0  }
0x19: {  	s7 =	sld [smem:$0x3F9C]  }
0x1a: {  	s8 =	sadd.s32 $0xFFFFE003, lr  }
0x1b: {  	s9 =	sadd.s32 $0xFFFFFEF7, lr;
	s5 =	simm.s32 $0xFFFFFFFF;
	p2 =	slt.u32 s8, $0xFFFFF086  }
0x1c: {  	p1 =	slt.u32 s9, $0xF7A;
	s5 =	simm.s32 @!p2 $0x0  }
0x1d: {  	s5 =	simm.s32 @p1 $0x1;
	p0 =	seq.s32 s7, s2  }
0x1e: {  	s7 =	smul.u32 @!p0 $0xF7A, s2;
	p2 =	seq.s32 @!p0 s5, $0x0  }
0x1f: {  	s9 =	smul.u32 $0xF7A, s1;
	s8 =	simm.s32 @!p0 $0x1BF5;
	p2 =	por !p2, p0  }
0x20: {  	[sflag:s8] =	ssyncset.s32 @!p0 $0xFFFFF086;
	s6 =	sadd.s32 @!p0 s3, s7;
	s7 =	simm.s32 @!p0 $0x108  }
0x21: {  	s3 =	sadd.s32 s3, s9;
	s6 =	sadd.s32 @!p0 $0x88, s6;
	s7 =	simm.s32 @p2 $0x1082  }
0x22: {  	[simem:s7], [sflag:s8] =	dma.local @!p0 [hbm:s6], $0xF7A  }
0x23: {  	s9 =	sor.u32 $0xD0000000, s2;
	s6 =	simm.s32 $0x108;
	_ =	swait.ge @!p0 [sflag:s8], $0x0  }
0x24: {  	s3 =	sadd.s32 $0x88, s3;
	s6 =	simm.s32 @!p1 $0x1082;
	[sflag:s4] =	ssyncset.s32 $0xFFFFF086  }
0x25: {  	[simem:s6], [sflag:s4] =	dma.local [hbm:s3], $0xF7A  }
0x26: {  	[smem:$0x3F9C] =	sst s1;
	(tag) =	ssettag s2;
	_ =	strace s9  }
0x27: {  	s1 =	sld [smem:$0x3FAC]  }
0x28: {  	s2 =	sld [smem:$0x3FAD]  }
0x29: {  	s4 =	sld [smem:$0x3FAF]  }
0x2a: {  	p0 =	seq.s32 s5, $0x0;
	s5 =	sld [smem:$0x3FB0]  }
0x2b: {  	s6 =	sld [smem:$0x3FB1]  }
0x2c: {  	s7 =	sld [smem:$0x3FB2]  }
0x2d: {  	s3 =	simm.s32 $0x108;
	s8 =	sld [smem:$0x3FB3]  }
0x2e: {  	s3 =	simm.s32 @!p0 $0x1082;
	s9 =	sld [smem:$0x3FB4]  }
0x2f: {  	lr =	sadd.s32 s0, s3;
	s0 =	sld [smem:$0x3FAB]  }
0x30: {  	s3 =	sld [smem:$0x3FAE]  }
0x31: {  	[smem:$0x3FB7] =	sst s10  }
0x32: {  	s10 =	sld [smem:$0x3FB5];
	_ =	sdelay $0x3  }
0x33: {  	p0 =	seq.s32 s10, $0x1;
	s10 =	sld [smem:$0x3FB7];
	_ =	sdelay $0x3  }
0x34: {  	[smem:$0x3FB7] =	sst s10  }
0x35: {  	s10 =	sld [smem:$0x3FB6];
	_ =	sdelay $0x3  }
0x36: {  	p1 =	seq.s32 s10, $0x1;
	s10 =	sld [smem:$0x3FB7];
	_ =	sdelay $0x3  }
0x37: {  	[smem:$0x3FB7] =	sst s10  }
0x38: {  	s10 =	sld [smem:$0x3FB8]  }
0x39: {  	_ = 	snop;
	(pc) =	sbr.ind lr, $3  }
0x3a: {  	_ = 	snop  }
0x3b: {  	_ = 	snop  }
0x3c: {  	p2 =	seq.s32 s10, $0x1;
	s10 =	sld [smem:$0x3FB7]  }
0x3d: {  	_ =	shalt  }
0x3e: {  	_ =	shalt  }
0x3f: {  	_ =	shalt  }
0x40: {  	_ =	shalt  }
0x41: {  	_ =	shalt  }
0x42: {  	_ =	shalt  }
0x43: {  	_ =	shalt  }
0x44: {  	_ =	shalt  }
0x45: {  	_ =	shalt  }
0x46: {  	_ =	shalt  }
0x47: {  	_ =	shalt  }
0x48: {  	_ =	shalt  }
0x49: {  	_ =	shalt  }
0x4a: {  	_ =	shalt  }
0x4b: {  	_ =	shalt  }
0x4c: {  	_ =	shalt  }
0x4d: {  	_ =	shalt  }
0x4e: {  	_ =	shalt  }
0x4f: {  	_ =	shalt  }
0x50: {  	_ =	shalt  }
0x51: {  	_ =	shalt  }
0x52: {  	_ =	shalt  }
0x53: {  	_ =	shalt  }
0x54: {  	_ =	shalt  }
0x55: {  	_ =	shalt  }
0x56: {  	_ =	shalt  }
0x57: {  	_ =	shalt  }
0x58: {  	_ =	shalt  }
0x59: {  	_ =	shalt  }
0x5a: {  	_ =	shalt  }
0x5b: {  	_ =	shalt  }
0x5c: {  	_ =	shalt  }
0x5d: {  	_ =	shalt  }
0x5e: {  	_ =	shalt  }
0x5f: {  	_ =	shalt  }
0x60: {  	_ =	shalt  }
0x61: {  	_ =	shalt  }
0x62: {  	_ =	shalt  }
0x63: {  	_ =	shalt  }
0x64: {  	_ =	shalt  }
0x65: {  	_ =	shalt  }
0x66: {  	_ =	shalt  }
0x67: {  	_ =	shalt  }
0x68: {  	_ =	shalt  }
0x69: {  	_ =	shalt  }
0x6a: {  	_ =	shalt  }
0x6b: {  	_ =	shalt  }
0x6c: {  	_ =	shalt  }
0x6d: {  	_ =	shalt  }
0x6e: {  	_ =	shalt  }
0x6f: {  	_ =	shalt  }
0x70: {  	_ =	shalt  }
0x71: {  	_ =	shalt  }
0x72: {  	_ =	shalt  }
0x73: {  	_ =	shalt  }
0x74: {  	_ =	shalt  }
0x75: {  	_ =	shalt  }
0x76: {  	_ =	shalt  }
0x77: {  	_ =	shalt  }
0x78: {  	_ =	shalt  }
0x79: {  	_ =	shalt  }
0x7a: {  	_ =	shalt  }
0x7b: {  	_ =	shalt  }
0x7c: {  	_ =	shalt  }
0x7d: {  	_ =	shalt  }
0x7e: {  	_ =	shalt  }
0x7f: {  	_ =	shalt  }
0x80: {  	_ =	shalt  }
0x81: {  	_ =	shalt  }
0x82: {  	_ =	shalt  }
0x83: {  	_ =	shalt  }
0x84: {  	_ =	shalt  }
0x85: {  	_ =	shalt  }
0x86: {  	_ =	shalt  }
0x87: {  	_ =	shalt  }
.Lfunc_end0:
.L_simem_size_0:
called_computation_lowered:
.L_overlay_start_0:
0x88: {  	s0 =	sld [smem:$0x3FD9]  }
0x89: {  	s1 =	sld [smem:$0x3FFE];
	_ =	sdelay $0x3  }
0x8a: {  	s0 =	sadd.s32 s1, s0  }
0x8b: {  	[smem:$0x3FC3] =	sst s0  }
0x8c: {  	_ = 	snop  }
0x8d: {  	s0 =	sld [smem:$0x3FD0];
	_ =	sdelay $0x2  }
0x8e: {  	s2 =	simm.s32 $0xA;
	s3 =	simm.s32 $0x10;
	s13 =	sld [smem:$0x3FC9]  }
0x8f: {  	[smem:s3], [sflag:s2] =	dma.local [hbm:s0], $0x1  }
0x90: {  	_ =	swait.eq [sflag:s2], $0x1  }
0x91: {  	s14 =	sld [smem:$0x10];
	[sflag:s2] =	ssyncset.done $0x0  }
0x92: {  	s15 =	sld [smem:$0x11];
	[sflag:s2] =	ssyncadd.s32 $0xFFFFFFFF  }
0x93: {  	s16 =	sld [smem:$0x12];
	(tm) =	ssettm $0x1  }
0x94: {  	s4 =	sld [smem:$0x3FFB];
	_ =	sdelay $0x3  }
0x95: {  	_ =	strace s4  }
0x96: {  	s4 =	sld [smem:$0x3FFC];
	_ =	sdelay $0x3  }
0x97: {  	_ =	strace s4  }
0x98: {  	s4 =	sld [smem:$0x3FFD];
	_ =	sdelay $0x3  }
0x99: {  	_ =	strace s4  }
0x9a: {  	_ =	strace $0x8FFFFFFF  }
0x9b: {  	s17 =	sld [smem:$0x3FDB];
	_ =	sdelay $0x1  }
0x9c: {  	s5 =	simm.s32 $_scs_section_size  }
0x9d: {  	s6 =	simm.s32 $_size__tile_overlayer_lowered;
	s7 =	simm.s32 $_tile_overlayer_lowered  }
0x9e: {  	s20 =	simm.s32 $0x1BFF;
	s19 =	sshll.u32 s7, $0x1;
	s4 =	sadd.s32 s5, s17  }
0x9f: {  	s8 =	simm.s32 $0x0;
	s18 =	sshll.u32 s6, $0x1;
	s6 =	sadd.s32 s19, s4  }
0xa0: {  	[timem:s8], [sflag:s20] =	dma.local [hbm:s6], s18  }
0xa1: {  	_ =	swait.ge [sflag:s20], s18  }
0xa2: {  	s5 =	ssub.s32 $0x0, s18;
	[sflag:s20] =	ssyncset.done $0x0  }
0xa3: {  	[sflag:s20] =	ssyncadd.s32 s5;
	_ =	sdelay $0x1  }
0xa4: {  	s21 =	simm.s32 $0x1B8B  }
0xa5: {  	_ =	swait.ge [sflag:s21], $0x1  }
0xa6: {  	[sflag:s21] =	ssyncset.done $0x0  }
0xa7: {  	s23 =	simm.s32 $0x1B8E;
	s22 =	sld [smem:$0x3FFE];
	[sflag:s21] =	ssyncadd.s32 $0xFFFFFFFF  }
0xa8: {  	s24 =	simm.s32 $execute0_lowered;
	[smem:$0x3FD2] =	sst s23  }
0xa9: {  	s6 =	sshll.u32 s24, $0x1;
	_ =	strace $0x80000046;
	[dreg:$0x1] =	wrdreg $0xFFFFFFFF  }
0xaa: {  	s25 =	simm.s32 $_size_execute0_lowered;
	s4 =	sadd.s32 s4, s6;
	[dreg:$0x0] =	wrdreg $0x0  }
0xab: {  	s6 =	sshll.u32 s25, $0x1;
	[dreg:$0x2] =	wrdreg s4  }
0xac: {  	[dreg:$0x3] =	wrdreg s6  }
0xad: {  	[dreg:$0x4] =	wrdreg $0xC0  }
0xae: {  	_ =	task [dreg:s8], $0x5FFFF  }
0xaf: {  	[dreg:$0x1] =	wrdreg $0xFFFFFFFF  }
0xb0: {  	[dreg:$0x0] =	wrdreg $0x60  }
0xb1: {  	[dreg:$0x2] =	wrdreg s13  }
0xb2: {  	[dreg:$0x3] =	wrdreg s22  }
0xb3: {  	[dreg:$0x4] =	wrdreg s14  }
0xb4: {  	[dreg:$0x5] =	wrdreg s15  }
0xb5: {  	[dreg:$0x6] =	wrdreg s16  }
0xb6: {  	[dreg:$0x7] =	wrdreg $0x9  }
0xb7: {  	_ =	task.clear_ibuf [dreg:s8], $0x8FFFF;
	_ =	strace $0x90000046  }
0xb8: {  	s26 =	simm.s32 $0x9;
	_ =	strace $0x80000048  }
0xb9: {  	_ =	swait.ge [sflag:s26], $0x1  }
0xba: {  	[sflag:s26] =	ssyncadd.s32 $0xFFFFFFFF  }
0xbb: {  	_ =	strace $0x90000048  }
0xbc: {  	_ =	sfence  }
0xbd: {  	s28 =	sld [smem:$0x0];
	_ =	sdelay $0x1  }
0xbe: {  	s29 =	srdreg.scid  }
0xbf: {  	s30 =	sshll.u32 s29, $0xD;
	s31 =	sshrl.u32 s29, $0x2  }
0xc0: {  	s1 =	sand.u32 $0x1, s29;
	s2 =	sand.u32 $0x4000, s30;
	s0 =	sadd.s32 s31, s28  }
0xc1: {  	s1 =	sor.u32 s2, s1;
	s0 =	sshll.u32 s0, $0x11  }
0xc2: {  	s0 =	sor.u32 s0, s1  }
0xc3: {  	s0 =	sadd.s32 $0x8F2B, s0  }
0xc4: {  	[sflag:s0] =	ssyncadd.remote.s32 $0x1  }
0xc5: {  	_ =	sfence.sel $0xFFFF  }
0xc6: {  	[dreg:$0x0] =	wrdreg $0xFFFFFFFF;
	(pc) =	sbr.abs _section_cstart, $3  }
0xc7: {  	[dreg:$0x1] =	wrdreg $0xFFFFFFFF  }
0xc8: {  	_ =	task.clear_ibuf [dreg:s8], $0x2FFFF;
	_ =	strace $0x9FFFFFFF  }
0xc9: {  	(tm) =	ssettm $0x7FFFFFFF  }
tec
execute0_lowered:
.L_overlay_start_1:
0x0: {  	(tag) =	ssettag $0x1  }
0x1: {  	s9 =	rddreg [dreg:$0x0]  }
0x2: {  	s1 =	rddreg [dreg:$0x1]  }
0x3: {  	s22 =	rddreg [dreg:$0x2]  }
0x4: {  	s2 =	rddreg [dreg:$0x3]  }
0x5: {  	s3 =	rddreg [dreg:$0x4];
	s4 =	simm.s32 $0x0  }
0x6: {  	s10 =	stileid.u32;
	[smem:$0x7FF] =	sst s4  }
0x7: {  	s0 =	rddreg [dreg:$0x5];
	v0 =	vimm.f32 $6.400000000e+02;
	s28 =	sshrl.u32 s10, $0x1;
	_ =	strace $0x80000047  }
0x8: {  	s5 =	sshll.u32 s10, $0x6;
	s21 =	sadd.s32 $0x600, s1;
	s20 =	sadd.s32 $0x9200, s1;
	(erf) = vrcp.f32 v0  }
0x9: {  	s19 =	sadd.s32 $0x800, s1;
	s18 =	sadd.s32 $0x3000, s1;
	s31 =	sshll.u32 s10, $0x3  }
0xa: {  	s5 =	sand.u32 $0x40, s5;
	s6 =	sshll.u32 s28, $0x9;
	s4 =	sshll.u32 s28, $0x8  }
0xb: {  	p0 =	sgt.s32 s10, $0x7;
	s6 =	sor.u32 s5, s6;
	s29 =	sor.u32 s5, s4  }
0xc: {  	s1 =	sadd.s32 s22, s31;
	s6 =	sshrl.u32 s6, $0x3;
	s30 =	sshrl.u32 s29, $0x3  }
.Ltmp0:
0xd: {  	s17 =	sadd.s32 s2, s6;
	s13 =	sadd.s32 s3, s30;
	(pc) =	sbr.rel @p0 .LBB2_2-.Ltmp0, $4  }
0xe: {  	s16 =	sadd.s32 $0x10, s17;
	s15 =	sadd.s32 $0x20, s17;
	s14 =	sadd.s32 $0x30, s17  }
0xf: {  	s12 =	sadd.s32 $0x10, s13;
	s11 =	sadd.s32 $0x100, s13;
	s8 =	sadd.s32 $0x110, s13  }
0x10: {  	s7 =	sadd.s32 $0x200, s13;
	s6 =	sadd.s32 $0x210, s13;
	s5 =	sadd.s32 $0x300, s13  }
0x11: {  	s4 =	sadd.s32 $0x310, s13;
	s3 =	sadd.s32 $0x400, s13;
	s2 =	sadd.s32 $0x410, s13;
	v0 =	vpop (erf)  }
0x12: {  	p0 =	sgt.s32 s10, $0x3  }
0x13: {  	p1 =	sgt.s32 @p0 s10, $0x5  }
0x14: {  	p2 =	por !p1, !p0  }
0x15: {  	p4 =	seq.s32 @!p2 s10, $0x6  }
0x16: {  	v1 =	vlaneseq.u32;
	p3 =	por @p0 !p4, !p1  }
0x17: {  	v61 =	vadd.s32 $0x7FF, v1;
	p4 =	por @p0 p4, !p1;
	p5 =	por p3, !p0  }
0x18: {  	v15 =	vadd.s32 $0x7EF, v1;
	v16 =	vadd.s32 $0x7DF, v1;
	p6 =	por p4, !p0;
	v2 =	vlaneseq.u32 @!p5  }
0x19: {  	p4 =	por p1, !p0;
	v5 =	vlaneseq.u32 @!p6;
	v3 =	vadd.s32 @!p5 $0x97F, v2;
	v4 =	vadd.s32 @!p5 $0x96F, v2  }
0x1a: {  	p4 =	seq.s32 @!p4 s10, $0x4;
	v6 =	vadd.s32 @!p5 $0x95F, v2;
	v2 =	vadd.s32 @!p5 $0x94F, v2;
	v7 =	vadd.s32 @!p6 $0x9BF, v5  }
0x1b: {  	p3 =	por !p3, !p0;
	p5 =	por @p0 !p4, p1;
	v8 =	vadd.s32 @!p6 $0x9AF, v5;
	v9 =	vadd.s32 @!p6 $0x99F, v5;
	v5 =	vadd.s32 @!p6 $0x98F, v5  }
0x1c: {  	v1 =	vadd.s32 $0x7CF, v1;
	p1 =	por @p0 p4, p1;
	p6 =	por p5, !p0;
	v2 =	vpsel p3, v2, v5;
	v5 =	vpsel p3, v6, v9  }
0x1d: {  	v4 =	vpsel p3, v4, v8;
	v3 =	vpsel p3, v3, v7;
	p4 =	por p1, !p0;
	v6 =	vlaneseq.u32 @!p6  }
0x1e: {  	p3 =	sgt.s32 @!p0 s10, $0x1;
	v10 =	vlaneseq.u32 @!p4;
	v7 =	vadd.s32 @!p6 $0x8FF, v6;
	v8 =	vadd.s32 @!p6 $0x8EF, v6  }
0x1f: {  	p1 =	por !p3, p0;
	v9 =	vadd.s32 @!p6 $0x8DF, v6;
	v6 =	vadd.s32 @!p6 $0x8CF, v6;
	v11 =	vadd.s32 @!p4 $0x93F, v10  }
0x20: {  	p5 =	por !p5, !p0;
	v12 =	vadd.s32 @!p4 $0x90F, v10;
	p6 =	seq.s32 @!p1 s10, $0x2;
	v13 =	vadd.s32 @!p4 $0x92F, v10;
	v10 =	vadd.s32 @!p4 $0x91F, v10  }
0x21: {  	v6 =	vpsel p5, v6, v12;
	p4 =	por @!p0 !p6, !p3;
	v9 =	vpsel p5, v9, v10;
	v8 =	vpsel p5, v8, v13  }
0x22: {  	v7 =	vpsel p5, v7, v11;
	p6 =	por @!p0 p6, !p3;
	p5 =	por p4, p0;
	v2 =	vpsel p2, v6, v2;
	v5 =	vpsel p2, v9, v5  }
0x23: {  	v4 =	vpsel p2, v8, v4;
	v7 =	vpsel p2, v7, v3;
	p6 =	por p6, p0;
	p2 =	por p3, p0;
	v6 =	vlaneseq.u32 @!p5  }
0x24: {  	v10 =	vlaneseq.u32 @!p6;
	p2 =	seq.s32 @!p2 s10, $0x0;
	v3 =	vadd.s32 @!p5 $0x87F, v6;
	v8 =	vadd.s32 @!p5 $0x86F, v6  }
0x25: {  	v9 =	vadd.s32 @!p5 $0x85F, v6;
	v6 =	vadd.s32 @!p5 $0x84F, v6;
	v12 =	vadd.s32 @!p6 $0x8BF, v10;
	p5 =	por @!p0 p2, p3  }
0x26: {  	p4 =	por !p4, p0;
	v13 =	vadd.s32 @!p6 $0x8AF, v10;
	v14 =	vadd.s32 @!p6 $0x89F, v10;
	v10 =	vadd.s32 @!p6 $0x88F, v10;
	p5 =	por p5, p0  }
0x27: {  	v6 =	vpsel p4, v6, v10;
	v9 =	vpsel p4, v9, v14;
	v10 =	vlaneseq.u32 @!p5  }
0x28: {  	p2 =	por @!p0 !p2, p3;
	v8 =	vpsel p4, v8, v13;
	v3 =	vpsel p4, v3, v12;
	v12 =	vadd.s32 @!p5 $0x83F, v10  }
.Ltmp1:
0x29: {  	p2 =	por !p2, p0;
	v13 =	vadd.s32 @!p5 $0x82F, v10;
	v14 =	vadd.s32 @!p5 $0x81F, v10;
	v10 =	vadd.s32 @!p5 $0x80F, v10;
	(pc) =	sbr.rel .LBB2_5-.Ltmp1, $4  }
0x2a: {  	v1 =	vpsel p2, v1, v10;
	v62 =	vpsel p2, v16, v14;
	v13 =	vpsel p2, v15, v13  }
0x2b: {  	v11 =	vpsel p2, v61, v12;
	v1 =	vpsel p1, v1, v6;
	v6 =	vpsel p1, v62, v9  }
0x2c: {  	v8 =	vpsel p1, v13, v8;
	v63 =	vpsel p1, v11, v3;
	v1 =	vpsel p0, v2, v1  }
0x2d: {  	v2 =	vpsel p0, v5, v6;
	v3 =	vpsel p0, v4, v8;
	v4 =	vpsel p0, v7, v63  }
.LBB2_2:
0x2e: {  	p0 =	sgt.s32 s10, $0xB  }
.Ltmp2:
0x2f: {  	_ = 	snop;
	(pc) =	sbr.rel @p0 .LBB2_4-.Ltmp2, $1  }
0x30: {  	_ =	sdelay $0x3  }
0x31: {  	p0 =	sgt.s32 s10, $0x9  }
0x32: {  	p2 =	seq.s32 @p0 s10, $0xA  }
0x33: {  	p1 =	por !p2, !p0;
	p2 =	por p2, !p0  }
0x34: {  	v1 =	vlaneseq.u32 @!p1;
	v5 =	vlaneseq.u32 @!p2  }
0x35: {  	v2 =	vadd.s32 @!p1 $0xA7F, v1;
	v3 =	vadd.s32 @!p1 $0xA6F, v1;
	v4 =	vadd.s32 @!p1 $0xA5F, v1  }
0x36: {  	p3 =	seq.s32 @!p0 s10, $0x8;
	v1 =	vadd.s32 @!p1 $0xA4F, v1;
	v6 =	vadd.s32 @!p2 $0xABF, v5;
	v7 =	vadd.s32 @!p2 $0xA8F, v5  }
0x37: {  	v8 =	vadd.s32 @!p2 $0xAAF, v5;
	v5 =	vadd.s32 @!p2 $0xA9F, v5;
	p2 =	por !p3, p0;
	v1 =	vpsel p1, v7, v1  }
0x38: {  	v4 =	vpsel p1, v5, v4;
	v3 =	vpsel p1, v8, v3;
	v5 =	vlaneseq.u32 @!p2  }
0x39: {  	v6 =	vpsel p1, v6, v2;
	p1 =	por p3, p0;
	v2 =	vadd.s32 @!p2 $0x9FF, v5;
	v7 =	vadd.s32 @!p2 $0x9EF, v5  }
.Ltmp3:
0x3a: {  	v8 =	vadd.s32 @!p2 $0x9DF, v5;
	v5 =	vadd.s32 @!p2 $0x9CF, v5;
	v9 =	vlaneseq.u32 @!p1;
	(pc) =	sbr.rel .LBB2_5-.Ltmp3, $4  }
0x3b: {  	v10 =	vadd.s32 @!p1 $0xA3F, v9;
	v11 =	vadd.s32 @!p1 $0xA1F, v9;
	v12 =	vadd.s32 @!p1 $0xA0F, v9  }
0x3c: {  	v9 =	vadd.s32 @!p1 $0xA2F, v9;
	v5 =	vpsel p2, v12, v5;
	v8 =	vpsel p2, v11, v8  }
0x3d: {  	v7 =	vpsel p2, v9, v7;
	v63 =	vpsel p2, v10, v2;
	v1 =	vpsel p0, v1, v5  }
0x3e: {  	v2 =	vpsel p0, v4, v8;
	v3 =	vpsel p0, v3, v7;
	v4 =	vpsel p0, v6, v63  }
.LBB2_4:
0x3f: {  	p0 =	sgt.s32 s10, $0xD  }
0x40: {  	p1 =	seq.s32 @p0 s10, $0xE  }
0x41: {  	p2 =	por p1, !p0  }
0x42: {  	p1 =	por !p1, !p0;
	v1 =	vimm.s32 @!p2 $0xBB7;
	vm0 =	vcmask @!p2 $0x300  }
0x43: {  	v2 =	vlaneseq.u32 @!p1;
	v1 =	vsel @!p2 vm0, $0xBAF, v1;
	vm0 =	vcmask @!p2 $0x704  }
0x44: {  	v6 =	vlaneseq.u32 @!p2;
	v1 =	vsel @!p2 vm0, $0xBB0, v1;
	vm0 =	vcmask @!p2 $0xB08  }
0x45: {  	v3 =	vadd.s32 @!p1 $0xB7F, v2;
	v1 =	vsel @!p2 vm0, $0xBB1, v1;
	vm0 =	vcmask @!p2 $0xF0C  }
0x46: {  	v4 =	vadd.s32 @!p1 $0xB6F, v2;
	v1 =	vsel @!p2 vm0, $0xBB2, v1;
	vm0 =	vcmask @!p2 $0x1310  }
0x47: {  	v5 =	vadd.s32 @!p1 $0xB5F, v2;
	v1 =	vsel @!p2 vm0, $0xBB3, v1;
	vm0 =	vcmask @!p2 $0x1714  }
0x48: {  	v2 =	vadd.s32 @!p1 $0xB4F, v2;
	v1 =	vsel @!p2 vm0, $0xBB4, v1;
	vm0 =	vcmask @!p2 $0x1B18  }
0x49: {  	p3 =	seq.s32 @!p0 s10, $0xC;
	v7 =	vadd.s32 @!p2 $0xB8F, v6;
	v1 =	vsel @!p2 vm0, $0xBB5, v1;
	vm0 =	vcmask @!p2 $0x1F1C  }
0x4a: {  	v6 =	vadd.s32 @!p2 $0xB9F, v6;
	v2 =	vpsel p1, v7, v2;
	v1 =	vsel @!p2 vm0, $0xBB6, v1;
	p2 =	por !p3, p0  }
0x4b: {  	v5 =	vpsel p1, v6, v5;
	v4 =	vpsel p1, v1, v4;
	v1 =	vlaneseq.u32 @!p2  }
0x4c: {  	v6 =	vpsel p1, $0xBB7, v3;
	p1 =	por p3, p0;
	v3 =	vadd.s32 @!p2 $0xAFF, v1;
	v7 =	vadd.s32 @!p2 $0xAEF, v1  }
0x4d: {  	v8 =	vadd.s32 @!p2 $0xADF, v1;
	v1 =	vadd.s32 @!p2 $0xACF, v1;
	v9 =	vlaneseq.u32 @!p1  }
0x4e: {  	v10 =	vadd.s32 @!p1 $0xB3F, v9;
	v11 =	vadd.s32 @!p1 $0xB1F, v9;
	v12 =	vadd.s32 @!p1 $0xB0F, v9  }
0x4f: {  	v9 =	vadd.s32 @!p1 $0xB2F, v9;
	v1 =	vpsel p2, v12, v1;
	v8 =	vpsel p2, v11, v8  }
0x50: {  	v7 =	vpsel p2, v9, v7;
	v63 =	vpsel p2, v10, v3;
	v1 =	vpsel p0, v2, v1  }
0x51: {  	v2 =	vpsel p0, v5, v8;
	v3 =	vpsel p0, v4, v7;
	v4 =	vpsel p0, v6, v63  }
.LBB2_5:
0x52: {  	[tilespmem:$0x0] =	vst v1  }
0x53: {  	[tilespmem:$0x10] =	vst v2  }
0x54: {  	[tilespmem:$0x20] =	vst v3  }
0x55: {  	[tilespmem:$0x30] =	vst v4;
	v47 =	vimm.s32 $0x1  }
0x56: {  	v48 =	vimm.s32 $0x0;
	s23 =	simm.s32 $0x20;
	[tilespmem:$0x80] =	vst v47  }
0x57: {  	s22 =	simm.s32 $0x80;
	s24 =	simm.s32 $0x100;
	s26 =	simm.s32 $0x40;
	[tilespmem:$0x90] =	vst v48  }
0x58: {  	[tilespmem:s24], [sflag:$0x2] =	stream.indirect.gather [hbm4b:s9+s23], $0x1, s22, s23, $0xb8;
	[tilespmem:$0xD00] =	vst v63  }
0x59: {  	s28 =	simm.s32 $0x180;
	s29 =	simm.s32 $0x1;
	s9 =	simm.s32 $0x0  }
0x5a: {  	[tilespmem:s28], [sflag:$0x1] =	stream.indirect.gather [hbm4b:s21+s26], $0x1, s9, s26, $0xb8;
	[tilespmem:$0xD00] =	vst v63  }
0x5b: {  	_ =	swait.ge [sflag:s29], $0x40  }
0x5c: {  	[sflag:s29] =	ssyncset.done $0x0  }
0x5d: {  	p0 =	sne.s32 s10, $0x0;
	[sflag:s29] =	ssyncadd.s32 $0xFFFFFFC0  }
0x5e: {  	v1 =	vld @!p0 [tilespmem:$0x180];
	_ =	sdelay $0x2  }
0x5f: {  	v2 =	vlaneseq.u32 @!p0  }
0x60: {  	vm0 =	veq.s32 @!p0 v2, $0x0  }
0x61: {  	v1 =	vsel @!p0 vm0, $0x0, v1  }
0x62: {  	s10 =	simm.s32 $0x200;
	[tilespmem:$0x180] =	vst @!p0 v1  }
0x63: {  	[tilespmem:s10], [sflag:$0x3] =	stream.indirect.gather [hbm4b:s20+s26], $0x1, s28, s26, $0xb8;
	[tilespmem:$0xD00] =	vst v63  }
0x64: {  	v1 =	vld [tilespmem:$0x180]  }
0x65: {  	v49 =	vld [tilespmem:$0x190]  }
0x66: {  	v50 =	vld [tilespmem:$0x1A0]  }
0x67: {  	v51 =	vld [tilespmem:$0x1B0];
	_ =	sdelay $0x1  }
0x68: {  	[tilespmem:$0x2C0] =	vst v1  }
0x69: {  	[tilespmem:$0x2D0] =	vst v49  }
0x6a: {  	[tilespmem:$0x2E0] =	vst v50  }
0x6b: {  	v5 =	vadd.s32 $0x4E20, v1;
	[tilespmem:$0x2F0] =	vst v51  }
0x6c: {  	v6 =	vadd.s32 $0x4E20, v49;
	[tilespmem:$0x280] =	vst v5  }
0x6d: {  	v7 =	vadd.s32 $0x4E20, v50;
	[tilespmem:$0x290] =	vst v6  }
0x6e: {  	v8 =	vadd.s32 $0x4E20, v51;
	[tilespmem:$0x2A0] =	vst v7  }
0x6f: {  	v9 =	vadd.s32 $0xEA60, v1;
	[tilespmem:$0x2B0] =	vst v8  }
0x70: {  	v10 =	vadd.s32 $0xEA60, v49;
	[tilespmem:$0x300] =	vst v9  }
0x71: {  	v11 =	vadd.s32 $0xEA60, v50;
	[tilespmem:$0x310] =	vst v10  }
0x72: {  	v12 =	vadd.s32 $0xEA60, v51;
	[tilespmem:$0x320] =	vst v11  }
0x73: {  	v13 =	vadd.s32 $0x9C40, v1;
	[tilespmem:$0x330] =	vst v12  }
0x74: {  	v14 =	vadd.s32 $0x9C40, v49;
	[tilespmem:$0x340] =	vst v13  }
0x75: {  	v15 =	vadd.s32 $0x9C40, v50;
	[tilespmem:$0x350] =	vst v14  }
0x76: {  	v16 =	vadd.s32 $0x9C40, v51;
	[tilespmem:$0x360] =	vst v15  }
0x77: {  	s30 =	simm.s32 $0x280;
	s31 =	simm.s32 $0x600;
	[tilespmem:$0x370] =	vst v16  }
0x78: {  	[tilespmem:s31], [sflag:$0x4] =	stream.indirect.gather [hbm4b:s19+s22], $0x1, s30, s22, $0xb8;
	[tilespmem:$0xD00] =	vst v63  }
0x79: {  	s23 =	simm.s32 $0x300;
	s24 =	simm.s32 $0x680  }
0x7a: {  	[tilespmem:s24], [sflag:$0x4] =	stream.indirect.gather [hbm4b:s19+s22], $0x1, s23, s22, $0xb8;
	[tilespmem:$0xD00] =	vst v63  }
0x7b: {  	[tilespmem:$0x380] =	vst v1  }
0x7c: {  	[tilespmem:$0x390] =	vst v49  }
0x7d: {  	[tilespmem:$0x3A0] =	vst v50  }
0x7e: {  	[tilespmem:$0x3B0] =	vst v51  }
0x7f: {  	[tilespmem:$0x3C0] =	vst v5  }
0x80: {  	[tilespmem:$0x3D0] =	vst v6  }
0x81: {  	[tilespmem:$0x3E0] =	vst v7  }
0x82: {  	[tilespmem:$0x3F0] =	vst v8  }
0x83: {  	[tilespmem:$0x400] =	vst v13  }
0x84: {  	[tilespmem:$0x410] =	vst v14  }
0x85: {  	[tilespmem:$0x420] =	vst v15  }
0x86: {  	[tilespmem:$0x430] =	vst v16  }
0x87: {  	[tilespmem:$0x440] =	vst v9  }
0x88: {  	[tilespmem:$0x450] =	vst v10  }
0x89: {  	[tilespmem:$0x460] =	vst v11  }
0x8a: {  	v52 =	vadd.s32 $0x13880, v1;
	[tilespmem:$0x470] =	vst v12  }
0x8b: {  	v53 =	vadd.s32 $0x13880, v49;
	[tilespmem:$0x480] =	vst v52  }
0x8c: {  	v54 =	vadd.s32 $0x13880, v50;
	[tilespmem:$0x490] =	vst v53  }
0x8d: {  	v55 =	vadd.s32 $0x13880, v51;
	[tilespmem:$0x4A0] =	vst v54  }
0x8e: {  	v56 =	vadd.s32 $0x186A0, v1;
	[tilespmem:$0x4B0] =	vst v55  }
0x8f: {  	v57 =	vadd.s32 $0x186A0, v49;
	[tilespmem:$0x4C0] =	vst v56  }
0x90: {  	v58 =	vadd.s32 $0x186A0, v50;
	[tilespmem:$0x4D0] =	vst v57  }
0x91: {  	v59 =	vadd.s32 $0x186A0, v51;
	[tilespmem:$0x4E0] =	vst v58  }
0x92: {  	v60 =	vadd.s32 $0x1D4C0, v1;
	[tilespmem:$0x4F0] =	vst v59  }
0x93: {  	v61 =	vadd.s32 $0x1D4C0, v49;
	[tilespmem:$0x500] =	vst v60  }
0x94: {  	v62 =	vadd.s32 $0x1D4C0, v50;
	[tilespmem:$0x510] =	vst v61  }
0x95: {  	v63 =	vadd.s32 $0x1D4C0, v51;
	[tilespmem:$0x520] =	vst v62  }
0x96: {  	v17 =	vadd.s32 $0x2BF20, v50;
	[tilespmem:$0x530] =	vst v63  }
0x97: {  	v18 =	vadd.s32 $0x2BF20, v51;
	[tilespmem:$0x5E0] =	vst v17  }
0x98: {  	v8 =	vadd.s32 $0x222E0, v1;
	[tilespmem:$0x5F0] =	vst v18  }
0x99: {  	v9 =	vadd.s32 $0x222E0, v49;
	[tilespmem:$0x540] =	vst v8  }
0x9a: {  	v10 =	vadd.s32 $0x222E0, v50;
	[tilespmem:$0x550] =	vst v9  }
0x9b: {  	v11 =	vadd.s32 $0x222E0, v51;
	[tilespmem:$0x560] =	vst v10  }
0x9c: {  	v12 =	vadd.s32 $0x27100, v1;
	[tilespmem:$0x570] =	vst v11  }
0x9d: {  	v13 =	vadd.s32 $0x27100, v49;
	[tilespmem:$0x580] =	vst v12  }
0x9e: {  	v14 =	vadd.s32 $0x27100, v50;
	[tilespmem:$0x590] =	vst v13  }
0x9f: {  	v15 =	vadd.s32 $0x27100, v51;
	[tilespmem:$0x5A0] =	vst v14  }
0xa0: {  	v1 =	vadd.s32 $0x2BF20, v1;
	[tilespmem:$0x5B0] =	vst v15  }
0xa1: {  	v16 =	vadd.s32 $0x2BF20, v49;
	[tilespmem:$0x5C0] =	vst v1  }
0xa2: {  	s25 =	simm.s32 $0x380;
	s26 =	simm.s32 $0x700;
	[tilespmem:$0x5D0] =	vst v16  }
0xa3: {  	[tilespmem:s26], [sflag:$0x5] =	stream.indirect.gather [hbm4b:s18+s22], $0x1, s25, s22, $0xb8;
	[tilespmem:$0xD00] =	vst v63  }
0xa4: {  	s29 =	simm.s32 $0x780;
	s28 =	simm.s32 $0x400  }
0xa5: {  	[tilespmem:s29], [sflag:$0x5] =	stream.indirect.gather [hbm4b:s18+s22], $0x1, s28, s22, $0xb8;
	[tilespmem:$0xD00] =	vst v63  }
0xa6: {  	s30 =	simm.s32 $0x480;
	s31 =	simm.s32 $0x800  }
0xa7: {  	[tilespmem:s31], [sflag:$0x5] =	stream.indirect.gather [hbm4b:s18+s22], $0x1, s30, s22, $0xb8;
	[tilespmem:$0xD00] =	vst v63  }
0xa8: {  	s21 =	simm.s32 $0x500;
	s23 =	simm.s32 $0x880  }
0xa9: {  	[tilespmem:s23], [sflag:$0x5] =	stream.indirect.gather [hbm4b:s18+s22], $0x1, s21, s22, $0xb8;
	[tilespmem:$0xD00] =	vst v63  }
0xaa: {  	s24 =	simm.s32 $0x580;
	s25 =	simm.s32 $0x900;
	s26 =	simm.s32 $0x2  }
0xab: {  	[tilespmem:s25], [sflag:$0x5] =	stream.indirect.gather [hbm4b:s18+s22], $0x1, s24, s22, $0xb8;
	[tilespmem:$0xD00] =	vst v63  }
0xac: {  	_ =	swait.ge [sflag:s26], $0x20  }
0xad: {  	[sflag:s26] =	ssyncset.done $0x0  }
0xae: {  	[sflag:s26] =	ssyncadd.s32 $0xFFFFFFE0  }
0xaf: {  	s28 =	simm.s32 $0x4;
	v19 =	vld [tilespmem:$0x100]  }
0xb0: {  	v20 =	vld [tilespmem:$0x110];
	_ =	swait.ge [sflag:s28], $0x80  }
0xb1: {  	[sflag:s28] =	ssyncset.done $0x0  }
0xb2: {  	[sflag:s28] =	ssyncadd.s32 $0xFFFFFF80  }
0xb3: {  	_ =	swait.ge [sflag:s28], $0x80  }
0xb4: {  	[sflag:s28] =	ssyncset.done $0x0  }
0xb5: {  	[sflag:s28] =	ssyncadd.s32 $0xFFFFFF80  }
0xb6: {  	v21 =	vld [tilespmem:$0x600]  }
0xb7: {  	v22 =	vld [tilespmem:$0x610]  }
0xb8: {  	v23 =	vld [tilespmem:$0x620]  }
0xb9: {  	v3 =	vcvt.s32.f32 v19;
	v1 =	vcvt.s32.f32 v20;
	v24 =	vld [tilespmem:$0x630];
	_ =	sdelay $0x1  }
0xba: {  	v2 =	vmax.f32 v3, v1  }
0xbb: {  	v4 =	vmul.f32 v21, v2  }
0xbc: {  	v5 =	vmul.f32 v22, v2;
	v6 =	vmul.f32 v23, v2  }
0xbd: {  	v7 =	vmul.f32 v24, v2;
	v4 =	vmul.f32 v4, v0  }
0xbe: {  	v5 =	vmul.f32 v5, v0;
	v6 =	vmul.f32 v6, v0  }
0xbf: {  	v7 =	vmul.f32 v7, v0;
	v4 =	vmax.f32 v4, $0.0e+00  }
0xc0: {  	v5 =	vmax.f32 v5, $0.0e+00;
	v6 =	vmax.f32 v6, $0.0e+00;
	v4 =	vmin.f32 v3, v4  }
0xc1: {  	v7 =	vmax.f32 v7, $0.0e+00;
	v5 =	vmin.f32 v3, v5;
	v4 =	vtrunc.f32 v4  }
0xc2: {  	v6 =	vmin.f32 v3, v6;
	v5 =	vtrunc.f32 v5;
	v4 =	vcvt.f32.s32 v4  }
0xc3: {  	v7 =	vmin.f32 v3, v7;
	v6 =	vtrunc.f32 v6;
	v5 =	vcvt.f32.s32 v5  }
0xc4: {  	v26 =	vtrunc.f32 v7;
	v25 =	vcvt.f32.s32 v6;
	[tilespmem:$0x980] =	vst v4  }
0xc5: {  	v27 =	vcvt.f32.s32 v26;
	[tilespmem:$0x990] =	vst v5  }
0xc6: {  	[tilespmem:$0x9A0] =	vst v25  }
0xc7: {  	s29 =	simm.s32 $0x980;
	[tilespmem:$0x9B0] =	vst v27  }
0xc8: {  	[hbm4b:s17+s9] =	stream.linear.scatter [tilespmem:s29], [sflag:$0x6], $0x40, $0x38;
	[tilespmem:$0xD00] =	vst v63  }
0xc9: {  	v28 =	vld [tilespmem:$0x640]  }
0xca: {  	v29 =	vld [tilespmem:$0x650]  }
0xcb: {  	v30 =	vld [tilespmem:$0x660]  }
0xcc: {  	v31 =	vld [tilespmem:$0x670];
	_ =	sdelay $0x2  }
0xcd: {  	v4 =	vmul.f32 v28, v2  }
0xce: {  	v5 =	vmul.f32 v29, v2;
	v6 =	vmul.f32 v30, v2  }
0xcf: {  	v7 =	vmul.f32 v31, v2;
	v4 =	vmul.f32 v4, v0  }
0xd0: {  	v5 =	vmul.f32 v5, v0;
	v6 =	vmul.f32 v6, v0  }
0xd1: {  	v7 =	vmul.f32 v7, v0;
	v4 =	vmax.f32 v4, $0.0e+00  }
0xd2: {  	v5 =	vmax.f32 v5, $0.0e+00;
	v6 =	vmax.f32 v6, $0.0e+00;
	v4 =	vmin.f32 v1, v4  }
0xd3: {  	v7 =	vmax.f32 v7, $0.0e+00;
	v5 =	vmin.f32 v1, v5;
	v4 =	vtrunc.f32 v4  }
0xd4: {  	v6 =	vmin.f32 v1, v6;
	v5 =	vtrunc.f32 v5;
	v4 =	vcvt.f32.s32 v4  }
0xd5: {  	v7 =	vmin.f32 v1, v7;
	v6 =	vtrunc.f32 v6;
	v5 =	vcvt.f32.s32 v5  }
0xd6: {  	v33 =	vtrunc.f32 v7;
	v32 =	vcvt.f32.s32 v6;
	[tilespmem:$0x9C0] =	vst v4  }
0xd7: {  	v34 =	vcvt.f32.s32 v33;
	[tilespmem:$0x9D0] =	vst v5  }
0xd8: {  	[tilespmem:$0x9E0] =	vst v32  }
0xd9: {  	s30 =	simm.s32 $0x9C0;
	[tilespmem:$0x9F0] =	vst v34  }
0xda: {  	[hbm4b:s16+s9] =	stream.linear.scatter [tilespmem:s30], [sflag:$0x6], $0x40, $0x38;
	[tilespmem:$0xD00] =	vst v63  }
0xdb: {  	v35 =	vld [tilespmem:$0x680]  }
0xdc: {  	v36 =	vld [tilespmem:$0x690]  }
0xdd: {  	v37 =	vld [tilespmem:$0x6A0]  }
0xde: {  	v38 =	vld [tilespmem:$0x6B0];
	_ =	sdelay $0x2  }
0xdf: {  	v4 =	vmul.f32 v35, v2  }
0xe0: {  	v5 =	vmul.f32 v36, v2;
	v6 =	vmul.f32 v37, v2  }
0xe1: {  	v7 =	vmul.f32 v38, v2;
	v4 =	vmul.f32 v4, v0  }
0xe2: {  	v5 =	vmul.f32 v5, v0;
	v6 =	vmul.f32 v6, v0  }
0xe3: {  	v7 =	vmul.f32 v7, v0;
	v4 =	vmax.f32 v4, $0.0e+00  }
0xe4: {  	v5 =	vmax.f32 v5, $0.0e+00;
	v6 =	vmax.f32 v6, $0.0e+00;
	v4 =	vmin.f32 v3, v4  }
0xe5: {  	v7 =	vmax.f32 v7, $0.0e+00;
	v5 =	vmin.f32 v3, v5;
	v4 =	vtrunc.f32 v4  }
0xe6: {  	v6 =	vmin.f32 v3, v6;
	v5 =	vtrunc.f32 v5;
	v4 =	vcvt.f32.s32 v4  }
0xe7: {  	v7 =	vmin.f32 v3, v7;
	v6 =	vtrunc.f32 v6;
	v5 =	vcvt.f32.s32 v5  }
0xe8: {  	v40 =	vtrunc.f32 v7;
	v39 =	vcvt.f32.s32 v6;
	[tilespmem:$0xA00] =	vst v4  }
0xe9: {  	v41 =	vcvt.f32.s32 v40;
	[tilespmem:$0xA10] =	vst v5  }
0xea: {  	[tilespmem:$0xA20] =	vst v39  }
0xeb: {  	s31 =	simm.s32 $0xA00;
	[tilespmem:$0xA30] =	vst v41  }
0xec: {  	[hbm4b:s15+s9] =	stream.linear.scatter [tilespmem:s31], [sflag:$0x6], $0x40, $0x38;
	[tilespmem:$0xD00] =	vst v63  }
0xed: {  	v42 =	vld [tilespmem:$0x6C0]  }
0xee: {  	v43 =	vld [tilespmem:$0x6D0]  }
0xef: {  	v44 =	vld [tilespmem:$0x6E0]  }
0xf0: {  	v45 =	vld [tilespmem:$0x6F0];
	_ =	sdelay $0x2  }
0xf1: {  	v4 =	vmul.f32 v42, v2  }
0xf2: {  	v5 =	vmul.f32 v43, v2;
	v6 =	vmul.f32 v44, v2  }
0xf3: {  	v7 =	vmul.f32 v45, v2;
	v4 =	vmul.f32 v4, v0  }
0xf4: {  	v5 =	vmul.f32 v5, v0;
	v6 =	vmul.f32 v6, v0  }
0xf5: {  	v7 =	vmul.f32 v7, v0;
	v4 =	vmax.f32 v4, $0.0e+00  }
0xf6: {  	v5 =	vmax.f32 v5, $0.0e+00;
	v6 =	vmax.f32 v6, $0.0e+00;
	v4 =	vmin.f32 v1, v4  }
0xf7: {  	v7 =	vmax.f32 v7, $0.0e+00;
	v5 =	vmin.f32 v1, v5;
	v4 =	vtrunc.f32 v4  }
0xf8: {  	v6 =	vmin.f32 v1, v6;
	v5 =	vtrunc.f32 v5;
	v4 =	vcvt.f32.s32 v4  }
0xf9: {  	v7 =	vmin.f32 v1, v7;
	v6 =	vtrunc.f32 v6;
	v5 =	vcvt.f32.s32 v5  }
0xfa: {  	v47 =	vtrunc.f32 v7;
	v46 =	vcvt.f32.s32 v6;
	[tilespmem:$0xA40] =	vst v4  }
0xfb: {  	v48 =	vcvt.f32.s32 v47;
	[tilespmem:$0xA50] =	vst v5  }
0xfc: {  	[tilespmem:$0xA60] =	vst v46  }
0xfd: {  	s18 =	simm.s32 $0x5;
	s17 =	simm.s32 $0xA40;
	[tilespmem:$0xA70] =	vst v48  }
0xfe: {  	[hbm4b:s14+s9] =	stream.linear.scatter [tilespmem:s17], [sflag:$0x6], $0x40, $0x38;
	[tilespmem:$0xD00] =	vst v63  }
0xff: {  	_ =	swait.ge [sflag:s18], $0x80  }
0x100: {  	[sflag:s18] =	ssyncset.done $0x0  }
0x101: {  	[sflag:s18] =	ssyncadd.s32 $0xFFFFFF80  }
0x102: {  	_ =	swait.ge [sflag:s18], $0x80  }
0x103: {  	[sflag:s18] =	ssyncset.done $0x0  }
0x104: {  	[sflag:s18] =	ssyncadd.s32 $0xFFFFFF80  }
0x105: {  	_ =	swait.ge [sflag:s18], $0x80  }
0x106: {  	[sflag:s18] =	ssyncset.done $0x0  }
0x107: {  	[sflag:s18] =	ssyncadd.s32 $0xFFFFFF80  }
0x108: {  	_ =	swait.ge [sflag:s18], $0x80  }
0x109: {  	[sflag:s18] =	ssyncset.done $0x0  }
0x10a: {  	[sflag:s18] =	ssyncadd.s32 $0xFFFFFF80  }
0x10b: {  	_ =	swait.ge [sflag:s18], $0x80  }
0x10c: {  	[sflag:s18] =	ssyncset.done $0x0  }
0x10d: {  	[sflag:s18] =	ssyncadd.s32 $0xFFFFFF80  }
0x10e: {  	v49 =	vld [tilespmem:$0x700]  }
0x10f: {  	v50 =	vld [tilespmem:$0x710]  }
0x110: {  	v51 =	vld [tilespmem:$0x720]  }
0x111: {  	v52 =	vld [tilespmem:$0x730];
	_ =	sdelay $0x2  }
0x112: {  	v4 =	vmul.f32 v49, v2  }
0x113: {  	v5 =	vmul.f32 v50, v2;
	v6 =	vmul.f32 v51, v2  }
0x114: {  	v7 =	vmul.f32 v52, v2;
	v4 =	vmul.f32 v4, v0  }
0x115: {  	v5 =	vmul.f32 v5, v0;
	v6 =	vmul.f32 v6, v0  }
0x116: {  	v7 =	vmul.f32 v7, v0;
	v4 =	vmax.f32 v4, $0.0e+00  }
0x117: {  	v5 =	vmax.f32 v5, $0.0e+00;
	v6 =	vmax.f32 v6, $0.0e+00;
	v4 =	vmin.f32 v3, v4  }
0x118: {  	v7 =	vmax.f32 v7, $0.0e+00;
	v5 =	vmin.f32 v3, v5;
	v4 =	vtrunc.f32 v4  }
0x119: {  	v6 =	vmin.f32 v3, v6;
	v5 =	vtrunc.f32 v5;
	v4 =	vcvt.f32.s32 v4  }
0x11a: {  	v7 =	vmin.f32 v3, v7;
	v6 =	vtrunc.f32 v6;
	v5 =	vcvt.f32.s32 v5  }
0x11b: {  	v54 =	vtrunc.f32 v7;
	v53 =	vcvt.f32.s32 v6;
	[tilespmem:$0xA80] =	vst v4  }
0x11c: {  	v55 =	vcvt.f32.s32 v54;
	[tilespmem:$0xA90] =	vst v5  }
0x11d: {  	[tilespmem:$0xAA0] =	vst v53  }
0x11e: {  	s19 =	simm.s32 $0xA80;
	[tilespmem:$0xAB0] =	vst v55  }
0x11f: {  	[hbm4b:s13+s9] =	stream.linear.scatter [tilespmem:s19], [sflag:$0x6], $0x40, $0x38;
	[tilespmem:$0xD00] =	vst v63  }
0x120: {  	v56 =	vld [tilespmem:$0x740]  }
0x121: {  	v57 =	vld [tilespmem:$0x750]  }
0x122: {  	v58 =	vld [tilespmem:$0x760]  }
0x123: {  	v59 =	vld [tilespmem:$0x770];
	_ =	sdelay $0x2  }
0x124: {  	v4 =	vmul.f32 v56, v2  }
0x125: {  	v5 =	vmul.f32 v57, v2;
	v6 =	vmul.f32 v58, v2  }
0x126: {  	v7 =	vmul.f32 v59, v2;
	v4 =	vmul.f32 v4, v0  }
0x127: {  	v5 =	vmul.f32 v5, v0;
	v6 =	vmul.f32 v6, v0  }
0x128: {  	v7 =	vmul.f32 v7, v0;
	v4 =	vmax.f32 v4, $0.0e+00  }
0x129: {  	v5 =	vmax.f32 v5, $0.0e+00;
	v6 =	vmax.f32 v6, $0.0e+00;
	v4 =	vmin.f32 v1, v4  }
0x12a: {  	v7 =	vmax.f32 v7, $0.0e+00;
	v5 =	vmin.f32 v1, v5;
	v4 =	vtrunc.f32 v4  }
0x12b: {  	v6 =	vmin.f32 v1, v6;
	v5 =	vtrunc.f32 v5;
	v4 =	vcvt.f32.s32 v4  }
0x12c: {  	v7 =	vmin.f32 v1, v7;
	v6 =	vtrunc.f32 v6;
	v5 =	vcvt.f32.s32 v5  }
0x12d: {  	v61 =	vtrunc.f32 v7;
	v60 =	vcvt.f32.s32 v6;
	[tilespmem:$0xAC0] =	vst v4  }
0x12e: {  	v62 =	vcvt.f32.s32 v61;
	[tilespmem:$0xAD0] =	vst v5  }
0x12f: {  	[tilespmem:$0xAE0] =	vst v60  }
0x130: {  	s20 =	simm.s32 $0xAC0;
	[tilespmem:$0xAF0] =	vst v62  }
0x131: {  	[hbm4b:s12+s9] =	stream.linear.scatter [tilespmem:s20], [sflag:$0x6], $0x40, $0x38;
	[tilespmem:$0xD00] =	vst v63  }
0x132: {  	v63 =	vld [tilespmem:$0x780]  }
0x133: {  	v9 =	vld [tilespmem:$0x790]  }
0x134: {  	v10 =	vld [tilespmem:$0x7A0]  }
0x135: {  	v11 =	vld [tilespmem:$0x7B0];
	_ =	sdelay $0x2  }
0x136: {  	v4 =	vmul.f32 v63, v2  }
0x137: {  	v5 =	vmul.f32 v9, v2;
	v6 =	vmul.f32 v10, v2  }
0x138: {  	v7 =	vmul.f32 v11, v2;
	v4 =	vmul.f32 v4, v0  }
0x139: {  	v5 =	vmul.f32 v5, v0;
	v6 =	vmul.f32 v6, v0  }
0x13a: {  	v7 =	vmul.f32 v7, v0;
	v4 =	vmax.f32 v4, $0.0e+00  }
0x13b: {  	v5 =	vmax.f32 v5, $0.0e+00;
	v6 =	vmax.f32 v6, $0.0e+00;
	v4 =	vmin.f32 v3, v4  }
0x13c: {  	v7 =	vmax.f32 v7, $0.0e+00;
	v5 =	vmin.f32 v3, v5;
	v4 =	vtrunc.f32 v4  }
0x13d: {  	v6 =	vmin.f32 v3, v6;
	v5 =	vtrunc.f32 v5;
	v4 =	vcvt.f32.s32 v4  }
0x13e: {  	v7 =	vmin.f32 v3, v7;
	v6 =	vtrunc.f32 v6;
	v5 =	vcvt.f32.s32 v5  }
0x13f: {  	v13 =	vtrunc.f32 v7;
	v12 =	vcvt.f32.s32 v6;
	[tilespmem:$0xB00] =	vst v4  }
0x140: {  	v14 =	vcvt.f32.s32 v13;
	[tilespmem:$0xB10] =	vst v5  }
0x141: {  	[tilespmem:$0xB20] =	vst v12  }
0x142: {  	s21 =	simm.s32 $0xB00;
	[tilespmem:$0xB30] =	vst v14  }
0x143: {  	[hbm4b:s11+s9] =	stream.linear.scatter [tilespmem:s21], [sflag:$0x6], $0x40, $0x38;
	[tilespmem:$0xD00] =	vst v63  }
0x144: {  	v15 =	vld [tilespmem:$0x7C0]  }
0x145: {  	v16 =	vld [tilespmem:$0x7D0]  }
0x146: {  	v17 =	vld [tilespmem:$0x7E0]  }
0x147: {  	v18 =	vld [tilespmem:$0x7F0];
	_ =	sdelay $0x2  }
0x148: {  	v4 =	vmul.f32 v15, v2  }
0x149: {  	v5 =	vmul.f32 v16, v2;
	v6 =	vmul.f32 v17, v2  }
0x14a: {  	v7 =	vmul.f32 v18, v2;
	v4 =	vmul.f32 v4, v0  }
0x14b: {  	v5 =	vmul.f32 v5, v0;
	v6 =	vmul.f32 v6, v0  }
0x14c: {  	v7 =	vmul.f32 v7, v0;
	v4 =	vmax.f32 v4, $0.0e+00  }
0x14d: {  	v5 =	vmax.f32 v5, $0.0e+00;
	v6 =	vmax.f32 v6, $0.0e+00;
	v4 =	vmin.f32 v1, v4  }
0x14e: {  	v7 =	vmax.f32 v7, $0.0e+00;
	v5 =	vmin.f32 v1, v5;
	v4 =	vtrunc.f32 v4  }
0x14f: {  	v6 =	vmin.f32 v1, v6;
	v5 =	vtrunc.f32 v5;
	v4 =	vcvt.f32.s32 v4  }
0x150: {  	v7 =	vmin.f32 v1, v7;
	v6 =	vtrunc.f32 v6;
	v5 =	vcvt.f32.s32 v5  }
0x151: {  	v20 =	vtrunc.f32 v7;
	v19 =	vcvt.f32.s32 v6;
	[tilespmem:$0xB40] =	vst v4  }
0x152: {  	v21 =	vcvt.f32.s32 v20;
	[tilespmem:$0xB50] =	vst v5  }
0x153: {  	[tilespmem:$0xB60] =	vst v19  }
0x154: {  	s22 =	simm.s32 $0xB40;
	[tilespmem:$0xB70] =	vst v21  }
0x155: {  	[hbm4b:s8+s9] =	stream.linear.scatter [tilespmem:s22], [sflag:$0x6], $0x40, $0x38;
	[tilespmem:$0xD00] =	vst v63  }
0x156: {  	v22 =	vld [tilespmem:$0x800]  }
0x157: {  	v23 =	vld [tilespmem:$0x810]  }
0x158: {  	v24 =	vld [tilespmem:$0x820]  }
0x159: {  	v25 =	vld [tilespmem:$0x830];
	_ =	sdelay $0x2  }
0x15a: {  	v4 =	vmul.f32 v22, v2  }
0x15b: {  	v5 =	vmul.f32 v23, v2;
	v6 =	vmul.f32 v24, v2  }
0x15c: {  	v7 =	vmul.f32 v25, v2;
	v4 =	vmul.f32 v4, v0  }
0x15d: {  	v5 =	vmul.f32 v5, v0;
	v6 =	vmul.f32 v6, v0  }
0x15e: {  	v7 =	vmul.f32 v7, v0;
	v4 =	vmax.f32 v4, $0.0e+00  }
0x15f: {  	v5 =	vmax.f32 v5, $0.0e+00;
	v6 =	vmax.f32 v6, $0.0e+00;
	v4 =	vmin.f32 v3, v4  }
0x160: {  	v7 =	vmax.f32 v7, $0.0e+00;
	v5 =	vmin.f32 v3, v5;
	v4 =	vtrunc.f32 v4  }
0x161: {  	v6 =	vmin.f32 v3, v6;
	v5 =	vtrunc.f32 v5;
	v4 =	vcvt.f32.s32 v4  }
0x162: {  	v7 =	vmin.f32 v3, v7;
	v6 =	vtrunc.f32 v6;
	v5 =	vcvt.f32.s32 v5  }
0x163: {  	v27 =	vtrunc.f32 v7;
	v26 =	vcvt.f32.s32 v6;
	[tilespmem:$0xB80] =	vst v4  }
0x164: {  	v28 =	vcvt.f32.s32 v27;
	[tilespmem:$0xB90] =	vst v5  }
0x165: {  	[tilespmem:$0xBA0] =	vst v26  }
0x166: {  	s23 =	simm.s32 $0xB80;
	[tilespmem:$0xBB0] =	vst v28  }
0x167: {  	[hbm4b:s7+s9] =	stream.linear.scatter [tilespmem:s23], [sflag:$0x6], $0x40, $0x38;
	[tilespmem:$0xD00] =	vst v63  }
0x168: {  	v29 =	vld [tilespmem:$0x840]  }
0x169: {  	v30 =	vld [tilespmem:$0x850]  }
0x16a: {  	v31 =	vld [tilespmem:$0x860]  }
0x16b: {  	v32 =	vld [tilespmem:$0x870];
	_ =	sdelay $0x2  }
0x16c: {  	v4 =	vmul.f32 v29, v2  }
0x16d: {  	v5 =	vmul.f32 v30, v2;
	v6 =	vmul.f32 v31, v2  }
0x16e: {  	v7 =	vmul.f32 v32, v2;
	v4 =	vmul.f32 v4, v0  }
0x16f: {  	v5 =	vmul.f32 v5, v0;
	v6 =	vmul.f32 v6, v0  }
0x170: {  	v7 =	vmul.f32 v7, v0;
	v4 =	vmax.f32 v4, $0.0e+00  }
0x171: {  	v5 =	vmax.f32 v5, $0.0e+00;
	v6 =	vmax.f32 v6, $0.0e+00;
	v4 =	vmin.f32 v1, v4  }
0x172: {  	v7 =	vmax.f32 v7, $0.0e+00;
	v5 =	vmin.f32 v1, v5;
	v4 =	vtrunc.f32 v4  }
0x173: {  	v6 =	vmin.f32 v1, v6;
	v5 =	vtrunc.f32 v5;
	v4 =	vcvt.f32.s32 v4  }
0x174: {  	v7 =	vmin.f32 v1, v7;
	v6 =	vtrunc.f32 v6;
	v5 =	vcvt.f32.s32 v5  }
0x175: {  	v34 =	vtrunc.f32 v7;
	v33 =	vcvt.f32.s32 v6;
	[tilespmem:$0xBC0] =	vst v4  }
0x176: {  	v35 =	vcvt.f32.s32 v34;
	[tilespmem:$0xBD0] =	vst v5  }
0x177: {  	[tilespmem:$0xBE0] =	vst v33  }
0x178: {  	s24 =	simm.s32 $0xBC0;
	[tilespmem:$0xBF0] =	vst v35  }
0x179: {  	[hbm4b:s6+s9] =	stream.linear.scatter [tilespmem:s24], [sflag:$0x6], $0x40, $0x38;
	[tilespmem:$0xD00] =	vst v63  }
0x17a: {  	v36 =	vld [tilespmem:$0x880]  }
0x17b: {  	v37 =	vld [tilespmem:$0x890]  }
0x17c: {  	v38 =	vld [tilespmem:$0x8A0]  }
0x17d: {  	v39 =	vld [tilespmem:$0x8B0];
	_ =	sdelay $0x2  }
0x17e: {  	v4 =	vmul.f32 v36, v2  }
0x17f: {  	v5 =	vmul.f32 v37, v2;
	v6 =	vmul.f32 v38, v2  }
0x180: {  	v7 =	vmul.f32 v39, v2;
	v4 =	vmul.f32 v4, v0  }
0x181: {  	v5 =	vmul.f32 v5, v0;
	v6 =	vmul.f32 v6, v0  }
0x182: {  	v7 =	vmul.f32 v7, v0;
	v4 =	vmax.f32 v4, $0.0e+00  }
0x183: {  	v5 =	vmax.f32 v5, $0.0e+00;
	v6 =	vmax.f32 v6, $0.0e+00;
	v4 =	vmin.f32 v3, v4  }
0x184: {  	v7 =	vmax.f32 v7, $0.0e+00;
	v5 =	vmin.f32 v3, v5;
	v4 =	vtrunc.f32 v4  }
0x185: {  	v6 =	vmin.f32 v3, v6;
	v5 =	vtrunc.f32 v5;
	v4 =	vcvt.f32.s32 v4  }
0x186: {  	v7 =	vmin.f32 v3, v7;
	v6 =	vtrunc.f32 v6;
	v5 =	vcvt.f32.s32 v5  }
0x187: {  	v41 =	vtrunc.f32 v7;
	v40 =	vcvt.f32.s32 v6;
	[tilespmem:$0xC00] =	vst v4  }
0x188: {  	v42 =	vcvt.f32.s32 v41;
	[tilespmem:$0xC10] =	vst v5  }
0x189: {  	[tilespmem:$0xC20] =	vst v40  }
0x18a: {  	s25 =	simm.s32 $0xC00;
	[tilespmem:$0xC30] =	vst v42  }
0x18b: {  	[hbm4b:s5+s9] =	stream.linear.scatter [tilespmem:s25], [sflag:$0x6], $0x40, $0x38;
	[tilespmem:$0xD00] =	vst v63  }
0x18c: {  	v43 =	vld [tilespmem:$0x8C0]  }
0x18d: {  	v44 =	vld [tilespmem:$0x8D0]  }
0x18e: {  	v45 =	vld [tilespmem:$0x8E0]  }
0x18f: {  	v46 =	vld [tilespmem:$0x8F0];
	_ =	sdelay $0x2  }
0x190: {  	v4 =	vmul.f32 v43, v2  }
0x191: {  	v5 =	vmul.f32 v44, v2;
	v6 =	vmul.f32 v45, v2  }
0x192: {  	v7 =	vmul.f32 v46, v2;
	v4 =	vmul.f32 v4, v0  }
0x193: {  	v5 =	vmul.f32 v5, v0;
	v6 =	vmul.f32 v6, v0  }
0x194: {  	v7 =	vmul.f32 v7, v0;
	v4 =	vmax.f32 v4, $0.0e+00  }
0x195: {  	v5 =	vmax.f32 v5, $0.0e+00;
	v6 =	vmax.f32 v6, $0.0e+00;
	v4 =	vmin.f32 v1, v4  }
0x196: {  	v7 =	vmax.f32 v7, $0.0e+00;
	v5 =	vmin.f32 v1, v5;
	v4 =	vtrunc.f32 v4  }
0x197: {  	v6 =	vmin.f32 v1, v6;
	v5 =	vtrunc.f32 v5;
	v4 =	vcvt.f32.s32 v4  }
0x198: {  	v7 =	vmin.f32 v1, v7;
	v6 =	vtrunc.f32 v6;
	v5 =	vcvt.f32.s32 v5  }
0x199: {  	v48 =	vtrunc.f32 v7;
	v47 =	vcvt.f32.s32 v6;
	[tilespmem:$0xC40] =	vst v4  }
0x19a: {  	v49 =	vcvt.f32.s32 v48;
	[tilespmem:$0xC50] =	vst v5  }
0x19b: {  	[tilespmem:$0xC60] =	vst v47  }
0x19c: {  	s26 =	simm.s32 $0xC40;
	[tilespmem:$0xC70] =	vst v49  }
0x19d: {  	[hbm4b:s4+s9] =	stream.linear.scatter [tilespmem:s26], [sflag:$0x6], $0x40, $0x38;
	[tilespmem:$0xD00] =	vst v63  }
0x19e: {  	v50 =	vld [tilespmem:$0x900]  }
0x19f: {  	v51 =	vld [tilespmem:$0x910]  }
0x1a0: {  	v52 =	vld [tilespmem:$0x920]  }
0x1a1: {  	v53 =	vld [tilespmem:$0x930];
	_ =	sdelay $0x2  }
0x1a2: {  	v4 =	vmul.f32 v50, v2  }
0x1a3: {  	v5 =	vmul.f32 v51, v2;
	v6 =	vmul.f32 v52, v2  }
0x1a4: {  	v7 =	vmul.f32 v53, v2;
	v4 =	vmul.f32 v4, v0  }
0x1a5: {  	v5 =	vmul.f32 v5, v0;
	v6 =	vmul.f32 v6, v0  }
0x1a6: {  	v7 =	vmul.f32 v7, v0;
	v4 =	vmax.f32 v4, $0.0e+00  }
0x1a7: {  	v5 =	vmax.f32 v5, $0.0e+00;
	v6 =	vmax.f32 v6, $0.0e+00;
	v4 =	vmin.f32 v3, v4  }
0x1a8: {  	v7 =	vmax.f32 v7, $0.0e+00;
	v5 =	vmin.f32 v3, v5;
	v4 =	vtrunc.f32 v4  }
0x1a9: {  	v6 =	vmin.f32 v3, v6;
	v5 =	vtrunc.f32 v5;
	v4 =	vcvt.f32.s32 v4  }
0x1aa: {  	v3 =	vmin.f32 v3, v7;
	v6 =	vtrunc.f32 v6;
	v5 =	vcvt.f32.s32 v5  }
0x1ab: {  	v3 =	vtrunc.f32 v3;
	v54 =	vcvt.f32.s32 v6;
	[tilespmem:$0xC80] =	vst v4  }
0x1ac: {  	v3 =	vcvt.f32.s32 v3;
	[tilespmem:$0xC90] =	vst v5  }
0x1ad: {  	[tilespmem:$0xCA0] =	vst v54  }
0x1ae: {  	s28 =	simm.s32 $0xC80;
	[tilespmem:$0xCB0] =	vst v3  }
0x1af: {  	[hbm4b:s3+s9] =	stream.linear.scatter [tilespmem:s28], [sflag:$0x6], $0x40, $0x38;
	[tilespmem:$0xD00] =	vst v63  }
0x1b0: {  	v55 =	vld [tilespmem:$0x940]  }
0x1b1: {  	v56 =	vld [tilespmem:$0x950]  }
0x1b2: {  	v57 =	vld [tilespmem:$0x960]  }
0x1b3: {  	v58 =	vld [tilespmem:$0x970];
	_ =	sdelay $0x3  }
0x1b4: {  	v3 =	vmul.f32 v55, v2;
	v4 =	vmul.f32 v56, v2  }
0x1b5: {  	v5 =	vmul.f32 v57, v2;
	v2 =	vmul.f32 v58, v2  }
0x1b6: {  	v3 =	vmul.f32 v3, v0;
	v4 =	vmul.f32 v4, v0  }
0x1b7: {  	v5 =	vmul.f32 v5, v0;
	v59 =	vmul.f32 v2, v0  }
0x1b8: {  	v3 =	vmax.f32 v3, $0.0e+00;
	v4 =	vmax.f32 v4, $0.0e+00  }
0x1b9: {  	v62 =	vmax.f32 v5, $0.0e+00;
	v0 =	vmax.f32 v59, $0.0e+00;
	v3 =	vmin.f32 v1, v3  }
0x1ba: {  	v61 =	vmin.f32 v1, v4;
	v4 =	vmin.f32 v1, v62;
	v3 =	vtrunc.f32 v3  }
0x1bb: {  	v0 =	vmin.f32 v1, v0;
	v4 =	vtrunc.f32 v4;
	v60 =	vcvt.f32.s32 v3  }
0x1bc: {  	v0 =	vtrunc.f32 v0;
	v63 =	vcvt.f32.s32 v4  }
0x1bd: {  	v3 =	vtrunc.f32 v61;
	v0 =	vcvt.f32.s32 v0;
	[tilespmem:$0xCC0] =	vst v60  }
0x1be: {  	v3 =	vcvt.f32.s32 v3;
	[tilespmem:$0xCE0] =	vst v63  }
0x1bf: {  	[tilespmem:$0xCF0] =	vst v0  }
0x1c0: {  	s29 =	simm.s32 $0xCC0;
	s30 =	simm.s32 $0x3;
	[tilespmem:$0xCD0] =	vst v3  }
0x1c1: {  	[hbm4b:s2+s9] =	stream.linear.scatter [tilespmem:s29], [sflag:$0x6], $0x40, $0x38;
	[tilespmem:$0xD00] =	vst v63  }
0x1c2: {  	_ =	swait.ge [sflag:s30], $0x40  }
0x1c3: {  	[sflag:s30] =	ssyncset.done $0x0  }
0x1c4: {  	s31 =	simm.s32 $0x6;
	[sflag:s30] =	ssyncadd.s32 $0xFFFFFFC0  }
0x1c5: {  	[hbm4b:s1+s9] =	stream.linear.scatter [tilespmem:s10], [sflag:$0x6], $0x40, $0x38;
	[tilespmem:$0xD00] =	vst v63  }
0x1c6: {  	_ =	swait.ge [sflag:s31], $0x40  }
0x1c7: {  	[sflag:s31] =	ssyncset.done $0x0  }
0x1c8: {  	[sflag:s31] =	ssyncadd.s32 $0xFFFFFFC0  }
0x1c9: {  	_ =	swait.ge [sflag:s31], $0x40  }
0x1ca: {  	[sflag:s31] =	ssyncset.done $0x0  }
0x1cb: {  	[sflag:s31] =	ssyncadd.s32 $0xFFFFFFC0  }
0x1cc: {  	_ =	swait.ge [sflag:s31], $0x40  }
0x1cd: {  	[sflag:s31] =	ssyncset.done $0x0  }
0x1ce: {  	[sflag:s31] =	ssyncadd.s32 $0xFFFFFFC0  }
0x1cf: {  	_ =	swait.ge [sflag:s31], $0x40  }
0x1d0: {  	[sflag:s31] =	ssyncset.done $0x0  }
0x1d1: {  	[sflag:s31] =	ssyncadd.s32 $0xFFFFFFC0  }
0x1d2: {  	_ =	swait.ge [sflag:s31], $0x40  }
0x1d3: {  	[sflag:s31] =	ssyncset.done $0x0  }
0x1d4: {  	[sflag:s31] =	ssyncadd.s32 $0xFFFFFFC0  }
0x1d5: {  	_ =	swait.ge [sflag:s31], $0x40  }
0x1d6: {  	[sflag:s31] =	ssyncset.done $0x0  }
0x1d7: {  	[sflag:s31] =	ssyncadd.s32 $0xFFFFFFC0  }
0x1d8: {  	_ =	swait.ge [sflag:s31], $0x40  }
0x1d9: {  	[sflag:s31] =	ssyncset.done $0x0  }
0x1da: {  	[sflag:s31] =	ssyncadd.s32 $0xFFFFFFC0  }
0x1db: {  	_ =	swait.ge [sflag:s31], $0x40  }
0x1dc: {  	[sflag:s31] =	ssyncset.done $0x0  }
0x1dd: {  	[sflag:s31] =	ssyncadd.s32 $0xFFFFFFC0  }
0x1de: {  	_ =	swait.ge [sflag:s31], $0x40  }
0x1df: {  	[sflag:s31] =	ssyncset.done $0x0  }
0x1e0: {  	[sflag:s31] =	ssyncadd.s32 $0xFFFFFFC0  }
0x1e1: {  	_ =	swait.ge [sflag:s31], $0x40  }
0x1e2: {  	[sflag:s31] =	ssyncset.done $0x0  }
0x1e3: {  	[sflag:s31] =	ssyncadd.s32 $0xFFFFFFC0  }
0x1e4: {  	_ =	swait.ge [sflag:s31], $0x40  }
0x1e5: {  	[sflag:s31] =	ssyncset.done $0x0  }
0x1e6: {  	[sflag:s31] =	ssyncadd.s32 $0xFFFFFFC0  }
0x1e7: {  	_ =	swait.ge [sflag:s31], $0x40  }
0x1e8: {  	[sflag:s31] =	ssyncset.done $0x0  }
0x1e9: {  	[sflag:s31] =	ssyncadd.s32 $0xFFFFFFC0  }
0x1ea: {  	_ =	swait.ge [sflag:s31], $0x40  }
0x1eb: {  	[sflag:s31] =	ssyncset.done $0x0  }
0x1ec: {  	[sflag:s31] =	ssyncadd.s32 $0xFFFFFFC0  }
0x1ed: {  	_ =	swait.ge [sflag:s31], $0x40  }
0x1ee: {  	[sflag:s31] =	ssyncset.done $0x0  }
0x1ef: {  	[sflag:s31] =	ssyncadd.s32 $0xFFFFFFC0  }
0x1f0: {  	_ =	swait.ge [sflag:s31], $0x40  }
0x1f1: {  	[sflag:s31] =	ssyncset.done $0x0  }
0x1f2: {  	[sflag:s31] =	ssyncadd.s32 $0xFFFFFFC0  }
0x1f3: {  	_ =	sfence.sel $0x180000  }
0x1f4: {  	[bflag:$0x0] =	sbarrier.arrive $0xFFFF  }
0x1f5: {  	_ =	strace $0x90000047  }
0x1f6: {  	s0 =	sadd.s32 @!p0 $0x100000, s0;
	[bflag:$0x2] =	sbarrier.arrive $0xFFFF  }
0x1f7: {  	[sflag:s0] =	ssyncadd.tile.s32 @!p0 $0x1;
	_ =	shalt  }
.Lfunc_end2:
_tile_overlayer_lowered:
.L_overlay_start_2:
0x1f8: {  	(tag) =	ssettag $0x2  }
0x1f9: {  	s0 =	rddreg [dreg:$0x0];
	s2 =	stileid.u32  }
0x1fa: {  	s1 =	rddreg [dreg:$0x1];
	p0 =	sne.s32 s2, $0x0  }
0x1fb: {  	s3 =	rddreg [dreg:$0x2];
	[bflag:$0x3] =	sbarrier.arrive $0xFFFF;
	s2 =	simm.s32 @!p0 $0x1C07  }
0x1fc: {  	[timem:s3], [sflag:s2] =	dma.local @!p0 [hbm:s0], s1  }
0x1fd: {  	s0 =	simm.s32 @!p0 $0x7  }
0x1fe: {  	_ =	swait.ge @!p0 [sflag:s0], s1  }
0x1ff: {  	s1 =	ssub.s32 @!p0 $0x0, s1;
	[sflag:s0] =	ssyncset.done @!p0 $0x0  }
0x200: {  	[sflag:s0] =	ssyncadd.s32 @!p0 s1  }
0x201: {  	[bflag:$0x3] =	sbarrier.arrive $0xFFFF  }
0x202: {  	_ =	shalt  }

</sc_bundles>
